<compile_context>
chip_gen: v7x
topology: tpu7x:2x2x1
jax: 0.10.2.dev20260603
libtpu: 0.0.44.dev20260713+nightly
codegen_flags: <defaults>
</compile_context>

<pallas_src>
import functools

import jax
import jax.numpy as jnp
from jax import lax
from jax.experimental import pallas as pl
from jax.experimental.pallas import tpu as pltpu
from jax.experimental.pallas import tpu_sc as plsc

B = 16384
V = 100000
D = 64

NC = 2
NS = 16
NW = NC * NS

VBLK = 2048
NVB = -(-V // VBLK)
VP = NVB * VBLK
BPW = B // NW
IDX_CHUNK = 128
NCH = BPW // IDX_CHUNK
NSLOT = 13



def _prep_body(bagT, embT, out):
  out[:, 0:D] = bagT[...].T
  out[:, D:2 * D] = embT[...].T


def _prep(bagT, embT):
  return pl.pallas_call(
      _prep_body,
      grid=(NVB,),
      in_specs=[
          pl.BlockSpec((D, VBLK), lambda i: (0, i)),
          pl.BlockSpec((D, VBLK), lambda i: (0, i)),
      ],
      out_specs=pl.BlockSpec((VBLK, 2 * D), lambda i: (i, 0)),
      out_shape=jax.ShapeDtypeStruct((VP, 2 * D), jnp.float32),
  )(bagT, embT)



def _sc_gather_body(fused, idx_flat, out, *scratch):
  idx_bufs = scratch[:NSLOT]
  rows_v, sem = scratch[NSLOT:]
  wid = lax.axis_index("s") * NC + lax.axis_index("c")
  base = wid * BPW
  for j in range(NSLOT):
    pltpu.sync_copy(idx_flat.at[pl.ds(j * B + base, BPW)], idx_bufs[j])
  for j in range(NSLOT):
    cps = [
        pltpu.async_copy(
            fused.at[idx_bufs[j].at[pl.ds(c * IDX_CHUNK, IDX_CHUNK)]],
            rows_v.at[pl.ds(c * IDX_CHUNK, IDX_CHUNK)], sem)
        for c in range(NCH)
    ]
    for cp in cps:
      cp.wait()
    pltpu.sync_copy(rows_v, out.at[j, pl.ds(base, BPW)])


def _sc_gather(fused, idx_flat):
  mesh = plsc.VectorSubcoreMesh(core_axis_name="c", subcore_axis_name="s")
  fn = pl.kernel(
      _sc_gather_body,
      out_type=jax.ShapeDtypeStruct((NSLOT, B, 2 * D), jnp.float32),
      mesh=mesh,
      scratch_types=(
          [pltpu.VMEM((BPW,), jnp.int32) for _ in range(NSLOT)]
          + [pltpu.VMEM((BPW, 2 * D), jnp.float32), pltpu.SemaphoreType.DMA]
      ),
      compiler_params=pltpu.CompilerParams(use_tc_tiling_on_sc=True),
  )
  return fn(fused, idx_flat)



R = 1024


def _mlp_body(slots, info, w1s, w1c, b1, w2, b2, w3, b3, out):
  h = jnp.dot(info[...], w1c[...], preferred_element_type=jnp.float32)
  off_p = slots[0] + slots[1] + slots[2] + slots[3] + slots[4]
  def_p = slots[5] + slots[6] + slots[7] + slots[8] + slots[9]
  h = h + jnp.dot(off_p, w1s[0], preferred_element_type=jnp.float32)
  h = h + jnp.dot(def_p, w1s[5], preferred_element_type=jnp.float32)
  for j in range(10, NSLOT):
    h = h + jnp.dot(slots[j], w1s[j], preferred_element_type=jnp.float32)
  h = jnp.maximum(h + b1[...], 0.0)
  h = jnp.maximum(jnp.dot(h, w2[...], preferred_element_type=jnp.float32)
                  + b2[...], 0.0)
  out[...] = jnp.dot(h, w3[...], preferred_element_type=jnp.float32) + b3[...]


def _mlp(slots, info, w1s, w1c, b1, w2, b2, w3, b3):
  full = lambda shape: pl.BlockSpec(shape, lambda i: (0,) * len(shape))
  return pl.pallas_call(
      _mlp_body,
      grid=(B // R,),
      in_specs=[
          pl.BlockSpec((NSLOT, R, 2 * D), lambda i: (0, i, 0)),
          pl.BlockSpec((R, 8), lambda i: (i, 0)),
          full((NSLOT, 2 * D, D)),
          full((8, D)),
          full((1, D)),
          full((D, 32)),
          full((1, 32)),
          full((32, 1)),
          full((1, 1)),
      ],
      out_specs=pl.BlockSpec((R, 1), lambda i: (i, 0)),
      out_shape=jax.ShapeDtypeStruct((B, 1), jnp.float32),
  )(slots, info, w1s, w1c, b1, w2, b2, w3, b3)


def kernel(offensive_players, defensive_players, shooting_player,
           assisting_player, defending_player, is_putback, is_and1,
           is_freethrow, is_turnover, is_steal, shot_distance,
           emb_table, bag_table, W1, b1, W2, b2, W3, b3):
  fused = _prep(bag_table.astype(jnp.float32).T,
                emb_table.astype(jnp.float32).T)

  idx_flat = jnp.concatenate([
      offensive_players.astype(jnp.int32).T.reshape(-1),
      defensive_players.astype(jnp.int32).T.reshape(-1),
      shooting_player.astype(jnp.int32),
      assisting_player.astype(jnp.int32),
      defending_player.astype(jnp.int32),
  ])
  slots = _sc_gather(fused, idx_flat)

  info = jnp.stack(
      [is_putback, is_and1, is_freethrow, is_turnover, is_steal,
       shot_distance], axis=1)
  info = jnp.pad(info, ((0, 0), (0, 2)))

  z = jnp.zeros((D, D), jnp.float32)
  bag_blk = lambda w: jnp.concatenate([w, z], axis=0)
  emb_blk = lambda w: jnp.concatenate([z, w], axis=0)
  w1s = jnp.stack([bag_blk(W1[0:D])] * 5 + [bag_blk(W1[D:2 * D])] * 5
                  + [emb_blk(W1[2 * D:3 * D]), emb_blk(W1[3 * D:4 * D]),
                     emb_blk(W1[4 * D:5 * D])])
  w1c = jnp.pad(W1[5 * D:5 * D + 6], ((0, 2), (0, 0)))

  return _mlp(slots, info, w1s, w1c,
              b1.reshape(1, D), W2, b2.reshape(1, 32),
              W3, b3.reshape(1, 1))

# --- scband reference (transcript-rebuilt; emitter-appended) ---
"""Pipeline reference for scband-nbadeep-fm-42623255445954 (READ-ONLY COPY).

The authoritative reference and input builder live on the scoring server;
editing this copy changes nothing except your own understanding.
"""

import jax, jax.numpy as jnp
import numpy as np

B = 16384
V = 100000
D = 64

def setup_inputs(seed: int = 0):
    key = jax.random.key(seed)
    ks = jax.random.split(key, 24)
    inp = {}
    inp["offensive_players"] = jax.random.randint(ks[0], (B, 5), 0, V)
    inp["defensive_players"] = jax.random.randint(ks[1], (B, 5), 0, V)
    inp["shooting_player"] = jax.random.randint(ks[2], (B,), 0, V)
    inp["assisting_player"] = jax.random.randint(ks[3], (B,), 0, V)
    inp["defending_player"] = jax.random.randint(ks[4], (B,), 0, V)
    inp["is_putback"] = jax.random.uniform(ks[5], (B,), dtype=jnp.float32)
    inp["is_and1"] = jax.random.uniform(ks[6], (B,), dtype=jnp.float32)
    inp["is_freethrow"] = jax.random.uniform(ks[7], (B,), dtype=jnp.float32)
    inp["is_turnover"] = jax.random.uniform(ks[8], (B,), dtype=jnp.float32)
    inp["is_steal"] = jax.random.uniform(ks[9], (B,), dtype=jnp.float32)
    inp["shot_distance"] = jax.random.uniform(ks[10], (B,), dtype=jnp.float32) * 30.0
    inp["emb_table"] = jax.random.normal(ks[11], (V, D), dtype=jnp.float32) * 0.05
    inp["bag_table"] = jax.random.normal(ks[12], (V, D), dtype=jnp.float32) * 0.05
    h_in = 5 * D + 6
    inp["W1"] = jax.random.normal(ks[13], (h_in, 64), dtype=jnp.float32) * (1.0 / np.sqrt(h_in))
    inp["b1"] = jnp.zeros((64,), dtype=jnp.float32)
    inp["W2"] = jax.random.normal(ks[14], (64, 32), dtype=jnp.float32) * (1.0 / 8.0)
    inp["b2"] = jnp.zeros((32,), dtype=jnp.float32)
    inp["W3"] = jax.random.normal(ks[15], (32, 1), dtype=jnp.float32) * (1.0 / np.sqrt(32.0))
    inp["b3"] = jnp.zeros((1,), dtype=jnp.float32)
    return inp

def reference(offensive_players, defensive_players, shooting_player, assisting_player, defending_player, is_putback, is_and1, is_freethrow, is_turnover, is_steal, shot_distance, emb_table, bag_table, W1, b1, W2, b2, W3, b3):
    # EmbeddingBag(mode='sum') over the 5-player lineups
    off_pooled = jnp.sum(jnp.take(bag_table, offensive_players, axis=0), axis=1)
    def_pooled = jnp.sum(jnp.take(bag_table, defensive_players, axis=0), axis=1)
    # role embeddings: stack [B,3] then gather -> [B,3,D] -> flatten [B,3D]
    action_roles = jnp.stack([shooting_player, assisting_player, defending_player], axis=1)
    role_embeds = jnp.take(emb_table, action_roles, axis=0)
    role_flattened = role_embeds.reshape(role_embeds.shape[0], -1)
    # scalar info features, each unsqueezed to [B,1] then concatenated -> [B,6]
    info_embeds = jnp.stack([is_putback, is_and1, is_freethrow, is_turnover, is_steal, shot_distance], axis=1)
    combined = jnp.concatenate([off_pooled, def_pooled, role_flattened, info_embeds], axis=1)
    # deep MLP (dropout is identity in eval mode)
    h = jax.nn.relu(combined @ W1 + b1)
    h = jax.nn.relu(h @ W2 + b2)
    return h @ W3 + b3

if __name__ == "__main__":
    import jax
    _d = setup_inputs()
    print(jax.jit(kernel)(*tuple(_d.values())))

</pallas_src>

<mosaic_0001>
#map = affine_map<(d0, d1) -> (0, 0)>
#map1 = affine_map<(d0, d1) -> (0)>
#map2 = affine_map<(d0, d1) -> (0, 0, 0)>
module attributes {stable_mosaic.version = 14 : i64} {
  func.func @_sc_gather_body(%arg0: i32, %arg1: i32, %arg2: memref<100352x128xf32, #tpu.memory_space<hbm>>, %arg3: memref<212992xi32, #tpu.memory_space<hbm>>, %arg4: memref<13x16384x128xf32, #tpu.memory_space<hbm>>, %arg5: memref<512xi32, #tpu.memory_space<vmem>>, %arg6: memref<512xi32, #tpu.memory_space<vmem>>, %arg7: memref<512xi32, #tpu.memory_space<vmem>>, %arg8: memref<512xi32, #tpu.memory_space<vmem>>, %arg9: memref<512xi32, #tpu.memory_space<vmem>>, %arg10: memref<512xi32, #tpu.memory_space<vmem>>, %arg11: memref<512xi32, #tpu.memory_space<vmem>>, %arg12: memref<512xi32, #tpu.memory_space<vmem>>, %arg13: memref<512xi32, #tpu.memory_space<vmem>>, %arg14: memref<512xi32, #tpu.memory_space<vmem>>, %arg15: memref<512xi32, #tpu.memory_space<vmem>>, %arg16: memref<512xi32, #tpu.memory_space<vmem>>, %arg17: memref<512xi32, #tpu.memory_space<vmem>>, %arg18: memref<512x128xf32, #tpu.memory_space<vmem>>, %arg19: memref<!tpu.dma_semaphore, #tpu.memory_space<semaphore_mem>>) attributes {dimension_semantics = [#tpu.dimension_semantics<core_parallel>, #tpu.dimension_semantics<subcore_parallel>], iteration_bounds = array<i64: 2, 16>, scalar_prefetch = 0 : i64, scratch_operands = 15 : i64, tpu.core_type = #tpu.core_type<sc_vector_subcore>, window_params = [{transform_indices = #map}, {transform_indices = #map1}, {transform_indices = #map2}]} {
    %mul3A = arith.constant 2 : i32
    %mul3A_0 = arith.muli %arg1, %mul3A : i32
    %add3A = arith.addi %mul3A_0, %arg0 : i32
    %mul3A_1 = arith.constant 512 : i32
    %mul3A_2 = arith.muli %add3A, %mul3A_1 : i32
    %add3A_3 = arith.constant 0 : i32
    %add3A_4 = arith.addi %add3A_3, %mul3A_2 : i32
    "tpu.region"() ({
      %run_scoped3A_871 = tpu.sem_alloc : memref<!tpu.dma_semaphore, #tpu.memory_space<semaphore_mem>>
      %dma_start3A_872 = tpu.memref_slice %arg3[%add3A_4] : memref<212992xi32, #tpu.memory_space<hbm>> -> memref<512xi32, #tpu.memory_space<hbm>>
      %dma_start3A_873 = tpu.memref_slice %arg3[%add3A_4] : memref<212992xi32, #tpu.memory_space<hbm>> -> memref<512xi32, #tpu.memory_space<hbm>>
      tpu.enqueue_dma source(%dma_start3A_873 : memref<512xi32, #tpu.memory_space<hbm>>) target(%arg5 : memref<512xi32, #tpu.memory_space<vmem>>) target_semaphore(%run_scoped3A_871 : memref<!tpu.dma_semaphore, #tpu.memory_space<semaphore_mem>>)
      %dma_wait3A_874 = tpu.memref_slice %arg3[%add3A_4] : memref<212992xi32, #tpu.memory_space<hbm>> -> memref<512xi32, #tpu.memory_space<hbm>>
      %dma_wait3A_875 = tpu.memref_slice %arg3[%add3A_4] : memref<212992xi32, #tpu.memory_space<hbm>> -> memref<512xi32, #tpu.memory_space<hbm>>
      tpu.wait_dma2 semaphore(%run_scoped3A_871 : memref<!tpu.dma_semaphore, #tpu.memory_space<semaphore_mem>>) src(%dma_wait3A_875 : memref<512xi32, #tpu.memory_space<hbm>>) dst(%arg5 : memref<512xi32, #tpu.memory_space<vmem>>)
      tpu.yield
    }) : () -> ()
    %add3A_5 = arith.constant 16384 : i32
    %add3A_6 = arith.addi %add3A_5, %mul3A_2 : i32
    "tpu.region"() ({
      %run_scoped3A_871 = tpu.sem_alloc : memref<!tpu.dma_semaphore, #tpu.memory_space<semaphore_mem>>
      %dma_start3A_872 = tpu.memref_slice %arg3[%add3A_6] : memref<212992xi32, #tpu.memory_space<hbm>> -> memref<512xi32, #tpu.memory_space<hbm>>
      %dma_start3A_873 = tpu.memref_slice %arg3[%add3A_6] : memref<212992xi32, #tpu.memory_space<hbm>> -> memref<512xi32, #tpu.memory_space<hbm>>
      tpu.enqueue_dma source(%dma_start3A_873 : memref<512xi32, #tpu.memory_space<hbm>>) target(%arg6 : memref<512xi32, #tpu.memory_space<vmem>>) target_semaphore(%run_scoped3A_871 : memref<!tpu.dma_semaphore, #tpu.memory_space<semaphore_mem>>)
      %dma_wait3A_874 = tpu.memref_slice %arg3[%add3A_6] : memref<212992xi32, #tpu.memory_space<hbm>> -> memref<512xi32, #tpu.memory_space<hbm>>
      %dma_wait3A_875 = tpu.memref_slice %arg3[%add3A_6] : memref<212992xi32, #tpu.memory_space<hbm>> -> memref<512xi32, #tpu.memory_space<hbm>>
      tpu.wait_dma2 semaphore(%run_scoped3A_871 : memref<!tpu.dma_semaphore, #tpu.memory_space<semaphore_mem>>) src(%dma_wait3A_875 : memref<512xi32, #tpu.memory_space<hbm>>) dst(%arg6 : memref<512xi32, #tpu.memory_space<vmem>>)
      tpu.yield
    }) : () -> ()
    %add3A_7 = arith.constant 32768 : i32
    %add3A_8 = arith.addi %add3A_7, %mul3A_2 : i32
    "tpu.region"() ({
      %run_scoped3A_871 = tpu.sem_alloc : memref<!tpu.dma_semaphore, #tpu.memory_space<semaphore_mem>>
      %dma_start3A_872 = tpu.memref_slice %arg3[%add3A_8] : memref<212992xi32, #tpu.memory_space<hbm>> -> memref<512xi32, #tpu.memory_space<hbm>>
      %dma_start3A_873 = tpu.memref_slice %arg3[%add3A_8] : memref<212992xi32, #tpu.memory_space<hbm>> -> memref<512xi32, #tpu.memory_space<hbm>>
      tpu.enqueue_dma source(%dma_start3A_873 : memref<512xi32, #tpu.memory_space<hbm>>) target(%arg7 : memref<512xi32, #tpu.memory_space<vmem>>) target_semaphore(%run_scoped3A_871 : memref<!tpu.dma_semaphore, #tpu.memory_space<semaphore_mem>>)
      %dma_wait3A_874 = tpu.memref_slice %arg3[%add3A_8] : memref<212992xi32, #tpu.memory_space<hbm>> -> memref<512xi32, #tpu.memory_space<hbm>>
      %dma_wait3A_875 = tpu.memref_slice %arg3[%add3A_8] : memref<212992xi32, #tpu.memory_space<hbm>> -> memref<512xi32, #tpu.memory_space<hbm>>
      tpu.wait_dma2 semaphore(%run_scoped3A_871 : memref<!tpu.dma_semaphore, #tpu.memory_space<semaphore_mem>>) src(%dma_wait3A_875 : memref<512xi32, #tpu.memory_space<hbm>>) dst(%arg7 : memref<512xi32, #tpu.memory_space<vmem>>)
      tpu.yield
    }) : () -> ()
    %add3A_9 = arith.constant 49152 : i32
    %add3A_10 = arith.addi %add3A_9, %mul3A_2 : i32
    "tpu.region"() ({
      %run_scoped3A_871 = tpu.sem_alloc : memref<!tpu.dma_semaphore, #tpu.memory_space<semaphore_mem>>
      %dma_start3A_872 = tpu.memref_slice %arg3[%add3A_10] : memref<212992xi32, #tpu.memory_space<hbm>> -> memref<512xi32, #tpu.memory_space<hbm>>
      %dma_start3A_873 = tpu.memref_slice %arg3[%add3A_10] : memref<212992xi32, #tpu.memory_space<hbm>> -> memref<512xi32, #tpu.memory_space<hbm>>
      tpu.enqueue_dma source(%dma_start3A_873 : memref<512xi32, #tpu.memory_space<hbm>>) target(%arg8 : memref<512xi32, #tpu.memory_space<vmem>>) target_semaphore(%run_scoped3A_871 : memref<!tpu.dma_semaphore, #tpu.memory_space<semaphore_mem>>)
      %dma_wait3A_874 = tpu.memref_slice %arg3[%add3A_10] : memref<212992xi32, #tpu.memory_space<hbm>> -> memref<512xi32, #tpu.memory_space<hbm>>
      %dma_wait3A_875 = tpu.memref_slice %arg3[%add3A_10] : memref<212992xi32, #tpu.memory_space<hbm>> -> memref<512xi32, #tpu.memory_space<hbm>>
      tpu.wait_dma2 semaphore(%run_scoped3A_871 : memref<!tpu.dma_semaphore, #tpu.memory_space<semaphore_mem>>) src(%dma_wait3A_875 : memref<512xi32, #tpu.memory_space<hbm>>) dst(%arg8 : memref<512xi32, #tpu.memory_space<vmem>>)
      tpu.yield
    }) : () -> ()
    %add3A_11 = arith.constant 65536 : i32
    %add3A_12 = arith.addi %add3A_11, %mul3A_2 : i32
    "tpu.region"() ({
      %run_scoped3A_871 = tpu.sem_alloc : memref<!tpu.dma_semaphore, #tpu.memory_space<semaphore_mem>>
      %dma_start3A_872 = tpu.memref_slice %arg3[%add3A_12] : memref<212992xi32, #tpu.memory_space<hbm>> -> memref<512xi32, #tpu.memory_space<hbm>>
      %dma_start3A_873 = tpu.memref_slice %arg3[%add3A_12] : memref<212992xi32, #tpu.memory_space<hbm>> -> memref<512xi32, #tpu.memory_space<hbm>>
      tpu.enqueue_dma source(%dma_start3A_873 : memref<512xi32, #tpu.memory_space<hbm>>) target(%arg9 : memref<512xi32, #tpu.memory_space<vmem>>) target_semaphore(%run_scoped3A_871 : memref<!tpu.dma_semaphore, #tpu.memory_space<semaphore_mem>>)
      %dma_wait3A_874 = tpu.memref_slice %arg3[%add3A_12] : memref<212992xi32, #tpu.memory_space<hbm>> -> memref<512xi32, #tpu.memory_space<hbm>>
      %dma_wait3A_875 = tpu.memref_slice %arg3[%add3A_12] : memref<212992xi32, #tpu.memory_space<hbm>> -> memref<512xi32, #tpu.memory_space<hbm>>
      tpu.wait_dma2 semaphore(%run_scoped3A_871 : memref<!tpu.dma_semaphore, #tpu.memory_space<semaphore_mem>>) src(%dma_wait3A_875 : memref<512xi32, #tpu.memory_space<hbm>>) dst(%arg9 : memref<512xi32, #tpu.memory_space<vmem>>)
      tpu.yield
    }) : () -> ()
    %add3A_13 = arith.constant 81920 : i32
    %add3A_14 = arith.addi %add3A_13, %mul3A_2 : i32
    "tpu.region"() ({
      %run_scoped3A_871 = tpu.sem_alloc : memref<!tpu.dma_semaphore, #tpu.memory_space<semaphore_mem>>
      %dma_start3A_872 = tpu.memref_slice %arg3[%add3A_14] : memref<212992xi32, #tpu.memory_space<hbm>> -> memref<512xi32, #tpu.memory_space<hbm>>
      %dma_start3A_873 = tpu.memref_slice %arg3[%add3A_14] : memref<212992xi32, #tpu.memory_space<hbm>> -> memref<512xi32, #tpu.memory_space<hbm>>
      tpu.enqueue_dma source(%dma_start3A_873 : memref<512xi32, #tpu.memory_space<hbm>>) target(%arg10 : memref<512xi32, #tpu.memory_space<vmem>>) target_semaphore(%run_scoped3A_871 : memref<!tpu.dma_semaphore, #tpu.memory_space<semaphore_mem>>)
      %dma_wait3A_874 = tpu.memref_slice %arg3[%add3A_14] : memref<212992xi32, #tpu.memory_space<hbm>> -> memref<512xi32, #tpu.memory_space<hbm>>
      %dma_wait3A_875 = tpu.memref_slice %arg3[%add3A_14] : memref<212992xi32, #tpu.memory_space<hbm>> -> memref<512xi32, #tpu.memory_space<hbm>>
      tpu.wait_dma2 semaphore(%run_scoped3A_871 : memref<!tpu.dma_semaphore, #tpu.memory_space<semaphore_mem>>) src(%dma_wait3A_875 : memref<512xi32, #tpu.memory_space<hbm>>) dst(%arg10 : memref<512xi32, #tpu.memory_space<vmem>>)
      tpu.yield
    }) : () -> ()
    %add3A_15 = arith.constant 98304 : i32
    %add3A_16 = arith.addi %add3A_15, %mul3A_2 : i32
    "tpu.region"() ({
      %run_scoped3A_871 = tpu.sem_alloc : memref<!tpu.dma_semaphore, #tpu.memory_space<semaphore_mem>>
      %dma_start3A_872 = tpu.memref_slice %arg3[%add3A_16] : memref<212992xi32, #tpu.memory_space<hbm>> -> memref<512xi32, #tpu.memory_space<hbm>>
      %dma_start3A_873 = tpu.memref_slice %arg3[%add3A_16] : memref<212992xi32, #tpu.memory_space<hbm>> -> memref<512xi32, #tpu.memory_space<hbm>>
      tpu.enqueue_dma source(%dma_start3A_873 : memref<512xi32, #tpu.memory_space<hbm>>) target(%arg11 : memref<512xi32, #tpu.memory_space<vmem>>) target_semaphore(%run_scoped3A_871 : memref<!tpu.dma_semaphore, #tpu.memory_space<semaphore_mem>>)
      %dma_wait3A_874 = tpu.memref_slice %arg3[%add3A_16] : memref<212992xi32, #tpu.memory_space<hbm>> -> memref<512xi32, #tpu.memory_space<hbm>>
      %dma_wait3A_875 = tpu.memref_slice %arg3[%add3A_16] : memref<212992xi32, #tpu.memory_space<hbm>> -> memref<512xi32, #tpu.memory_space<hbm>>
      tpu.wait_dma2 semaphore(%run_scoped3A_871 : memref<!tpu.dma_semaphore, #tpu.memory_space<semaphore_mem>>) src(%dma_wait3A_875 : memref<512xi32, #tpu.memory_space<hbm>>) dst(%arg11 : memref<512xi32, #tpu.memory_space<vmem>>)
      tpu.yield
    }) : () -> ()
    %add3A_17 = arith.constant 114688 : i32
    %add3A_18 = arith.addi %add3A_17, %mul3A_2 : i32
    "tpu.region"() ({
      %run_scoped3A_871 = tpu.sem_alloc : memref<!tpu.dma_semaphore, #tpu.memory_space<semaphore_mem>>
      %dma_start3A_872 = tpu.memref_slice %arg3[%add3A_18] : memref<212992xi32, #tpu.memory_space<hbm>> -> memref<512xi32, #tpu.memory_space<hbm>>
      %dma_start3A_873 = tpu.memref_slice %arg3[%add3A_18] : memref<212992xi32, #tpu.memory_space<hbm>> -> memref<512xi32, #tpu.memory_space<hbm>>
      tpu.enqueue_dma source(%dma_start3A_873 : memref<512xi32, #tpu.memory_space<hbm>>) target(%arg12 : memref<512xi32, #tpu.memory_space<vmem>>) target_semaphore(%run_scoped3A_871 : memref<!tpu.dma_semaphore, #tpu.memory_space<semaphore_mem>>)
      %dma_wait3A_874 = tpu.memref_slice %arg3[%add3A_18] : memref<212992xi32, #tpu.memory_space<hbm>> -> memref<512xi32, #tpu.memory_space<hbm>>
      %dma_wait3A_875 = tpu.memref_slice %arg3[%add3A_18] : memref<212992xi32, #tpu.memory_space<hbm>> -> memref<512xi32, #tpu.memory_space<hbm>>
      tpu.wait_dma2 semaphore(%run_scoped3A_871 : memref<!tpu.dma_semaphore, #tpu.memory_space<semaphore_mem>>) src(%dma_wait3A_875 : memref<512xi32, #tpu.memory_space<hbm>>) dst(%arg12 : memref<512xi32, #tpu.memory_space<vmem>>)
      tpu.yield
    }) : () -> ()
    %add3A_19 = arith.constant 131072 : i32
    %add3A_20 = arith.addi %add3A_19, %mul3A_2 : i32
    "tpu.region"() ({
      %run_scoped3A_871 = tpu.sem_alloc : memref<!tpu.dma_semaphore, #tpu.memory_space<semaphore_mem>>
      %dma_start3A_872 = tpu.memref_slice %arg3[%add3A_20] : memref<212992xi32, #tpu.memory_space<hbm>> -> memref<512xi32, #tpu.memory_space<hbm>>
      %dma_start3A_873 = tpu.memref_slice %arg3[%add3A_20] : memref<212992xi32, #tpu.memory_space<hbm>> -> memref<512xi32, #tpu.memory_space<hbm>>
      tpu.enqueue_dma source(%dma_start3A_873 : memref<512xi32, #tpu.memory_space<hbm>>) target(%arg13 : memref<512xi32, #tpu.memory_space<vmem>>) target_semaphore(%run_scoped3A_871 : memref<!tpu.dma_semaphore, #tpu.memory_space<semaphore_mem>>)
      %dma_wait3A_874 = tpu.memref_slice %arg3[%add3A_20] : memref<212992xi32, #tpu.memory_space<hbm>> -> memref<512xi32, #tpu.memory_space<hbm>>
      %dma_wait3A_875 = tpu.memref_slice %arg3[%add3A_20] : memref<212992xi32, #tpu.memory_space<hbm>> -> memref<512xi32, #tpu.memory_space<hbm>>
      tpu.wait_dma2 semaphore(%run_scoped3A_871 : memref<!tpu.dma_semaphore, #tpu.memory_space<semaphore_mem>>) src(%dma_wait3A_875 : memref<512xi32, #tpu.memory_space<hbm>>) dst(%arg13 : memref<512xi32, #tpu.memory_space<vmem>>)
      tpu.yield
    }) : () -> ()
    %add3A_21 = arith.constant 147456 : i32
    %add3A_22 = arith.addi %add3A_21, %mul3A_2 : i32
    "tpu.region"() ({
      %run_scoped3A_871 = tpu.sem_alloc : memref<!tpu.dma_semaphore, #tpu.memory_space<semaphore_mem>>
      %dma_start3A_872 = tpu.memref_slice %arg3[%add3A_22] : memref<212992xi32, #tpu.memory_space<hbm>> -> memref<512xi32, #tpu.memory_space<hbm>>
      %dma_start3A_873 = tpu.memref_slice %arg3[%add3A_22] : memref<212992xi32, #tpu.memory_space<hbm>> -> memref<512xi32, #tpu.memory_space<hbm>>
      tpu.enqueue_dma source(%dma_start3A_873 : memref<512xi32, #tpu.memory_space<hbm>>) target(%arg14 : memref<512xi32, #tpu.memory_space<vmem>>) target_semaphore(%run_scoped3A_871 : memref<!tpu.dma_semaphore, #tpu.memory_space<semaphore_mem>>)
      %dma_wait3A_874 = tpu.memref_slice %arg3[%add3A_22] : memref<212992xi32, #tpu.memory_space<hbm>> -> memref<512xi32, #tpu.memory_space<hbm>>
      %dma_wait3A_875 = tpu.memref_slice %arg3[%add3A_22] : memref<212992xi32, #tpu.memory_space<hbm>> -> memref<512xi32, #tpu.memory_space<hbm>>
      tpu.wait_dma2 semaphore(%run_scoped3A_871 : memref<!tpu.dma_semaphore, #tpu.memory_space<semaphore_mem>>) src(%dma_wait3A_875 : memref<512xi32, #tpu.memory_space<hbm>>) dst(%arg14 : memref<512xi32, #tpu.memory_space<vmem>>)
      tpu.yield
    }) : () -> ()
    %add3A_23 = arith.constant 163840 : i32
    %add3A_24 = arith.addi %add3A_23, %mul3A_2 : i32
    "tpu.region"() ({
      %run_scoped3A_871 = tpu.sem_alloc : memref<!tpu.dma_semaphore, #tpu.memory_space<semaphore_mem>>
      %dma_start3A_872 = tpu.memref_slice %arg3[%add3A_24] : memref<212992xi32, #tpu.memory_space<hbm>> -> memref<512xi32, #tpu.memory_space<hbm>>
      %dma_start3A_873 = tpu.memref_slice %arg3[%add3A_24] : memref<212992xi32, #tpu.memory_space<hbm>> -> memref<512xi32, #tpu.memory_space<hbm>>
      tpu.enqueue_dma source(%dma_start3A_873 : memref<512xi32, #tpu.memory_space<hbm>>) target(%arg15 : memref<512xi32, #tpu.memory_space<vmem>>) target_semaphore(%run_scoped3A_871 : memref<!tpu.dma_semaphore, #tpu.memory_space<semaphore_mem>>)
      %dma_wait3A_874 = tpu.memref_slice %arg3[%add3A_24] : memref<212992xi32, #tpu.memory_space<hbm>> -> memref<512xi32, #tpu.memory_space<hbm>>
      %dma_wait3A_875 = tpu.memref_slice %arg3[%add3A_24] : memref<212992xi32, #tpu.memory_space<hbm>> -> memref<512xi32, #tpu.memory_space<hbm>>
      tpu.wait_dma2 semaphore(%run_scoped3A_871 : memref<!tpu.dma_semaphore, #tpu.memory_space<semaphore_mem>>) src(%dma_wait3A_875 : memref<512xi32, #tpu.memory_space<hbm>>) dst(%arg15 : memref<512xi32, #tpu.memory_space<vmem>>)
      tpu.yield
    }) : () -> ()
    %add3A_25 = arith.constant 180224 : i32
    %add3A_26 = arith.addi %add3A_25, %mul3A_2 : i32
    "tpu.region"() ({
      %run_scoped3A_871 = tpu.sem_alloc : memref<!tpu.dma_semaphore, #tpu.memory_space<semaphore_mem>>
      %dma_start3A_872 = tpu.memref_slice %arg3[%add3A_26] : memref<212992xi32, #tpu.memory_space<hbm>> -> memref<512xi32, #tpu.memory_space<hbm>>
      %dma_start3A_873 = tpu.memref_slice %arg3[%add3A_26] : memref<212992xi32, #tpu.memory_space<hbm>> -> memref<512xi32, #tpu.memory_space<hbm>>
      tpu.enqueue_dma source(%dma_start3A_873 : memref<512xi32, #tpu.memory_space<hbm>>) target(%arg16 : memref<512xi32, #tpu.memory_space<vmem>>) target_semaphore(%run_scoped3A_871 : memref<!tpu.dma_semaphore, #tpu.memory_space<semaphore_mem>>)
      %dma_wait3A_874 = tpu.memref_slice %arg3[%add3A_26] : memref<212992xi32, #tpu.memory_space<hbm>> -> memref<512xi32, #tpu.memory_space<hbm>>
      %dma_wait3A_875 = tpu.memref_slice %arg3[%add3A_26] : memref<212992xi32, #tpu.memory_space<hbm>> -> memref<512xi32, #tpu.memory_space<hbm>>
      tpu.wait_dma2 semaphore(%run_scoped3A_871 : memref<!tpu.dma_semaphore, #tpu.memory_space<semaphore_mem>>) src(%dma_wait3A_875 : memref<512xi32, #tpu.memory_space<hbm>>) dst(%arg16 : memref<512xi32, #tpu.memory_space<vmem>>)
      tpu.yield
    }) : () -> ()
    %add3A_27 = arith.constant 196608 : i32
    %add3A_28 = arith.addi %add3A_27, %mul3A_2 : i32
    "tpu.region"() ({
      %run_scoped3A_871 = tpu.sem_alloc : memref<!tpu.dma_semaphore, #tpu.memory_space<semaphore_mem>>
      %dma_start3A_872 = tpu.memref_slice %arg3[%add3A_28] : memref<212992xi32, #tpu.memory_space<hbm>> -> memref<512xi32, #tpu.memory_space<hbm>>
      %dma_start3A_873 = tpu.memref_slice %arg3[%add3A_28] : memref<212992xi32, #tpu.memory_space<hbm>> -> memref<512xi32, #tpu.memory_space<hbm>>
      tpu.enqueue_dma source(%dma_start3A_873 : memref<512xi32, #tpu.memory_space<hbm>>) target(%arg17 : memref<512xi32, #tpu.memory_space<vmem>>) target_semaphore(%run_scoped3A_871 : memref<!tpu.dma_semaphore, #tpu.memory_space<semaphore_mem>>)
      %dma_wait3A_874 = tpu.memref_slice %arg3[%add3A_28] : memref<212992xi32, #tpu.memory_space<hbm>> -> memref<512xi32, #tpu.memory_space<hbm>>
      %dma_wait3A_875 = tpu.memref_slice %arg3[%add3A_28] : memref<212992xi32, #tpu.memory_space<hbm>> -> memref<512xi32, #tpu.memory_space<hbm>>
      tpu.wait_dma2 semaphore(%run_scoped3A_871 : memref<!tpu.dma_semaphore, #tpu.memory_space<semaphore_mem>>) src(%dma_wait3A_875 : memref<512xi32, #tpu.memory_space<hbm>>) dst(%arg17 : memref<512xi32, #tpu.memory_space<vmem>>)
      tpu.yield
    }) : () -> ()
    %dma_start3A = arith.constant 0 : i32
    %dma_start3A_29 = arith.constant 0 : i32
    %dma_start3A_30 = tpu.memref_slice %arg18[%dma_start3A, %dma_start3A_29] : memref<512x128xf32, #tpu.memory_space<vmem>> -> memref<128x128xf32, #tpu.memory_space<vmem>>
    %dma_start3A_31 = arith.constant 0 : i32
    %dma_start3A_32 = tpu.memref_slice %arg5[%dma_start3A_31] : memref<512xi32, #tpu.memory_space<vmem>> -> memref<128xi32, #tpu.memory_space<vmem>>
    %dma_start3A_33 = arith.constant 0 : i32
    %dma_start3A_34 = arith.constant 0 : i32
    %dma_start3A_35 = tpu.memref_slice %arg2[%dma_start3A_33, %dma_start3A_34] : memref<100352x128xf32, #tpu.memory_space<hbm>> -> memref<100352x128xf32, #tpu.memory_space<hbm>>
    tpu.enqueue_indirect_dma source(%dma_start3A_35 : memref<100352x128xf32, #tpu.memory_space<hbm>>) target(%dma_start3A_30 : memref<128x128xf32, #tpu.memory_space<vmem>>) offsets(%dma_start3A_32 : memref<128xi32, #tpu.memory_space<vmem>>) semaphore(%arg19 : memref<!tpu.dma_semaphore, #tpu.memory_space<semaphore_mem>>)
    %dma_start3A_36 = arith.constant 128 : i32
    %dma_start3A_37 = arith.constant 0 : i32
    %dma_start3A_38 = tpu.memref_slice %arg18[%dma_start3A_36, %dma_start3A_37] : memref<512x128xf32, #tpu.memory_space<vmem>> -> memref<128x128xf32, #tpu.memory_space<vmem>>
    %dma_start3A_39 = arith.constant 128 : i32
    %dma_start3A_40 = tpu.memref_slice %arg5[%dma_start3A_39] : memref<512xi32, #tpu.memory_space<vmem>> -> memref<128xi32, #tpu.memory_space<vmem>>
    %dma_start3A_41 = arith.constant 0 : i32
    %dma_start3A_42 = arith.constant 0 : i32
    %dma_start3A_43 = tpu.memref_slice %arg2[%dma_start3A_41, %dma_start3A_42] : memref<100352x128xf32, #tpu.memory_space<hbm>> -> memref<100352x128xf32, #tpu.memory_space<hbm>>
    tpu.enqueue_indirect_dma source(%dma_start3A_43 : memref<100352x128xf32, #tpu.memory_space<hbm>>) target(%dma_start3A_38 : memref<128x128xf32, #tpu.memory_space<vmem>>) offsets(%dma_start3A_40 : memref<128xi32, #tpu.memory_space<vmem>>) semaphore(%arg19 : memref<!tpu.dma_semaphore, #tpu.memory_space<semaphore_mem>>)
    %dma_start3A_44 = arith.constant 256 : i32
    %dma_start3A_45 = arith.constant 0 : i32
    %dma_start3A_46 = tpu.memref_slice %arg18[%dma_start3A_44, %dma_start3A_45] : memref<512x128xf32, #tpu.memory_space<vmem>> -> memref<128x128xf32, #tpu.memory_space<vmem>>
    %dma_start3A_47 = arith.constant 256 : i32
    %dma_start3A_48 = tpu.memref_slice %arg5[%dma_start3A_47] : memref<512xi32, #tpu.memory_space<vmem>> -> memref<128xi32, #tpu.memory_space<vmem>>
    %dma_start3A_49 = arith.constant 0 : i32
    %dma_start3A_50 = arith.constant 0 : i32
    %dma_start3A_51 = tpu.memref_slice %arg2[%dma_start3A_49, %dma_start3A_50] : memref<100352x128xf32, #tpu.memory_space<hbm>> -> memref<100352x128xf32, #tpu.memory_space<hbm>>
    tpu.enqueue_indirect_dma source(%dma_start3A_51 : memref<100352x128xf32, #tpu.memory_space<hbm>>) target(%dma_start3A_46 : memref<128x128xf32, #tpu.memory_space<vmem>>) offsets(%dma_start3A_48 : memref<128xi32, #tpu.memory_space<vmem>>) semaphore(%arg19 : memref<!tpu.dma_semaphore, #tpu.memory_space<semaphore_mem>>)
    %dma_start3A_52 = arith.constant 384 : i32
    %dma_start3A_53 = arith.constant 0 : i32
    %dma_start3A_54 = tpu.memref_slice %arg18[%dma_start3A_52, %dma_start3A_53] : memref<512x128xf32, #tpu.memory_space<vmem>> -> memref<128x128xf32, #tpu.memory_space<vmem>>
    %dma_start3A_55 = arith.constant 384 : i32
    %dma_start3A_56 = tpu.memref_slice %arg5[%dma_start3A_55] : memref<512xi32, #tpu.memory_space<vmem>> -> memref<128xi32, #tpu.memory_space<vmem>>
    %dma_start3A_57 = arith.constant 0 : i32
    %dma_start3A_58 = arith.constant 0 : i32
    %dma_start3A_59 = tpu.memref_slice %arg2[%dma_start3A_57, %dma_start3A_58] : memref<100352x128xf32, #tpu.memory_space<hbm>> -> memref<100352x128xf32, #tpu.memory_space<hbm>>
    tpu.enqueue_indirect_dma source(%dma_start3A_59 : memref<100352x128xf32, #tpu.memory_space<hbm>>) target(%dma_start3A_54 : memref<128x128xf32, #tpu.memory_space<vmem>>) offsets(%dma_start3A_56 : memref<128xi32, #tpu.memory_space<vmem>>) semaphore(%arg19 : memref<!tpu.dma_semaphore, #tpu.memory_space<semaphore_mem>>)
    %dma_wait3A = arith.constant 0 : i32
    %dma_wait3A_60 = arith.constant 0 : i32
    %dma_wait3A_61 = tpu.memref_slice %arg18[%dma_wait3A, %dma_wait3A_60] : memref<512x128xf32, #tpu.memory_space<vmem>> -> memref<128x128xf32, #tpu.memory_space<vmem>>
    %dma_wait3A_62 = arith.constant 0 : i32
    %dma_wait3A_63 = tpu.memref_slice %arg5[%dma_wait3A_62] : memref<512xi32, #tpu.memory_space<vmem>> -> memref<128xi32, #tpu.memory_space<vmem>>
    %dma_wait3A_64 = arith.constant 0 : i32
    %dma_wait3A_65 = arith.constant 0 : i32
    %dma_wait3A_66 = tpu.memref_slice %arg2[%dma_wait3A_64, %dma_wait3A_65] : memref<100352x128xf32, #tpu.memory_space<hbm>> -> memref<100352x128xf32, #tpu.memory_space<hbm>>
    tpu.wait_indirect_dma semaphore(%arg19 : memref<!tpu.dma_semaphore, #tpu.memory_space<semaphore_mem>>) src(%dma_wait3A_66 : memref<100352x128xf32, #tpu.memory_space<hbm>>) dst(%dma_wait3A_61 : memref<128x128xf32, #tpu.memory_space<vmem>>)
    %dma_wait3A_67 = arith.constant 128 : i32
    %dma_wait3A_68 = arith.constant 0 : i32
    %dma_wait3A_69 = tpu.memref_slice %arg18[%dma_wait3A_67, %dma_wait3A_68] : memref<512x128xf32, #tpu.memory_space<vmem>> -> memref<128x128xf32, #tpu.memory_space<vmem>>
    %dma_wait3A_70 = arith.constant 128 : i32
    %dma_wait3A_71 = tpu.memref_slice %arg5[%dma_wait3A_70] : memref<512xi32, #tpu.memory_space<vmem>> -> memref<128xi32, #tpu.memory_space<vmem>>
    %dma_wait3A_72 = arith.constant 0 : i32
    %dma_wait3A_73 = arith.constant 0 : i32
    %dma_wait3A_74 = tpu.memref_slice %arg2[%dma_wait3A_72, %dma_wait3A_73] : memref<100352x128xf32, #tpu.memory_space<hbm>> -> memref<100352x128xf32, #tpu.memory_space<hbm>>
    tpu.wait_indirect_dma semaphore(%arg19 : memref<!tpu.dma_semaphore, #tpu.memory_space<semaphore_mem>>) src(%dma_wait3A_74 : memref<100352x128xf32, #tpu.memory_space<hbm>>) dst(%dma_wait3A_69 : memref<128x128xf32, #tpu.memory_space<vmem>>)
    %dma_wait3A_75 = arith.constant 256 : i32
    %dma_wait3A_76 = arith.constant 0 : i32
    %dma_wait3A_77 = tpu.memref_slice %arg18[%dma_wait3A_75, %dma_wait3A_76] : memref<512x128xf32, #tpu.memory_space<vmem>> -> memref<128x128xf32, #tpu.memory_space<vmem>>
    %dma_wait3A_78 = arith.constant 256 : i32
    %dma_wait3A_79 = tpu.memref_slice %arg5[%dma_wait3A_78] : memref<512xi32, #tpu.memory_space<vmem>> -> memref<128xi32, #tpu.memory_space<vmem>>
    %dma_wait3A_80 = arith.constant 0 : i32
    %dma_wait3A_81 = arith.constant 0 : i32
    %dma_wait3A_82 = tpu.memref_slice %arg2[%dma_wait3A_80, %dma_wait3A_81] : memref<100352x128xf32, #tpu.memory_space<hbm>> -> memref<100352x128xf32, #tpu.memory_space<hbm>>
    tpu.wait_indirect_dma semaphore(%arg19 : memref<!tpu.dma_semaphore, #tpu.memory_space<semaphore_mem>>) src(%dma_wait3A_82 : memref<100352x128xf32, #tpu.memory_space<hbm>>) dst(%dma_wait3A_77 : memref<128x128xf32, #tpu.memory_space<vmem>>)
    %dma_wait3A_83 = arith.constant 384 : i32
    %dma_wait3A_84 = arith.constant 0 : i32
    %dma_wait3A_85 = tpu.memref_slice %arg18[%dma_wait3A_83, %dma_wait3A_84] : memref<512x128xf32, #tpu.memory_space<vmem>> -> memref<128x128xf32, #tpu.memory_space<vmem>>
    %dma_wait3A_86 = arith.constant 384 : i32
    %dma_wait3A_87 = tpu.memref_slice %arg5[%dma_wait3A_86] : memref<512xi32, #tpu.memory_space<vmem>> -> memref<128xi32, #tpu.memory_space<vmem>>
    %dma_wait3A_88 = arith.constant 0 : i32
    %dma_wait3A_89 = arith.constant 0 : i32
    %dma_wait3A_90 = tpu.memref_slice %arg2[%dma_wait3A_88, %dma_wait3A_89] : memref<100352x128xf32, #tpu.memory_space<hbm>> -> memref<100352x128xf32, #tpu.memory_space<hbm>>
    tpu.wait_indirect_dma semaphore(%arg19 : memref<!tpu.dma_semaphore, #tpu.memory_space<semaphore_mem>>) src(%dma_wait3A_90 : memref<100352x128xf32, #tpu.memory_space<hbm>>) dst(%dma_wait3A_85 : memref<128x128xf32, #tpu.memory_space<vmem>>)
    %run_scoped3A = arith.constant 0 : i32
    "tpu.region"() ({
      %run_scoped3A_871 = tpu.sem_alloc : memref<!tpu.dma_semaphore, #tpu.memory_space<semaphore_mem>>
      %dma_start3A_872 = arith.constant 0 : i32
      %dma_start3A_873 = tpu.memref_slice %arg4[%run_scoped3A, %mul3A_2, %dma_start3A_872] : memref<13x16384x128xf32, #tpu.memory_space<hbm>> -> memref<1x512x128xf32, #tpu.memory_space<hbm>>
      %dma_start3A_874 = tpu.memref_squeeze %dma_start3A_873 : memref<1x512x128xf32, #tpu.memory_space<hbm>> -> memref<512x128xf32, #tpu.memory_space<hbm>>
      %dma_start3A_875 = arith.constant 0 : i32
      %dma_start3A_876 = tpu.memref_slice %arg4[%run_scoped3A, %mul3A_2, %dma_start3A_875] : memref<13x16384x128xf32, #tpu.memory_space<hbm>> -> memref<1x512x128xf32, #tpu.memory_space<hbm>>
      %dma_start3A_877 = tpu.memref_squeeze %dma_start3A_876 : memref<1x512x128xf32, #tpu.memory_space<hbm>> -> memref<512x128xf32, #tpu.memory_space<hbm>>
      tpu.enqueue_dma source(%arg18 : memref<512x128xf32, #tpu.memory_space<vmem>>) target(%dma_start3A_877 : memref<512x128xf32, #tpu.memory_space<hbm>>) target_semaphore(%run_scoped3A_871 : memref<!tpu.dma_semaphore, #tpu.memory_space<semaphore_mem>>)
      %dma_wait3A_878 = arith.constant 0 : i32
      %dma_wait3A_879 = tpu.memref_slice %arg4[%run_scoped3A, %mul3A_2, %dma_wait3A_878] : memref<13x16384x128xf32, #tpu.memory_space<hbm>> -> memref<1x512x128xf32, #tpu.memory_space<hbm>>
      %dma_wait3A_880 = tpu.memref_squeeze %dma_wait3A_879 : memref<1x512x128xf32, #tpu.memory_space<hbm>> -> memref<512x128xf32, #tpu.memory_space<hbm>>
      %dma_wait3A_881 = arith.constant 0 : i32
      %dma_wait3A_882 = tpu.memref_slice %arg4[%run_scoped3A, %mul3A_2, %dma_wait3A_881] : memref<13x16384x128xf32, #tpu.memory_space<hbm>> -> memref<1x512x128xf32, #tpu.memory_space<hbm>>
      %dma_wait3A_883 = tpu.memref_squeeze %dma_wait3A_882 : memref<1x512x128xf32, #tpu.memory_space<hbm>> -> memref<512x128xf32, #tpu.memory_space<hbm>>
      tpu.wait_dma2 semaphore(%run_scoped3A_871 : memref<!tpu.dma_semaphore, #tpu.memory_space<semaphore_mem>>) src(%arg18 : memref<512x128xf32, #tpu.memory_space<vmem>>) dst(%dma_wait3A_883 : memref<512x128xf32, #tpu.memory_space<hbm>>)
      tpu.yield
    }) : () -> ()
    %dma_start3A_91 = arith.constant 0 : i32
    %dma_start3A_92 = arith.constant 0 : i32
    %dma_start3A_93 = tpu.memref_slice %arg18[%dma_start3A_91, %dma_start3A_92] : memref<512x128xf32, #tpu.memory_space<vmem>> -> memref<128x128xf32, #tpu.memory_space<vmem>>
    %dma_start3A_94 = arith.constant 0 : i32
    %dma_start3A_95 = tpu.memref_slice %arg6[%dma_start3A_94] : memref<512xi32, #tpu.memory_space<vmem>> -> memref<128xi32, #tpu.memory_space<vmem>>
    %dma_start3A_96 = arith.constant 0 : i32
    %dma_start3A_97 = arith.constant 0 : i32
    %dma_start3A_98 = tpu.memref_slice %arg2[%dma_start3A_96, %dma_start3A_97] : memref<100352x128xf32, #tpu.memory_space<hbm>> -> memref<100352x128xf32, #tpu.memory_space<hbm>>
    tpu.enqueue_indirect_dma source(%dma_start3A_98 : memref<100352x128xf32, #tpu.memory_space<hbm>>) target(%dma_start3A_93 : memref<128x128xf32, #tpu.memory_space<vmem>>) offsets(%dma_start3A_95 : memref<128xi32, #tpu.memory_space<vmem>>) semaphore(%arg19 : memref<!tpu.dma_semaphore, #tpu.memory_space<semaphore_mem>>)
    %dma_start3A_99 = arith.constant 128 : i32
    %dma_start3A_100 = arith.constant 0 : i32
    %dma_start3A_101 = tpu.memref_slice %arg18[%dma_start3A_99, %dma_start3A_100] : memref<512x128xf32, #tpu.memory_space<vmem>> -> memref<128x128xf32, #tpu.memory_space<vmem>>
    %dma_start3A_102 = arith.constant 128 : i32
    %dma_start3A_103 = tpu.memref_slice %arg6[%dma_start3A_102] : memref<512xi32, #tpu.memory_space<vmem>> -> memref<128xi32, #tpu.memory_space<vmem>>
    %dma_start3A_104 = arith.constant 0 : i32
    %dma_start3A_105 = arith.constant 0 : i32
    %dma_start3A_106 = tpu.memref_slice %arg2[%dma_start3A_104, %dma_start3A_105] : memref<100352x128xf32, #tpu.memory_space<hbm>> -> memref<100352x128xf32, #tpu.memory_space<hbm>>
    tpu.enqueue_indirect_dma source(%dma_start3A_106 : memref<100352x128xf32, #tpu.memory_space<hbm>>) target(%dma_start3A_101 : memref<128x128xf32, #tpu.memory_space<vmem>>) offsets(%dma_start3A_103 : memref<128xi32, #tpu.memory_space<vmem>>) semaphore(%arg19 : memref<!tpu.dma_semaphore, #tpu.memory_space<semaphore_mem>>)
    %dma_start3A_107 = arith.constant 256 : i32
    %dma_start3A_108 = arith.constant 0 : i32
    %dma_start3A_109 = tpu.memref_slice %arg18[%dma_start3A_107, %dma_start3A_108] : memref<512x128xf32, #tpu.memory_space<vmem>> -> memref<128x128xf32, #tpu.memory_space<vmem>>
    %dma_start3A_110 = arith.constant 256 : i32
    %dma_start3A_111 = tpu.memref_slice %arg6[%dma_start3A_110] : memref<512xi32, #tpu.memory_space<vmem>> -> memref<128xi32, #tpu.memory_space<vmem>>
    %dma_start3A_112 = arith.constant 0 : i32
    %dma_start3A_113 = arith.constant 0 : i32
    %dma_start3A_114 = tpu.memref_slice %arg2[%dma_start3A_112, %dma_start3A_113] : memref<100352x128xf32, #tpu.memory_space<hbm>> -> memref<100352x128xf32, #tpu.memory_space<hbm>>
    tpu.enqueue_indirect_dma source(%dma_start3A_114 : memref<100352x128xf32, #tpu.memory_space<hbm>>) target(%dma_start3A_109 : memref<128x128xf32, #tpu.memory_space<vmem>>) offsets(%dma_start3A_111 : memref<128xi32, #tpu.memory_space<vmem>>) semaphore(%arg19 : memref<!tpu.dma_semaphore, #tpu.memory_space<semaphore_mem>>)
    %dma_start3A_115 = arith.constant 384 : i32
    %dma_start3A_116 = arith.constant 0 : i32
    %dma_start3A_117 = tpu.memref_slice %arg18[%dma_start3A_115, %dma_start3A_116] : memref<512x128xf32, #tpu.memory_space<vmem>> -> memref<128x128xf32, #tpu.memory_space<vmem>>
    %dma_start3A_118 = arith.constant 384 : i32
    %dma_start3A_119 = tpu.memref_slice %arg6[%dma_start3A_118] : memref<512xi32, #tpu.memory_space<vmem>> -> memref<128xi32, #tpu.memory_space<vmem>>
    %dma_start3A_120 = arith.constant 0 : i32
    %dma_start3A_121 = arith.constant 0 : i32
    %dma_start3A_122 = tpu.memref_slice %arg2[%dma_start3A_120, %dma_start3A_121] : memref<100352x128xf32, #tpu.memory_space<hbm>> -> memref<100352x128xf32, #tpu.memory_space<hbm>>
    tpu.enqueue_indirect_dma source(%dma_start3A_122 : memref<100352x128xf32, #tpu.memory_space<hbm>>) target(%dma_start3A_117 : memref<128x128xf32, #tpu.memory_space<vmem>>) offsets(%dma_start3A_119 : memref<128xi32, #tpu.memory_space<vmem>>) semaphore(%arg19 : memref<!tpu.dma_semaphore, #tpu.memory_space<semaphore_mem>>)
    %dma_wait3A_123 = arith.constant 0 : i32
    %dma_wait3A_124 = arith.constant 0 : i32
    %dma_wait3A_125 = tpu.memref_slice %arg18[%dma_wait3A_123, %dma_wait3A_124] : memref<512x128xf32, #tpu.memory_space<vmem>> -> memref<128x128xf32, #tpu.memory_space<vmem>>
    %dma_wait3A_126 = arith.constant 0 : i32
    %dma_wait3A_127 = tpu.memref_slice %arg6[%dma_wait3A_126] : memref<512xi32, #tpu.memory_space<vmem>> -> memref<128xi32, #tpu.memory_space<vmem>>
    %dma_wait3A_128 = arith.constant 0 : i32
    %dma_wait3A_129 = arith.constant 0 : i32
    %dma_wait3A_130 = tpu.memref_slice %arg2[%dma_wait3A_128, %dma_wait3A_129] : memref<100352x128xf32, #tpu.memory_space<hbm>> -> memref<100352x128xf32, #tpu.memory_space<hbm>>
    tpu.wait_indirect_dma semaphore(%arg19 : memref<!tpu.dma_semaphore, #tpu.memory_space<semaphore_mem>>) src(%dma_wait3A_130 : memref<100352x128xf32, #tpu.memory_space<hbm>>) dst(%dma_wait3A_125 : memref<128x128xf32, #tpu.memory_space<vmem>>)
    %dma_wait3A_131 = arith.constant 128 : i32
    %dma_wait3A_132 = arith.constant 0 : i32
    %dma_wait3A_133 = tpu.memref_slice %arg18[%dma_wait3A_131, %dma_wait3A_132] : memref<512x128xf32, #tpu.memory_space<vmem>> -> memref<128x128xf32, #tpu.memory_space<vmem>>
    %dma_wait3A_134 = arith.constant 128 : i32
    %dma_wait3A_135 = tpu.memref_slice %arg6[%dma_wait3A_134] : memref<512xi32, #tpu.memory_space<vmem>> -> memref<128xi32, #tpu.memory_space<vmem>>
    %dma_wait3A_136 = arith.constant 0 : i32
    %dma_wait3A_137 = arith.constant 0 : i32
    %dma_wait3A_138 = tpu.memref_slice %arg2[%dma_wait3A_136, %dma_wait3A_137] : memref<100352x128xf32, #tpu.memory_space<hbm>> -> memref<100352x128xf32, #tpu.memory_space<hbm>>
    tpu.wait_indirect_dma semaphore(%arg19 : memref<!tpu.dma_semaphore, #tpu.memory_space<semaphore_mem>>) src(%dma_wait3A_138 : memref<100352x128xf32, #tpu.memory_space<hbm>>) dst(%dma_wait3A_133 : memref<128x128xf32, #tpu.memory_space<vmem>>)
    %dma_wait3A_139 = arith.constant 256 : i32
    %dma_wait3A_140 = arith.constant 0 : i32
    %dma_wait3A_141 = tpu.memref_slice %arg18[%dma_wait3A_139, %dma_wait3A_140] : memref<512x128xf32, #tpu.memory_space<vmem>> -> memref<128x128xf32, #tpu.memory_space<vmem>>
    %dma_wait3A_142 = arith.constant 256 : i32
    %dma_wait3A_143 = tpu.memref_slice %arg6[%dma_wait3A_142] : memref<512xi32, #tpu.memory_space<vmem>> -> memref<128xi32, #tpu.memory_space<vmem>>
    %dma_wait3A_144 = arith.constant 0 : i32
    %dma_wait3A_145 = arith.constant 0 : i32
    %dma_wait3A_146 = tpu.memref_slice %arg2[%dma_wait3A_144, %dma_wait3A_145] : memref<100352x128xf32, #tpu.memory_space<hbm>> -> memref<100352x128xf32, #tpu.memory_space<hbm>>
    tpu.wait_indirect_dma semaphore(%arg19 : memref<!tpu.dma_semaphore, #tpu.memory_space<semaphore_mem>>) src(%dma_wait3A_146 : memref<100352x128xf32, #tpu.memory_space<hbm>>) dst(%dma_wait3A_141 : memref<128x128xf32, #tpu.memory_space<vmem>>)
    %dma_wait3A_147 = arith.constant 384 : i32
    %dma_wait3A_148 = arith.constant 0 : i32
    %dma_wait3A_149 = tpu.memref_slice %arg18[%dma_wait3A_147, %dma_wait3A_148] : memref<512x128xf32, #tpu.memory_space<vmem>> -> memref<128x128xf32, #tpu.memory_space<vmem>>
    %dma_wait3A_150 = arith.constant 384 : i32
    %dma_wait3A_151 = tpu.memref_slice %arg6[%dma_wait3A_150] : memref<512xi32, #tpu.memory_space<vmem>> -> memref<128xi32, #tpu.memory_space<vmem>>
    %dma_wait3A_152 = arith.constant 0 : i32
    %dma_wait3A_153 = arith.constant 0 : i32
    %dma_wait3A_154 = tpu.memref_slice %arg2[%dma_wait3A_152, %dma_wait3A_153] : memref<100352x128xf32, #tpu.memory_space<hbm>> -> memref<100352x128xf32, #tpu.memory_space<hbm>>
    tpu.wait_indirect_dma semaphore(%arg19 : memref<!tpu.dma_semaphore, #tpu.memory_space<semaphore_mem>>) src(%dma_wait3A_154 : memref<100352x128xf32, #tpu.memory_space<hbm>>) dst(%dma_wait3A_149 : memref<128x128xf32, #tpu.memory_space<vmem>>)
    %run_scoped3A_155 = arith.constant 1 : i32
    "tpu.region"() ({
      %run_scoped3A_871 = tpu.sem_alloc : memref<!tpu.dma_semaphore, #tpu.memory_space<semaphore_mem>>
      %dma_start3A_872 = arith.constant 0 : i32
      %dma_start3A_873 = tpu.memref_slice %arg4[%run_scoped3A_155, %mul3A_2, %dma_start3A_872] : memref<13x16384x128xf32, #tpu.memory_space<hbm>> -> memref<1x512x128xf32, #tpu.memory_space<hbm>>
      %dma_start3A_874 = tpu.memref_squeeze %dma_start3A_873 : memref<1x512x128xf32, #tpu.memory_space<hbm>> -> memref<512x128xf32, #tpu.memory_space<hbm>>
      %dma_start3A_875 = arith.constant 0 : i32
      %dma_start3A_876 = tpu.memref_slice %arg4[%run_scoped3A_155, %mul3A_2, %dma_start3A_875] : memref<13x16384x128xf32, #tpu.memory_space<hbm>> -> memref<1x512x128xf32, #tpu.memory_space<hbm>>
      %dma_start3A_877 = tpu.memref_squeeze %dma_start3A_876 : memref<1x512x128xf32, #tpu.memory_space<hbm>> -> memref<512x128xf32, #tpu.memory_space<hbm>>
      tpu.enqueue_dma source(%arg18 : memref<512x128xf32, #tpu.memory_space<vmem>>) target(%dma_start3A_877 : memref<512x128xf32, #tpu.memory_space<hbm>>) target_semaphore(%run_scoped3A_871 : memref<!tpu.dma_semaphore, #tpu.memory_space<semaphore_mem>>)
      %dma_wait3A_878 = arith.constant 0 : i32
      %dma_wait3A_879 = tpu.memref_slice %arg4[%run_scoped3A_155, %mul3A_2, %dma_wait3A_878] : memref<13x16384x128xf32, #tpu.memory_space<hbm>> -> memref<1x512x128xf32, #tpu.memory_space<hbm>>
      %dma_wait3A_880 = tpu.memref_squeeze %dma_wait3A_879 : memref<1x512x128xf32, #tpu.memory_space<hbm>> -> memref<512x128xf32, #tpu.memory_space<hbm>>
      %dma_wait3A_881 = arith.constant 0 : i32
      %dma_wait3A_882 = tpu.memref_slice %arg4[%run_scoped3A_155, %mul3A_2, %dma_wait3A_881] : memref<13x16384x128xf32, #tpu.memory_space<hbm>> -> memref<1x512x128xf32, #tpu.memory_space<hbm>>
      %dma_wait3A_883 = tpu.memref_squeeze %dma_wait3A_882 : memref<1x512x128xf32, #tpu.memory_space<hbm>> -> memref<512x128xf32, #tpu.memory_space<hbm>>
      tpu.wait_dma2 semaphore(%run_scoped3A_871 : memref<!tpu.dma_semaphore, #tpu.memory_space<semaphore_mem>>) src(%arg18 : memref<512x128xf32, #tpu.memory_space<vmem>>) dst(%dma_wait3A_883 : memref<512x128xf32, #tpu.memory_space<hbm>>)
      tpu.yield
    }) : () -> ()
    %dma_start3A_156 = arith.constant 0 : i32
    %dma_start3A_157 = arith.constant 0 : i32
    %dma_start3A_158 = tpu.memref_slice %arg18[%dma_start3A_156, %dma_start3A_157] : memref<512x128xf32, #tpu.memory_space<vmem>> -> memref<128x128xf32, #tpu.memory_space<vmem>>
    %dma_start3A_159 = arith.constant 0 : i32
    %dma_start3A_160 = tpu.memref_slice %arg7[%dma_start3A_159] : memref<512xi32, #tpu.memory_space<vmem>> -> memref<128xi32, #tpu.memory_space<vmem>>
    %dma_start3A_161 = arith.constant 0 : i32
    %dma_start3A_162 = arith.constant 0 : i32
    %dma_start3A_163 = tpu.memref_slice %arg2[%dma_start3A_161, %dma_start3A_162] : memref<100352x128xf32, #tpu.memory_space<hbm>> -> memref<100352x128xf32, #tpu.memory_space<hbm>>
    tpu.enqueue_indirect_dma source(%dma_start3A_163 : memref<100352x128xf32, #tpu.memory_space<hbm>>) target(%dma_start3A_158 : memref<128x128xf32, #tpu.memory_space<vmem>>) offsets(%dma_start3A_160 : memref<128xi32, #tpu.memory_space<vmem>>) semaphore(%arg19 : memref<!tpu.dma_semaphore, #tpu.memory_space<semaphore_mem>>)
    %dma_start3A_164 = arith.constant 128 : i32
    %dma_start3A_165 = arith.constant 0 : i32
    %dma_start3A_166 = tpu.memref_slice %arg18[%dma_start3A_164, %dma_start3A_165] : memref<512x128xf32, #tpu.memory_space<vmem>> -> memref<128x128xf32, #tpu.memory_space<vmem>>
    %dma_start3A_167 = arith.constant 128 : i32
    %dma_start3A_168 = tpu.memref_slice %arg7[%dma_start3A_167] : memref<512xi32, #tpu.memory_space<vmem>> -> memref<128xi32, #tpu.memory_space<vmem>>
    %dma_start3A_169 = arith.constant 0 : i32
    %dma_start3A_170 = arith.constant 0 : i32
    %dma_start3A_171 = tpu.memref_slice %arg2[%dma_start3A_169, %dma_start3A_170] : memref<100352x128xf32, #tpu.memory_space<hbm>> -> memref<100352x128xf32, #tpu.memory_space<hbm>>
    tpu.enqueue_indirect_dma source(%dma_start3A_171 : memref<100352x128xf32, #tpu.memory_space<hbm>>) target(%dma_start3A_166 : memref<128x128xf32, #tpu.memory_space<vmem>>) offsets(%dma_start3A_168 : memref<128xi32, #tpu.memory_space<vmem>>) semaphore(%arg19 : memref<!tpu.dma_semaphore, #tpu.memory_space<semaphore_mem>>)
    %dma_start3A_172 = arith.constant 256 : i32
    %dma_start3A_173 = arith.constant 0 : i32
    %dma_start3A_174 = tpu.memref_slice %arg18[%dma_start3A_172, %dma_start3A_173] : memref<512x128xf32, #tpu.memory_space<vmem>> -> memref<128x128xf32, #tpu.memory_space<vmem>>
    %dma_start3A_175 = arith.constant 256 : i32
    %dma_start3A_176 = tpu.memref_slice %arg7[%dma_start3A_175] : memref<512xi32, #tpu.memory_space<vmem>> -> memref<128xi32, #tpu.memory_space<vmem>>
    %dma_start3A_177 = arith.constant 0 : i32
    %dma_start3A_178 = arith.constant 0 : i32
    %dma_start3A_179 = tpu.memref_slice %arg2[%dma_start3A_177, %dma_start3A_178] : memref<100352x128xf32, #tpu.memory_space<hbm>> -> memref<100352x128xf32, #tpu.memory_space<hbm>>
    tpu.enqueue_indirect_dma source(%dma_start3A_179 : memref<100352x128xf32, #tpu.memory_space<hbm>>) target(%dma_start3A_174 : memref<128x128xf32, #tpu.memory_space<vmem>>) offsets(%dma_start3A_176 : memref<128xi32, #tpu.memory_space<vmem>>) semaphore(%arg19 : memref<!tpu.dma_semaphore, #tpu.memory_space<semaphore_mem>>)
    %dma_start3A_180 = arith.constant 384 : i32
    %dma_start3A_181 = arith.constant 0 : i32
    %dma_start3A_182 = tpu.memref_slice %arg18[%dma_start3A_180, %dma_start3A_181] : memref<512x128xf32, #tpu.memory_space<vmem>> -> memref<128x128xf32, #tpu.memory_space<vmem>>
    %dma_start3A_183 = arith.constant 384 : i32
    %dma_start3A_184 = tpu.memref_slice %arg7[%dma_start3A_183] : memref<512xi32, #tpu.memory_space<vmem>> -> memref<128xi32, #tpu.memory_space<vmem>>
    %dma_start3A_185 = arith.constant 0 : i32
    %dma_start3A_186 = arith.constant 0 : i32
    %dma_start3A_187 = tpu.memref_slice %arg2[%dma_start3A_185, %dma_start3A_186] : memref<100352x128xf32, #tpu.memory_space<hbm>> -> memref<100352x128xf32, #tpu.memory_space<hbm>>
    tpu.enqueue_indirect_dma source(%dma_start3A_187 : memref<100352x128xf32, #tpu.memory_space<hbm>>) target(%dma_start3A_182 : memref<128x128xf32, #tpu.memory_space<vmem>>) offsets(%dma_start3A_184 : memref<128xi32, #tpu.memory_space<vmem>>) semaphore(%arg19 : memref<!tpu.dma_semaphore, #tpu.memory_space<semaphore_mem>>)
    %dma_wait3A_188 = arith.constant 0 : i32
    %dma_wait3A_189 = arith.constant 0 : i32
    %dma_wait3A_190 = tpu.memref_slice %arg18[%dma_wait3A_188, %dma_wait3A_189] : memref<512x128xf32, #tpu.memory_space<vmem>> -> memref<128x128xf32, #tpu.memory_space<vmem>>
    %dma_wait3A_191 = arith.constant 0 : i32
    %dma_wait3A_192 = tpu.memref_slice %arg7[%dma_wait3A_191] : memref<512xi32, #tpu.memory_space<vmem>> -> memref<128xi32, #tpu.memory_space<vmem>>
    %dma_wait3A_193 = arith.constant 0 : i32
    %dma_wait3A_194 = arith.constant 0 : i32
    %dma_wait3A_195 = tpu.memref_slice %arg2[%dma_wait3A_193, %dma_wait3A_194] : memref<100352x128xf32, #tpu.memory_space<hbm>> -> memref<100352x128xf32, #tpu.memory_space<hbm>>
    tpu.wait_indirect_dma semaphore(%arg19 : memref<!tpu.dma_semaphore, #tpu.memory_space<semaphore_mem>>) src(%dma_wait3A_195 : memref<100352x128xf32, #tpu.memory_space<hbm>>) dst(%dma_wait3A_190 : memref<128x128xf32, #tpu.memory_space<vmem>>)
    %dma_wait3A_196 = arith.constant 128 : i32
    %dma_wait3A_197 = arith.constant 0 : i32
    %dma_wait3A_198 = tpu.memref_slice %arg18[%dma_wait3A_196, %dma_wait3A_197] : memref<512x128xf32, #tpu.memory_space<vmem>> -> memref<128x128xf32, #tpu.memory_space<vmem>>
    %dma_wait3A_199 = arith.constant 128 : i32
    %dma_wait3A_200 = tpu.memref_slice %arg7[%dma_wait3A_199] : memref<512xi32, #tpu.memory_space<vmem>> -> memref<128xi32, #tpu.memory_space<vmem>>
    %dma_wait3A_201 = arith.constant 0 : i32
    %dma_wait3A_202 = arith.constant 0 : i32
    %dma_wait3A_203 = tpu.memref_slice %arg2[%dma_wait3A_201, %dma_wait3A_202] : memref<100352x128xf32, #tpu.memory_space<hbm>> -> memref<100352x128xf32, #tpu.memory_space<hbm>>
    tpu.wait_indirect_dma semaphore(%arg19 : memref<!tpu.dma_semaphore, #tpu.memory_space<semaphore_mem>>) src(%dma_wait3A_203 : memref<100352x128xf32, #tpu.memory_space<hbm>>) dst(%dma_wait3A_198 : memref<128x128xf32, #tpu.memory_space<vmem>>)
    %dma_wait3A_204 = arith.constant 256 : i32
    %dma_wait3A_205 = arith.constant 0 : i32
    %dma_wait3A_206 = tpu.memref_slice %arg18[%dma_wait3A_204, %dma_wait3A_205] : memref<512x128xf32, #tpu.memory_space<vmem>> -> memref<128x128xf32, #tpu.memory_space<vmem>>
    %dma_wait3A_207 = arith.constant 256 : i32
    %dma_wait3A_208 = tpu.memref_slice %arg7[%dma_wait3A_207] : memref<512xi32, #tpu.memory_space<vmem>> -> memref<128xi32, #tpu.memory_space<vmem>>
    %dma_wait3A_209 = arith.constant 0 : i32
    %dma_wait3A_210 = arith.constant 0 : i32
    %dma_wait3A_211 = tpu.memref_slice %arg2[%dma_wait3A_209, %dma_wait3A_210] : memref<100352x128xf32, #tpu.memory_space<hbm>> -> memref<100352x128xf32, #tpu.memory_space<hbm>>
    tpu.wait_indirect_dma semaphore(%arg19 : memref<!tpu.dma_semaphore, #tpu.memory_space<semaphore_mem>>) src(%dma_wait3A_211 : memref<100352x128xf32, #tpu.memory_space<hbm>>) dst(%dma_wait3A_206 : memref<128x128xf32, #tpu.memory_space<vmem>>)
    %dma_wait3A_212 = arith.constant 384 : i32
    %dma_wait3A_213 = arith.constant 0 : i32
    %dma_wait3A_214 = tpu.memref_slice %arg18[%dma_wait3A_212, %dma_wait3A_213] : memref<512x128xf32, #tpu.memory_space<vmem>> -> memref<128x128xf32, #tpu.memory_space<vmem>>
    %dma_wait3A_215 = arith.constant 384 : i32
    %dma_wait3A_216 = tpu.memref_slice %arg7[%dma_wait3A_215] : memref<512xi32, #tpu.memory_space<vmem>> -> memref<128xi32, #tpu.memory_space<vmem>>
    %dma_wait3A_217 = arith.constant 0 : i32
    %dma_wait3A_218 = arith.constant 0 : i32
    %dma_wait3A_219 = tpu.memref_slice %arg2[%dma_wait3A_217, %dma_wait3A_218] : memref<100352x128xf32, #tpu.memory_space<hbm>> -> memref<100352x128xf32, #tpu.memory_space<hbm>>
    tpu.wait_indirect_dma semaphore(%arg19 : memref<!tpu.dma_semaphore, #tpu.memory_space<semaphore_mem>>) src(%dma_wait3A_219 : memref<100352x128xf32, #tpu.memory_space<hbm>>) dst(%dma_wait3A_214 : memref<128x128xf32, #tpu.memory_space<vmem>>)
    %run_scoped3A_220 = arith.constant 2 : i32
    "tpu.region"() ({
      %run_scoped3A_871 = tpu.sem_alloc : memref<!tpu.dma_semaphore, #tpu.memory_space<semaphore_mem>>
      %dma_start3A_872 = arith.constant 0 : i32
      %dma_start3A_873 = tpu.memref_slice %arg4[%run_scoped3A_220, %mul3A_2, %dma_start3A_872] : memref<13x16384x128xf32, #tpu.memory_space<hbm>> -> memref<1x512x128xf32, #tpu.memory_space<hbm>>
      %dma_start3A_874 = tpu.memref_squeeze %dma_start3A_873 : memref<1x512x128xf32, #tpu.memory_space<hbm>> -> memref<512x128xf32, #tpu.memory_space<hbm>>
      %dma_start3A_875 = arith.constant 0 : i32
      %dma_start3A_876 = tpu.memref_slice %arg4[%run_scoped3A_220, %mul3A_2, %dma_start3A_875] : memref<13x16384x128xf32, #tpu.memory_space<hbm>> -> memref<1x512x128xf32, #tpu.memory_space<hbm>>
      %dma_start3A_877 = tpu.memref_squeeze %dma_start3A_876 : memref<1x512x128xf32, #tpu.memory_space<hbm>> -> memref<512x128xf32, #tpu.memory_space<hbm>>
      tpu.enqueue_dma source(%arg18 : memref<512x128xf32, #tpu.memory_space<vmem>>) target(%dma_start3A_877 : memref<512x128xf32, #tpu.memory_space<hbm>>) target_semaphore(%run_scoped3A_871 : memref<!tpu.dma_semaphore, #tpu.memory_space<semaphore_mem>>)
      %dma_wait3A_878 = arith.constant 0 : i32
      %dma_wait3A_879 = tpu.memref_slice %arg4[%run_scoped3A_220, %mul3A_2, %dma_wait3A_878] : memref<13x16384x128xf32, #tpu.memory_space<hbm>> -> memref<1x512x128xf32, #tpu.memory_space<hbm>>
      %dma_wait3A_880 = tpu.memref_squeeze %dma_wait3A_879 : memref<1x512x128xf32, #tpu.memory_space<hbm>> -> memref<512x128xf32, #tpu.memory_space<hbm>>
      %dma_wait3A_881 = arith.constant 0 : i32
      %dma_wait3A_882 = tpu.memref_slice %arg4[%run_scoped3A_220, %mul3A_2, %dma_wait3A_881] : memref<13x16384x128xf32, #tpu.memory_space<hbm>> -> memref<1x512x128xf32, #tpu.memory_space<hbm>>
      %dma_wait3A_883 = tpu.memref_squeeze %dma_wait3A_882 : memref<1x512x128xf32, #tpu.memory_space<hbm>> -> memref<512x128xf32, #tpu.memory_space<hbm>>
      tpu.wait_dma2 semaphore(%run_scoped3A_871 : memref<!tpu.dma_semaphore, #tpu.memory_space<semaphore_mem>>) src(%arg18 : memref<512x128xf32, #tpu.memory_space<vmem>>) dst(%dma_wait3A_883 : memref<512x128xf32, #tpu.memory_space<hbm>>)
      tpu.yield
    }) : () -> ()
    %dma_start3A_221 = arith.constant 0 : i32
    %dma_start3A_222 = arith.constant 0 : i32
    %dma_start3A_223 = tpu.memref_slice %arg18[%dma_start3A_221, %dma_start3A_222] : memref<512x128xf32, #tpu.memory_space<vmem>> -> memref<128x128xf32, #tpu.memory_space<vmem>>
    %dma_start3A_224 = arith.constant 0 : i32
    %dma_start3A_225 = tpu.memref_slice %arg8[%dma_start3A_224] : memref<512xi32, #tpu.memory_space<vmem>> -> memref<128xi32, #tpu.memory_space<vmem>>
    %dma_start3A_226 = arith.constant 0 : i32
    %dma_start3A_227 = arith.constant 0 : i32
    %dma_start3A_228 = tpu.memref_slice %arg2[%dma_start3A_226, %dma_start3A_227] : memref<100352x128xf32, #tpu.memory_space<hbm>> -> memref<100352x128xf32, #tpu.memory_space<hbm>>
    tpu.enqueue_indirect_dma source(%dma_start3A_228 : memref<100352x128xf32, #tpu.memory_space<hbm>>) target(%dma_start3A_223 : memref<128x128xf32, #tpu.memory_space<vmem>>) offsets(%dma_start3A_225 : memref<128xi32, #tpu.memory_space<vmem>>) semaphore(%arg19 : memref<!tpu.dma_semaphore, #tpu.memory_space<semaphore_mem>>)
    %dma_start3A_229 = arith.constant 128 : i32
    %dma_start3A_230 = arith.constant 0 : i32
    %dma_start3A_231 = tpu.memref_slice %arg18[%dma_start3A_229, %dma_start3A_230] : memref<512x128xf32, #tpu.memory_space<vmem>> -> memref<128x128xf32, #tpu.memory_space<vmem>>
    %dma_start3A_232 = arith.constant 128 : i32
    %dma_start3A_233 = tpu.memref_slice %arg8[%dma_start3A_232] : memref<512xi32, #tpu.memory_space<vmem>> -> memref<128xi32, #tpu.memory_space<vmem>>
    %dma_start3A_234 = arith.constant 0 : i32
    %dma_start3A_235 = arith.constant 0 : i32
    %dma_start3A_236 = tpu.memref_slice %arg2[%dma_start3A_234, %dma_start3A_235] : memref<100352x128xf32, #tpu.memory_space<hbm>> -> memref<100352x128xf32, #tpu.memory_space<hbm>>
    tpu.enqueue_indirect_dma source(%dma_start3A_236 : memref<100352x128xf32, #tpu.memory_space<hbm>>) target(%dma_start3A_231 : memref<128x128xf32, #tpu.memory_space<vmem>>) offsets(%dma_start3A_233 : memref<128xi32, #tpu.memory_space<vmem>>) semaphore(%arg19 : memref<!tpu.dma_semaphore, #tpu.memory_space<semaphore_mem>>)
    %dma_start3A_237 = arith.constant 256 : i32
    %dma_start3A_238 = arith.constant 0 : i32
    %dma_start3A_239 = tpu.memref_slice %arg18[%dma_start3A_237, %dma_start3A_238] : memref<512x128xf32, #tpu.memory_space<vmem>> -> memref<128x128xf32, #tpu.memory_space<vmem>>
    %dma_start3A_240 = arith.constant 256 : i32
    %dma_start3A_241 = tpu.memref_slice %arg8[%dma_start3A_240] : memref<512xi32, #tpu.memory_space<vmem>> -> memref<128xi32, #tpu.memory_space<vmem>>
    %dma_start3A_242 = arith.constant 0 : i32
    %dma_start3A_243 = arith.constant 0 : i32
    %dma_start3A_244 = tpu.memref_slice %arg2[%dma_start3A_242, %dma_start3A_243] : memref<100352x128xf32, #tpu.memory_space<hbm>> -> memref<100352x128xf32, #tpu.memory_space<hbm>>
    tpu.enqueue_indirect_dma source(%dma_start3A_244 : memref<100352x128xf32, #tpu.memory_space<hbm>>) target(%dma_start3A_239 : memref<128x128xf32, #tpu.memory_space<vmem>>) offsets(%dma_start3A_241 : memref<128xi32, #tpu.memory_space<vmem>>) semaphore(%arg19 : memref<!tpu.dma_semaphore, #tpu.memory_space<semaphore_mem>>)
    %dma_start3A_245 = arith.constant 384 : i32
    %dma_start3A_246 = arith.constant 0 : i32
    %dma_start3A_247 = tpu.memref_slice %arg18[%dma_start3A_245, %dma_start3A_246] : memref<512x128xf32, #tpu.memory_space<vmem>> -> memref<128x128xf32, #tpu.memory_space<vmem>>
    %dma_start3A_248 = arith.constant 384 : i32
    %dma_start3A_249 = tpu.memref_slice %arg8[%dma_start3A_248] : memref<512xi32, #tpu.memory_space<vmem>> -> memref<128xi32, #tpu.memory_space<vmem>>
    %dma_start3A_250 = arith.constant 0 : i32
    %dma_start3A_251 = arith.constant 0 : i32
    %dma_start3A_252 = tpu.memref_slice %arg2[%dma_start3A_250, %dma_start3A_251] : memref<100352x128xf32, #tpu.memory_space<hbm>> -> memref<100352x128xf32, #tpu.memory_space<hbm>>
    tpu.enqueue_indirect_dma source(%dma_start3A_252 : memref<100352x128xf32, #tpu.memory_space<hbm>>) target(%dma_start3A_247 : memref<128x128xf32, #tpu.memory_space<vmem>>) offsets(%dma_start3A_249 : memref<128xi32, #tpu.memory_space<vmem>>) semaphore(%arg19 : memref<!tpu.dma_semaphore, #tpu.memory_space<semaphore_mem>>)
    %dma_wait3A_253 = arith.constant 0 : i32
    %dma_wait3A_254 = arith.constant 0 : i32
    %dma_wait3A_255 = tpu.memref_slice %arg18[%dma_wait3A_253, %dma_wait3A_254] : memref<512x128xf32, #tpu.memory_space<vmem>> -> memref<128x128xf32, #tpu.memory_space<vmem>>
    %dma_wait3A_256 = arith.constant 0 : i32
    %dma_wait3A_257 = tpu.memref_slice %arg8[%dma_wait3A_256] : memref<512xi32, #tpu.memory_space<vmem>> -> memref<128xi32, #tpu.memory_space<vmem>>
    %dma_wait3A_258 = arith.constant 0 : i32
    %dma_wait3A_259 = arith.constant 0 : i32
    %dma_wait3A_260 = tpu.memref_slice %arg2[%dma_wait3A_258, %dma_wait3A_259] : memref<100352x128xf32, #tpu.memory_space<hbm>> -> memref<100352x128xf32, #tpu.memory_space<hbm>>
    tpu.wait_indirect_dma semaphore(%arg19 : memref<!tpu.dma_semaphore, #tpu.memory_space<semaphore_mem>>) src(%dma_wait3A_260 : memref<100352x128xf32, #tpu.memory_space<hbm>>) dst(%dma_wait3A_255 : memref<128x128xf32, #tpu.memory_space<vmem>>)
    %dma_wait3A_261 = arith.constant 128 : i32
    %dma_wait3A_262 = arith.constant 0 : i32
    %dma_wait3A_263 = tpu.memref_slice %arg18[%dma_wait3A_261, %dma_wait3A_262] : memref<512x128xf32, #tpu.memory_space<vmem>> -> memref<128x128xf32, #tpu.memory_space<vmem>>
    %dma_wait3A_264 = arith.constant 128 : i32
    %dma_wait3A_265 = tpu.memref_slice %arg8[%dma_wait3A_264] : memref<512xi32, #tpu.memory_space<vmem>> -> memref<128xi32, #tpu.memory_space<vmem>>
    %dma_wait3A_266 = arith.constant 0 : i32
    %dma_wait3A_267 = arith.constant 0 : i32
    %dma_wait3A_268 = tpu.memref_slice %arg2[%dma_wait3A_266, %dma_wait3A_267] : memref<100352x128xf32, #tpu.memory_space<hbm>> -> memref<100352x128xf32, #tpu.memory_space<hbm>>
    tpu.wait_indirect_dma semaphore(%arg19 : memref<!tpu.dma_semaphore, #tpu.memory_space<semaphore_mem>>) src(%dma_wait3A_268 : memref<100352x128xf32, #tpu.memory_space<hbm>>) dst(%dma_wait3A_263 : memref<128x128xf32, #tpu.memory_space<vmem>>)
    %dma_wait3A_269 = arith.constant 256 : i32
    %dma_wait3A_270 = arith.constant 0 : i32
    %dma_wait3A_271 = tpu.memref_slice %arg18[%dma_wait3A_269, %dma_wait3A_270] : memref<512x128xf32, #tpu.memory_space<vmem>> -> memref<128x128xf32, #tpu.memory_space<vmem>>
    %dma_wait3A_272 = arith.constant 256 : i32
    %dma_wait3A_273 = tpu.memref_slice %arg8[%dma_wait3A_272] : memref<512xi32, #tpu.memory_space<vmem>> -> memref<128xi32, #tpu.memory_space<vmem>>
    %dma_wait3A_274 = arith.constant 0 : i32
    %dma_wait3A_275 = arith.constant 0 : i32
    %dma_wait3A_276 = tpu.memref_slice %arg2[%dma_wait3A_274, %dma_wait3A_275] : memref<100352x128xf32, #tpu.memory_space<hbm>> -> memref<100352x128xf32, #tpu.memory_space<hbm>>
    tpu.wait_indirect_dma semaphore(%arg19 : memref<!tpu.dma_semaphore, #tpu.memory_space<semaphore_mem>>) src(%dma_wait3A_276 : memref<100352x128xf32, #tpu.memory_space<hbm>>) dst(%dma_wait3A_271 : memref<128x128xf32, #tpu.memory_space<vmem>>)
    %dma_wait3A_277 = arith.constant 384 : i32
    %dma_wait3A_278 = arith.constant 0 : i32
    %dma_wait3A_279 = tpu.memref_slice %arg18[%dma_wait3A_277, %dma_wait3A_278] : memref<512x128xf32, #tpu.memory_space<vmem>> -> memref<128x128xf32, #tpu.memory_space<vmem>>
    %dma_wait3A_280 = arith.constant 384 : i32
    %dma_wait3A_281 = tpu.memref_slice %arg8[%dma_wait3A_280] : memref<512xi32, #tpu.memory_space<vmem>> -> memref<128xi32, #tpu.memory_space<vmem>>
    %dma_wait3A_282 = arith.constant 0 : i32
    %dma_wait3A_283 = arith.constant 0 : i32
    %dma_wait3A_284 = tpu.memref_slice %arg2[%dma_wait3A_282, %dma_wait3A_283] : memref<100352x128xf32, #tpu.memory_space<hbm>> -> memref<100352x128xf32, #tpu.memory_space<hbm>>
    tpu.wait_indirect_dma semaphore(%arg19 : memref<!tpu.dma_semaphore, #tpu.memory_space<semaphore_mem>>) src(%dma_wait3A_284 : memref<100352x128xf32, #tpu.memory_space<hbm>>) dst(%dma_wait3A_279 : memref<128x128xf32, #tpu.memory_space<vmem>>)
    %run_scoped3A_285 = arith.constant 3 : i32
    "tpu.region"() ({
      %run_scoped3A_871 = tpu.sem_alloc : memref<!tpu.dma_semaphore, #tpu.memory_space<semaphore_mem>>
      %dma_start3A_872 = arith.constant 0 : i32
      %dma_start3A_873 = tpu.memref_slice %arg4[%run_scoped3A_285, %mul3A_2, %dma_start3A_872] : memref<13x16384x128xf32, #tpu.memory_space<hbm>> -> memref<1x512x128xf32, #tpu.memory_space<hbm>>
      %dma_start3A_874 = tpu.memref_squeeze %dma_start3A_873 : memref<1x512x128xf32, #tpu.memory_space<hbm>> -> memref<512x128xf32, #tpu.memory_space<hbm>>
      %dma_start3A_875 = arith.constant 0 : i32
      %dma_start3A_876 = tpu.memref_slice %arg4[%run_scoped3A_285, %mul3A_2, %dma_start3A_875] : memref<13x16384x128xf32, #tpu.memory_space<hbm>> -> memref<1x512x128xf32, #tpu.memory_space<hbm>>
      %dma_start3A_877 = tpu.memref_squeeze %dma_start3A_876 : memref<1x512x128xf32, #tpu.memory_space<hbm>> -> memref<512x128xf32, #tpu.memory_space<hbm>>
      tpu.enqueue_dma source(%arg18 : memref<512x128xf32, #tpu.memory_space<vmem>>) target(%dma_start3A_877 : memref<512x128xf32, #tpu.memory_space<hbm>>) target_semaphore(%run_scoped3A_871 : memref<!tpu.dma_semaphore, #tpu.memory_space<semaphore_mem>>)
      %dma_wait3A_878 = arith.constant 0 : i32
      %dma_wait3A_879 = tpu.memref_slice %arg4[%run_scoped3A_285, %mul3A_2, %dma_wait3A_878] : memref<13x16384x128xf32, #tpu.memory_space<hbm>> -> memref<1x512x128xf32, #tpu.memory_space<hbm>>
      %dma_wait3A_880 = tpu.memref_squeeze %dma_wait3A_879 : memref<1x512x128xf32, #tpu.memory_space<hbm>> -> memref<512x128xf32, #tpu.memory_space<hbm>>
      %dma_wait3A_881 = arith.constant 0 : i32
      %dma_wait3A_882 = tpu.memref_slice %arg4[%run_scoped3A_285, %mul3A_2, %dma_wait3A_881] : memref<13x16384x128xf32, #tpu.memory_space<hbm>> -> memref<1x512x128xf32, #tpu.memory_space<hbm>>
      %dma_wait3A_883 = tpu.memref_squeeze %dma_wait3A_882 : memref<1x512x128xf32, #tpu.memory_space<hbm>> -> memref<512x128xf32, #tpu.memory_space<hbm>>
      tpu.wait_dma2 semaphore(%run_scoped3A_871 : memref<!tpu.dma_semaphore, #tpu.memory_space<semaphore_mem>>) src(%arg18 : memref<512x128xf32, #tpu.memory_space<vmem>>) dst(%dma_wait3A_883 : memref<512x128xf32, #tpu.memory_space<hbm>>)
      tpu.yield
    }) : () -> ()
    %dma_start3A_286 = arith.constant 0 : i32
    %dma_start3A_287 = arith.constant 0 : i32
    %dma_start3A_288 = tpu.memref_slice %arg18[%dma_start3A_286, %dma_start3A_287] : memref<512x128xf32, #tpu.memory_space<vmem>> -> memref<128x128xf32, #tpu.memory_space<vmem>>
    %dma_start3A_289 = arith.constant 0 : i32
    %dma_start3A_290 = tpu.memref_slice %arg9[%dma_start3A_289] : memref<512xi32, #tpu.memory_space<vmem>> -> memref<128xi32, #tpu.memory_space<vmem>>
    %dma_start3A_291 = arith.constant 0 : i32
    %dma_start3A_292 = arith.constant 0 : i32
    %dma_start3A_293 = tpu.memref_slice %arg2[%dma_start3A_291, %dma_start3A_292] : memref<100352x128xf32, #tpu.memory_space<hbm>> -> memref<100352x128xf32, #tpu.memory_space<hbm>>
    tpu.enqueue_indirect_dma source(%dma_start3A_293 : memref<100352x128xf32, #tpu.memory_space<hbm>>) target(%dma_start3A_288 : memref<128x128xf32, #tpu.memory_space<vmem>>) offsets(%dma_start3A_290 : memref<128xi32, #tpu.memory_space<vmem>>) semaphore(%arg19 : memref<!tpu.dma_semaphore, #tpu.memory_space<semaphore_mem>>)
    %dma_start3A_294 = arith.constant 128 : i32
    %dma_start3A_295 = arith.constant 0 : i32
    %dma_start3A_296 = tpu.memref_slice %arg18[%dma_start3A_294, %dma_start3A_295] : memref<512x128xf32, #tpu.memory_space<vmem>> -> memref<128x128xf32, #tpu.memory_space<vmem>>
    %dma_start3A_297 = arith.constant 128 : i32
    %dma_start3A_298 = tpu.memref_slice %arg9[%dma_start3A_297] : memref<512xi32, #tpu.memory_space<vmem>> -> memref<128xi32, #tpu.memory_space<vmem>>
    %dma_start3A_299 = arith.constant 0 : i32
    %dma_start3A_300 = arith.constant 0 : i32
    %dma_start3A_301 = tpu.memref_slice %arg2[%dma_start3A_299, %dma_start3A_300] : memref<100352x128xf32, #tpu.memory_space<hbm>> -> memref<100352x128xf32, #tpu.memory_space<hbm>>
    tpu.enqueue_indirect_dma source(%dma_start3A_301 : memref<100352x128xf32, #tpu.memory_space<hbm>>) target(%dma_start3A_296 : memref<128x128xf32, #tpu.memory_space<vmem>>) offsets(%dma_start3A_298 : memref<128xi32, #tpu.memory_space<vmem>>) semaphore(%arg19 : memref<!tpu.dma_semaphore, #tpu.memory_space<semaphore_mem>>)
    %dma_start3A_302 = arith.constant 256 : i32
    %dma_start3A_303 = arith.constant 0 : i32
    %dma_start3A_304 = tpu.memref_slice %arg18[%dma_start3A_302, %dma_start3A_303] : memref<512x128xf32, #tpu.memory_space<vmem>> -> memref<128x128xf32, #tpu.memory_space<vmem>>
    %dma_start3A_305 = arith.constant 256 : i32
    %dma_start3A_306 = tpu.memref_slice %arg9[%dma_start3A_305] : memref<512xi32, #tpu.memory_space<vmem>> -> memref<128xi32, #tpu.memory_space<vmem>>
    %dma_start3A_307 = arith.constant 0 : i32
    %dma_start3A_308 = arith.constant 0 : i32
    %dma_start3A_309 = tpu.memref_slice %arg2[%dma_start3A_307, %dma_start3A_308] : memref<100352x128xf32, #tpu.memory_space<hbm>> -> memref<100352x128xf32, #tpu.memory_space<hbm>>
    tpu.enqueue_indirect_dma source(%dma_start3A_309 : memref<100352x128xf32, #tpu.memory_space<hbm>>) target(%dma_start3A_304 : memref<128x128xf32, #tpu.memory_space<vmem>>) offsets(%dma_start3A_306 : memref<128xi32, #tpu.memory_space<vmem>>) semaphore(%arg19 : memref<!tpu.dma_semaphore, #tpu.memory_space<semaphore_mem>>)
    %dma_start3A_310 = arith.constant 384 : i32
    %dma_start3A_311 = arith.constant 0 : i32
    %dma_start3A_312 = tpu.memref_slice %arg18[%dma_start3A_310, %dma_start3A_311] : memref<512x128xf32, #tpu.memory_space<vmem>> -> memref<128x128xf32, #tpu.memory_space<vmem>>
    %dma_start3A_313 = arith.constant 384 : i32
    %dma_start3A_314 = tpu.memref_slice %arg9[%dma_start3A_313] : memref<512xi32, #tpu.memory_space<vmem>> -> memref<128xi32, #tpu.memory_space<vmem>>
    %dma_start3A_315 = arith.constant 0 : i32
    %dma_start3A_316 = arith.constant 0 : i32
    %dma_start3A_317 = tpu.memref_slice %arg2[%dma_start3A_315, %dma_start3A_316] : memref<100352x128xf32, #tpu.memory_space<hbm>> -> memref<100352x128xf32, #tpu.memory_space<hbm>>
    tpu.enqueue_indirect_dma source(%dma_start3A_317 : memref<100352x128xf32, #tpu.memory_space<hbm>>) target(%dma_start3A_312 : memref<128x128xf32, #tpu.memory_space<vmem>>) offsets(%dma_start3A_314 : memref<128xi32, #tpu.memory_space<vmem>>) semaphore(%arg19 : memref<!tpu.dma_semaphore, #tpu.memory_space<semaphore_mem>>)
    %dma_wait3A_318 = arith.constant 0 : i32
    %dma_wait3A_319 = arith.constant 0 : i32
    %dma_wait3A_320 = tpu.memref_slice %arg18[%dma_wait3A_318, %dma_wait3A_319] : memref<512x128xf32, #tpu.memory_space<vmem>> -> memref<128x128xf32, #tpu.memory_space<vmem>>
    %dma_wait3A_321 = arith.constant 0 : i32
    %dma_wait3A_322 = tpu.memref_slice %arg9[%dma_wait3A_321] : memref<512xi32, #tpu.memory_space<vmem>> -> memref<128xi32, #tpu.memory_space<vmem>>
    %dma_wait3A_323 = arith.constant 0 : i32
    %dma_wait3A_324 = arith.constant 0 : i32
    %dma_wait3A_325 = tpu.memref_slice %arg2[%dma_wait3A_323, %dma_wait3A_324] : memref<100352x128xf32, #tpu.memory_space<hbm>> -> memref<100352x128xf32, #tpu.memory_space<hbm>>
    tpu.wait_indirect_dma semaphore(%arg19 : memref<!tpu.dma_semaphore, #tpu.memory_space<semaphore_mem>>) src(%dma_wait3A_325 : memref<100352x128xf32, #tpu.memory_space<hbm>>) dst(%dma_wait3A_320 : memref<128x128xf32, #tpu.memory_space<vmem>>)
    %dma_wait3A_326 = arith.constant 128 : i32
    %dma_wait3A_327 = arith.constant 0 : i32
    %dma_wait3A_328 = tpu.memref_slice %arg18[%dma_wait3A_326, %dma_wait3A_327] : memref<512x128xf32, #tpu.memory_space<vmem>> -> memref<128x128xf32, #tpu.memory_space<vmem>>
    %dma_wait3A_329 = arith.constant 128 : i32
    %dma_wait3A_330 = tpu.memref_slice %arg9[%dma_wait3A_329] : memref<512xi32, #tpu.memory_space<vmem>> -> memref<128xi32, #tpu.memory_space<vmem>>
    %dma_wait3A_331 = arith.constant 0 : i32
    %dma_wait3A_332 = arith.constant 0 : i32
    %dma_wait3A_333 = tpu.memref_slice %arg2[%dma_wait3A_331, %dma_wait3A_332] : memref<100352x128xf32, #tpu.memory_space<hbm>> -> memref<100352x128xf32, #tpu.memory_space<hbm>>
    tpu.wait_indirect_dma semaphore(%arg19 : memref<!tpu.dma_semaphore, #tpu.memory_space<semaphore_mem>>) src(%dma_wait3A_333 : memref<100352x128xf32, #tpu.memory_space<hbm>>) dst(%dma_wait3A_328 : memref<128x128xf32, #tpu.memory_space<vmem>>)
    %dma_wait3A_334 = arith.constant 256 : i32
    %dma_wait3A_335 = arith.constant 0 : i32
    %dma_wait3A_336 = tpu.memref_slice %arg18[%dma_wait3A_334, %dma_wait3A_335] : memref<512x128xf32, #tpu.memory_space<vmem>> -> memref<128x128xf32, #tpu.memory_space<vmem>>
    %dma_wait3A_337 = arith.constant 256 : i32
    %dma_wait3A_338 = tpu.memref_slice %arg9[%dma_wait3A_337] : memref<512xi32, #tpu.memory_space<vmem>> -> memref<128xi32, #tpu.memory_space<vmem>>
    %dma_wait3A_339 = arith.constant 0 : i32
    %dma_wait3A_340 = arith.constant 0 : i32
    %dma_wait3A_341 = tpu.memref_slice %arg2[%dma_wait3A_339, %dma_wait3A_340] : memref<100352x128xf32, #tpu.memory_space<hbm>> -> memref<100352x128xf32, #tpu.memory_space<hbm>>
    tpu.wait_indirect_dma semaphore(%arg19 : memref<!tpu.dma_semaphore, #tpu.memory_space<semaphore_mem>>) src(%dma_wait3A_341 : memref<100352x128xf32, #tpu.memory_space<hbm>>) dst(%dma_wait3A_336 : memref<128x128xf32, #tpu.memory_space<vmem>>)
    %dma_wait3A_342 = arith.constant 384 : i32
    %dma_wait3A_343 = arith.constant 0 : i32
    %dma_wait3A_344 = tpu.memref_slice %arg18[%dma_wait3A_342, %dma_wait3A_343] : memref<512x128xf32, #tpu.memory_space<vmem>> -> memref<128x128xf32, #tpu.memory_space<vmem>>
    %dma_wait3A_345 = arith.constant 384 : i32
    %dma_wait3A_346 = tpu.memref_slice %arg9[%dma_wait3A_345] : memref<512xi32, #tpu.memory_space<vmem>> -> memref<128xi32, #tpu.memory_space<vmem>>
    %dma_wait3A_347 = arith.constant 0 : i32
    %dma_wait3A_348 = arith.constant 0 : i32
    %dma_wait3A_349 = tpu.memref_slice %arg2[%dma_wait3A_347, %dma_wait3A_348] : memref<100352x128xf32, #tpu.memory_space<hbm>> -> memref<100352x128xf32, #tpu.memory_space<hbm>>
    tpu.wait_indirect_dma semaphore(%arg19 : memref<!tpu.dma_semaphore, #tpu.memory_space<semaphore_mem>>) src(%dma_wait3A_349 : memref<100352x128xf32, #tpu.memory_space<hbm>>) dst(%dma_wait3A_344 : memref<128x128xf32, #tpu.memory_space<vmem>>)
    %run_scoped3A_350 = arith.constant 4 : i32
    "tpu.region"() ({
      %run_scoped3A_871 = tpu.sem_alloc : memref<!tpu.dma_semaphore, #tpu.memory_space<semaphore_mem>>
      %dma_start3A_872 = arith.constant 0 : i32
      %dma_start3A_873 = tpu.memref_slice %arg4[%run_scoped3A_350, %mul3A_2, %dma_start3A_872] : memref<13x16384x128xf32, #tpu.memory_space<hbm>> -> memref<1x512x128xf32, #tpu.memory_space<hbm>>
      %dma_start3A_874 = tpu.memref_squeeze %dma_start3A_873 : memref<1x512x128xf32, #tpu.memory_space<hbm>> -> memref<512x128xf32, #tpu.memory_space<hbm>>
      %dma_start3A_875 = arith.constant 0 : i32
      %dma_start3A_876 = tpu.memref_slice %arg4[%run_scoped3A_350, %mul3A_2, %dma_start3A_875] : memref<13x16384x128xf32, #tpu.memory_space<hbm>> -> memref<1x512x128xf32, #tpu.memory_space<hbm>>
      %dma_start3A_877 = tpu.memref_squeeze %dma_start3A_876 : memref<1x512x128xf32, #tpu.memory_space<hbm>> -> memref<512x128xf32, #tpu.memory_space<hbm>>
      tpu.enqueue_dma source(%arg18 : memref<512x128xf32, #tpu.memory_space<vmem>>) target(%dma_start3A_877 : memref<512x128xf32, #tpu.memory_space<hbm>>) target_semaphore(%run_scoped3A_871 : memref<!tpu.dma_semaphore, #tpu.memory_space<semaphore_mem>>)
      %dma_wait3A_878 = arith.constant 0 : i32
      %dma_wait3A_879 = tpu.memref_slice %arg4[%run_scoped3A_350, %mul3A_2, %dma_wait3A_878] : memref<13x16384x128xf32, #tpu.memory_space<hbm>> -> memref<1x512x128xf32, #tpu.memory_space<hbm>>
      %dma_wait3A_880 = tpu.memref_squeeze %dma_wait3A_879 : memref<1x512x128xf32, #tpu.memory_space<hbm>> -> memref<512x128xf32, #tpu.memory_space<hbm>>
      %dma_wait3A_881 = arith.constant 0 : i32
      %dma_wait3A_882 = tpu.memref_slice %arg4[%run_scoped3A_350, %mul3A_2, %dma_wait3A_881] : memref<13x16384x128xf32, #tpu.memory_space<hbm>> -> memref<1x512x128xf32, #tpu.memory_space<hbm>>
      %dma_wait3A_883 = tpu.memref_squeeze %dma_wait3A_882 : memref<1x512x128xf32, #tpu.memory_space<hbm>> -> memref<512x128xf32, #tpu.memory_space<hbm>>
      tpu.wait_dma2 semaphore(%run_scoped3A_871 : memref<!tpu.dma_semaphore, #tpu.memory_space<semaphore_mem>>) src(%arg18 : memref<512x128xf32, #tpu.memory_space<vmem>>) dst(%dma_wait3A_883 : memref<512x128xf32, #tpu.memory_space<hbm>>)
      tpu.yield
    }) : () -> ()
    %dma_start3A_351 = arith.constant 0 : i32
    %dma_start3A_352 = arith.constant 0 : i32
    %dma_start3A_353 = tpu.memref_slice %arg18[%dma_start3A_351, %dma_start3A_352] : memref<512x128xf32, #tpu.memory_space<vmem>> -> memref<128x128xf32, #tpu.memory_space<vmem>>
    %dma_start3A_354 = arith.constant 0 : i32
    %dma_start3A_355 = tpu.memref_slice %arg10[%dma_start3A_354] : memref<512xi32, #tpu.memory_space<vmem>> -> memref<128xi32, #tpu.memory_space<vmem>>
    %dma_start3A_356 = arith.constant 0 : i32
    %dma_start3A_357 = arith.constant 0 : i32
    %dma_start3A_358 = tpu.memref_slice %arg2[%dma_start3A_356, %dma_start3A_357] : memref<100352x128xf32, #tpu.memory_space<hbm>> -> memref<100352x128xf32, #tpu.memory_space<hbm>>
    tpu.enqueue_indirect_dma source(%dma_start3A_358 : memref<100352x128xf32, #tpu.memory_space<hbm>>) target(%dma_start3A_353 : memref<128x128xf32, #tpu.memory_space<vmem>>) offsets(%dma_start3A_355 : memref<128xi32, #tpu.memory_space<vmem>>) semaphore(%arg19 : memref<!tpu.dma_semaphore, #tpu.memory_space<semaphore_mem>>)
    %dma_start3A_359 = arith.constant 128 : i32
    %dma_start3A_360 = arith.constant 0 : i32
    %dma_start3A_361 = tpu.memref_slice %arg18[%dma_start3A_359, %dma_start3A_360] : memref<512x128xf32, #tpu.memory_space<vmem>> -> memref<128x128xf32, #tpu.memory_space<vmem>>
    %dma_start3A_362 = arith.constant 128 : i32
    %dma_start3A_363 = tpu.memref_slice %arg10[%dma_start3A_362] : memref<512xi32, #tpu.memory_space<vmem>> -> memref<128xi32, #tpu.memory_space<vmem>>
    %dma_start3A_364 = arith.constant 0 : i32
    %dma_start3A_365 = arith.constant 0 : i32
    %dma_start3A_366 = tpu.memref_slice %arg2[%dma_start3A_364, %dma_start3A_365] : memref<100352x128xf32, #tpu.memory_space<hbm>> -> memref<100352x128xf32, #tpu.memory_space<hbm>>
    tpu.enqueue_indirect_dma source(%dma_start3A_366 : memref<100352x128xf32, #tpu.memory_space<hbm>>) target(%dma_start3A_361 : memref<128x128xf32, #tpu.memory_space<vmem>>) offsets(%dma_start3A_363 : memref<128xi32, #tpu.memory_space<vmem>>) semaphore(%arg19 : memref<!tpu.dma_semaphore, #tpu.memory_space<semaphore_mem>>)
    %dma_start3A_367 = arith.constant 256 : i32
    %dma_start3A_368 = arith.constant 0 : i32
    %dma_start3A_369 = tpu.memref_slice %arg18[%dma_start3A_367, %dma_start3A_368] : memref<512x128xf32, #tpu.memory_space<vmem>> -> memref<128x128xf32, #tpu.memory_space<vmem>>
    %dma_start3A_370 = arith.constant 256 : i32
    %dma_start3A_371 = tpu.memref_slice %arg10[%dma_start3A_370] : memref<512xi32, #tpu.memory_space<vmem>> -> memref<128xi32, #tpu.memory_space<vmem>>
    %dma_start3A_372 = arith.constant 0 : i32
    %dma_start3A_373 = arith.constant 0 : i32
    %dma_start3A_374 = tpu.memref_slice %arg2[%dma_start3A_372, %dma_start3A_373] : memref<100352x128xf32, #tpu.memory_space<hbm>> -> memref<100352x128xf32, #tpu.memory_space<hbm>>
    tpu.enqueue_indirect_dma source(%dma_start3A_374 : memref<100352x128xf32, #tpu.memory_space<hbm>>) target(%dma_start3A_369 : memref<128x128xf32, #tpu.memory_space<vmem>>) offsets(%dma_start3A_371 : memref<128xi32, #tpu.memory_space<vmem>>) semaphore(%arg19 : memref<!tpu.dma_semaphore, #tpu.memory_space<semaphore_mem>>)
    %dma_start3A_375 = arith.constant 384 : i32
    %dma_start3A_376 = arith.constant 0 : i32
    %dma_start3A_377 = tpu.memref_slice %arg18[%dma_start3A_375, %dma_start3A_376] : memref<512x128xf32, #tpu.memory_space<vmem>> -> memref<128x128xf32, #tpu.memory_space<vmem>>
    %dma_start3A_378 = arith.constant 384 : i32
    %dma_start3A_379 = tpu.memref_slice %arg10[%dma_start3A_378] : memref<512xi32, #tpu.memory_space<vmem>> -> memref<128xi32, #tpu.memory_space<vmem>>
    %dma_start3A_380 = arith.constant 0 : i32
    %dma_start3A_381 = arith.constant 0 : i32
    %dma_start3A_382 = tpu.memref_slice %arg2[%dma_start3A_380, %dma_start3A_381] : memref<100352x128xf32, #tpu.memory_space<hbm>> -> memref<100352x128xf32, #tpu.memory_space<hbm>>
    tpu.enqueue_indirect_dma source(%dma_start3A_382 : memref<100352x128xf32, #tpu.memory_space<hbm>>) target(%dma_start3A_377 : memref<128x128xf32, #tpu.memory_space<vmem>>) offsets(%dma_start3A_379 : memref<128xi32, #tpu.memory_space<vmem>>) semaphore(%arg19 : memref<!tpu.dma_semaphore, #tpu.memory_space<semaphore_mem>>)
    %dma_wait3A_383 = arith.constant 0 : i32
    %dma_wait3A_384 = arith.constant 0 : i32
    %dma_wait3A_385 = tpu.memref_slice %arg18[%dma_wait3A_383, %dma_wait3A_384] : memref<512x128xf32, #tpu.memory_space<vmem>> -> memref<128x128xf32, #tpu.memory_space<vmem>>
    %dma_wait3A_386 = arith.constant 0 : i32
    %dma_wait3A_387 = tpu.memref_slice %arg10[%dma_wait3A_386] : memref<512xi32, #tpu.memory_space<vmem>> -> memref<128xi32, #tpu.memory_space<vmem>>
    %dma_wait3A_388 = arith.constant 0 : i32
    %dma_wait3A_389 = arith.constant 0 : i32
    %dma_wait3A_390 = tpu.memref_slice %arg2[%dma_wait3A_388, %dma_wait3A_389] : memref<100352x128xf32, #tpu.memory_space<hbm>> -> memref<100352x128xf32, #tpu.memory_space<hbm>>
    tpu.wait_indirect_dma semaphore(%arg19 : memref<!tpu.dma_semaphore, #tpu.memory_space<semaphore_mem>>) src(%dma_wait3A_390 : memref<100352x128xf32, #tpu.memory_space<hbm>>) dst(%dma_wait3A_385 : memref<128x128xf32, #tpu.memory_space<vmem>>)
    %dma_wait3A_391 = arith.constant 128 : i32
    %dma_wait3A_392 = arith.constant 0 : i32
    %dma_wait3A_393 = tpu.memref_slice %arg18[%dma_wait3A_391, %dma_wait3A_392] : memref<512x128xf32, #tpu.memory_space<vmem>> -> memref<128x128xf32, #tpu.memory_space<vmem>>
    %dma_wait3A_394 = arith.constant 128 : i32
    %dma_wait3A_395 = tpu.memref_slice %arg10[%dma_wait3A_394] : memref<512xi32, #tpu.memory_space<vmem>> -> memref<128xi32, #tpu.memory_space<vmem>>
    %dma_wait3A_396 = arith.constant 0 : i32
    %dma_wait3A_397 = arith.constant 0 : i32
    %dma_wait3A_398 = tpu.memref_slice %arg2[%dma_wait3A_396, %dma_wait3A_397] : memref<100352x128xf32, #tpu.memory_space<hbm>> -> memref<100352x128xf32, #tpu.memory_space<hbm>>
    tpu.wait_indirect_dma semaphore(%arg19 : memref<!tpu.dma_semaphore, #tpu.memory_space<semaphore_mem>>) src(%dma_wait3A_398 : memref<100352x128xf32, #tpu.memory_space<hbm>>) dst(%dma_wait3A_393 : memref<128x128xf32, #tpu.memory_space<vmem>>)
    %dma_wait3A_399 = arith.constant 256 : i32
    %dma_wait3A_400 = arith.constant 0 : i32
    %dma_wait3A_401 = tpu.memref_slice %arg18[%dma_wait3A_399, %dma_wait3A_400] : memref<512x128xf32, #tpu.memory_space<vmem>> -> memref<128x128xf32, #tpu.memory_space<vmem>>
    %dma_wait3A_402 = arith.constant 256 : i32
    %dma_wait3A_403 = tpu.memref_slice %arg10[%dma_wait3A_402] : memref<512xi32, #tpu.memory_space<vmem>> -> memref<128xi32, #tpu.memory_space<vmem>>
    %dma_wait3A_404 = arith.constant 0 : i32
    %dma_wait3A_405 = arith.constant 0 : i32
    %dma_wait3A_406 = tpu.memref_slice %arg2[%dma_wait3A_404, %dma_wait3A_405] : memref<100352x128xf32, #tpu.memory_space<hbm>> -> memref<100352x128xf32, #tpu.memory_space<hbm>>
    tpu.wait_indirect_dma semaphore(%arg19 : memref<!tpu.dma_semaphore, #tpu.memory_space<semaphore_mem>>) src(%dma_wait3A_406 : memref<100352x128xf32, #tpu.memory_space<hbm>>) dst(%dma_wait3A_401 : memref<128x128xf32, #tpu.memory_space<vmem>>)
    %dma_wait3A_407 = arith.constant 384 : i32
    %dma_wait3A_408 = arith.constant 0 : i32
    %dma_wait3A_409 = tpu.memref_slice %arg18[%dma_wait3A_407, %dma_wait3A_408] : memref<512x128xf32, #tpu.memory_space<vmem>> -> memref<128x128xf32, #tpu.memory_space<vmem>>
    %dma_wait3A_410 = arith.constant 384 : i32
    %dma_wait3A_411 = tpu.memref_slice %arg10[%dma_wait3A_410] : memref<512xi32, #tpu.memory_space<vmem>> -> memref<128xi32, #tpu.memory_space<vmem>>
    %dma_wait3A_412 = arith.constant 0 : i32
    %dma_wait3A_413 = arith.constant 0 : i32
    %dma_wait3A_414 = tpu.memref_slice %arg2[%dma_wait3A_412, %dma_wait3A_413] : memref<100352x128xf32, #tpu.memory_space<hbm>> -> memref<100352x128xf32, #tpu.memory_space<hbm>>
    tpu.wait_indirect_dma semaphore(%arg19 : memref<!tpu.dma_semaphore, #tpu.memory_space<semaphore_mem>>) src(%dma_wait3A_414 : memref<100352x128xf32, #tpu.memory_space<hbm>>) dst(%dma_wait3A_409 : memref<128x128xf32, #tpu.memory_space<vmem>>)
    %run_scoped3A_415 = arith.constant 5 : i32
    "tpu.region"() ({
      %run_scoped3A_871 = tpu.sem_alloc : memref<!tpu.dma_semaphore, #tpu.memory_space<semaphore_mem>>
      %dma_start3A_872 = arith.constant 0 : i32
      %dma_start3A_873 = tpu.memref_slice %arg4[%run_scoped3A_415, %mul3A_2, %dma_start3A_872] : memref<13x16384x128xf32, #tpu.memory_space<hbm>> -> memref<1x512x128xf32, #tpu.memory_space<hbm>>
      %dma_start3A_874 = tpu.memref_squeeze %dma_start3A_873 : memref<1x512x128xf32, #tpu.memory_space<hbm>> -> memref<512x128xf32, #tpu.memory_space<hbm>>
      %dma_start3A_875 = arith.constant 0 : i32
      %dma_start3A_876 = tpu.memref_slice %arg4[%run_scoped3A_415, %mul3A_2, %dma_start3A_875] : memref<13x16384x128xf32, #tpu.memory_space<hbm>> -> memref<1x512x128xf32, #tpu.memory_space<hbm>>
      %dma_start3A_877 = tpu.memref_squeeze %dma_start3A_876 : memref<1x512x128xf32, #tpu.memory_space<hbm>> -> memref<512x128xf32, #tpu.memory_space<hbm>>
      tpu.enqueue_dma source(%arg18 : memref<512x128xf32, #tpu.memory_space<vmem>>) target(%dma_start3A_877 : memref<512x128xf32, #tpu.memory_space<hbm>>) target_semaphore(%run_scoped3A_871 : memref<!tpu.dma_semaphore, #tpu.memory_space<semaphore_mem>>)
      %dma_wait3A_878 = arith.constant 0 : i32
      %dma_wait3A_879 = tpu.memref_slice %arg4[%run_scoped3A_415, %mul3A_2, %dma_wait3A_878] : memref<13x16384x128xf32, #tpu.memory_space<hbm>> -> memref<1x512x128xf32, #tpu.memory_space<hbm>>
      %dma_wait3A_880 = tpu.memref_squeeze %dma_wait3A_879 : memref<1x512x128xf32, #tpu.memory_space<hbm>> -> memref<512x128xf32, #tpu.memory_space<hbm>>
      %dma_wait3A_881 = arith.constant 0 : i32
      %dma_wait3A_882 = tpu.memref_slice %arg4[%run_scoped3A_415, %mul3A_2, %dma_wait3A_881] : memref<13x16384x128xf32, #tpu.memory_space<hbm>> -> memref<1x512x128xf32, #tpu.memory_space<hbm>>
      %dma_wait3A_883 = tpu.memref_squeeze %dma_wait3A_882 : memref<1x512x128xf32, #tpu.memory_space<hbm>> -> memref<512x128xf32, #tpu.memory_space<hbm>>
      tpu.wait_dma2 semaphore(%run_scoped3A_871 : memref<!tpu.dma_semaphore, #tpu.memory_space<semaphore_mem>>) src(%arg18 : memref<512x128xf32, #tpu.memory_space<vmem>>) dst(%dma_wait3A_883 : memref<512x128xf32, #tpu.memory_space<hbm>>)
      tpu.yield
    }) : () -> ()
    %dma_start3A_416 = arith.constant 0 : i32
    %dma_start3A_417 = arith.constant 0 : i32
    %dma_start3A_418 = tpu.memref_slice %arg18[%dma_start3A_416, %dma_start3A_417] : memref<512x128xf32, #tpu.memory_space<vmem>> -> memref<128x128xf32, #tpu.memory_space<vmem>>
    %dma_start3A_419 = arith.constant 0 : i32
    %dma_start3A_420 = tpu.memref_slice %arg11[%dma_start3A_419] : memref<512xi32, #tpu.memory_space<vmem>> -> memref<128xi32, #tpu.memory_space<vmem>>
    %dma_start3A_421 = arith.constant 0 : i32
    %dma_start3A_422 = arith.constant 0 : i32
    %dma_start3A_423 = tpu.memref_slice %arg2[%dma_start3A_421, %dma_start3A_422] : memref<100352x128xf32, #tpu.memory_space<hbm>> -> memref<100352x128xf32, #tpu.memory_space<hbm>>
    tpu.enqueue_indirect_dma source(%dma_start3A_423 : memref<100352x128xf32, #tpu.memory_space<hbm>>) target(%dma_start3A_418 : memref<128x128xf32, #tpu.memory_space<vmem>>) offsets(%dma_start3A_420 : memref<128xi32, #tpu.memory_space<vmem>>) semaphore(%arg19 : memref<!tpu.dma_semaphore, #tpu.memory_space<semaphore_mem>>)
    %dma_start3A_424 = arith.constant 128 : i32
    %dma_start3A_425 = arith.constant 0 : i32
    %dma_start3A_426 = tpu.memref_slice %arg18[%dma_start3A_424, %dma_start3A_425] : memref<512x128xf32, #tpu.memory_space<vmem>> -> memref<128x128xf32, #tpu.memory_space<vmem>>
    %dma_start3A_427 = arith.constant 128 : i32
    %dma_start3A_428 = tpu.memref_slice %arg11[%dma_start3A_427] : memref<512xi32, #tpu.memory_space<vmem>> -> memref<128xi32, #tpu.memory_space<vmem>>
    %dma_start3A_429 = arith.constant 0 : i32
    %dma_start3A_430 = arith.constant 0 : i32
    %dma_start3A_431 = tpu.memref_slice %arg2[%dma_start3A_429, %dma_start3A_430] : memref<100352x128xf32, #tpu.memory_space<hbm>> -> memref<100352x128xf32, #tpu.memory_space<hbm>>
    tpu.enqueue_indirect_dma source(%dma_start3A_431 : memref<100352x128xf32, #tpu.memory_space<hbm>>) target(%dma_start3A_426 : memref<128x128xf32, #tpu.memory_space<vmem>>) offsets(%dma_start3A_428 : memref<128xi32, #tpu.memory_space<vmem>>) semaphore(%arg19 : memref<!tpu.dma_semaphore, #tpu.memory_space<semaphore_mem>>)
    %dma_start3A_432 = arith.constant 256 : i32
    %dma_start3A_433 = arith.constant 0 : i32
    %dma_start3A_434 = tpu.memref_slice %arg18[%dma_start3A_432, %dma_start3A_433] : memref<512x128xf32, #tpu.memory_space<vmem>> -> memref<128x128xf32, #tpu.memory_space<vmem>>
    %dma_start3A_435 = arith.constant 256 : i32
    %dma_start3A_436 = tpu.memref_slice %arg11[%dma_start3A_435] : memref<512xi32, #tpu.memory_space<vmem>> -> memref<128xi32, #tpu.memory_space<vmem>>
    %dma_start3A_437 = arith.constant 0 : i32
    %dma_start3A_438 = arith.constant 0 : i32
    %dma_start3A_439 = tpu.memref_slice %arg2[%dma_start3A_437, %dma_start3A_438] : memref<100352x128xf32, #tpu.memory_space<hbm>> -> memref<100352x128xf32, #tpu.memory_space<hbm>>
    tpu.enqueue_indirect_dma source(%dma_start3A_439 : memref<100352x128xf32, #tpu.memory_space<hbm>>) target(%dma_start3A_434 : memref<128x128xf32, #tpu.memory_space<vmem>>) offsets(%dma_start3A_436 : memref<128xi32, #tpu.memory_space<vmem>>) semaphore(%arg19 : memref<!tpu.dma_semaphore, #tpu.memory_space<semaphore_mem>>)
    %dma_start3A_440 = arith.constant 384 : i32
    %dma_start3A_441 = arith.constant 0 : i32
    %dma_start3A_442 = tpu.memref_slice %arg18[%dma_start3A_440, %dma_start3A_441] : memref<512x128xf32, #tpu.memory_space<vmem>> -> memref<128x128xf32, #tpu.memory_space<vmem>>
    %dma_start3A_443 = arith.constant 384 : i32
    %dma_start3A_444 = tpu.memref_slice %arg11[%dma_start3A_443] : memref<512xi32, #tpu.memory_space<vmem>> -> memref<128xi32, #tpu.memory_space<vmem>>
    %dma_start3A_445 = arith.constant 0 : i32
    %dma_start3A_446 = arith.constant 0 : i32
    %dma_start3A_447 = tpu.memref_slice %arg2[%dma_start3A_445, %dma_start3A_446] : memref<100352x128xf32, #tpu.memory_space<hbm>> -> memref<100352x128xf32, #tpu.memory_space<hbm>>
    tpu.enqueue_indirect_dma source(%dma_start3A_447 : memref<100352x128xf32, #tpu.memory_space<hbm>>) target(%dma_start3A_442 : memref<128x128xf32, #tpu.memory_space<vmem>>) offsets(%dma_start3A_444 : memref<128xi32, #tpu.memory_space<vmem>>) semaphore(%arg19 : memref<!tpu.dma_semaphore, #tpu.memory_space<semaphore_mem>>)
    %dma_wait3A_448 = arith.constant 0 : i32
    %dma_wait3A_449 = arith.constant 0 : i32
    %dma_wait3A_450 = tpu.memref_slice %arg18[%dma_wait3A_448, %dma_wait3A_449] : memref<512x128xf32, #tpu.memory_space<vmem>> -> memref<128x128xf32, #tpu.memory_space<vmem>>
    %dma_wait3A_451 = arith.constant 0 : i32
    %dma_wait3A_452 = tpu.memref_slice %arg11[%dma_wait3A_451] : memref<512xi32, #tpu.memory_space<vmem>> -> memref<128xi32, #tpu.memory_space<vmem>>
    %dma_wait3A_453 = arith.constant 0 : i32
    %dma_wait3A_454 = arith.constant 0 : i32
    %dma_wait3A_455 = tpu.memref_slice %arg2[%dma_wait3A_453, %dma_wait3A_454] : memref<100352x128xf32, #tpu.memory_space<hbm>> -> memref<100352x128xf32, #tpu.memory_space<hbm>>
    tpu.wait_indirect_dma semaphore(%arg19 : memref<!tpu.dma_semaphore, #tpu.memory_space<semaphore_mem>>) src(%dma_wait3A_455 : memref<100352x128xf32, #tpu.memory_space<hbm>>) dst(%dma_wait3A_450 : memref<128x128xf32, #tpu.memory_space<vmem>>)
    %dma_wait3A_456 = arith.constant 128 : i32
    %dma_wait3A_457 = arith.constant 0 : i32
    %dma_wait3A_458 = tpu.memref_slice %arg18[%dma_wait3A_456, %dma_wait3A_457] : memref<512x128xf32, #tpu.memory_space<vmem>> -> memref<128x128xf32, #tpu.memory_space<vmem>>
    %dma_wait3A_459 = arith.constant 128 : i32
    %dma_wait3A_460 = tpu.memref_slice %arg11[%dma_wait3A_459] : memref<512xi32, #tpu.memory_space<vmem>> -> memref<128xi32, #tpu.memory_space<vmem>>
    %dma_wait3A_461 = arith.constant 0 : i32
    %dma_wait3A_462 = arith.constant 0 : i32
    %dma_wait3A_463 = tpu.memref_slice %arg2[%dma_wait3A_461, %dma_wait3A_462] : memref<100352x128xf32, #tpu.memory_space<hbm>> -> memref<100352x128xf32, #tpu.memory_space<hbm>>
    tpu.wait_indirect_dma semaphore(%arg19 : memref<!tpu.dma_semaphore, #tpu.memory_space<semaphore_mem>>) src(%dma_wait3A_463 : memref<100352x128xf32, #tpu.memory_space<hbm>>) dst(%dma_wait3A_458 : memref<128x128xf32, #tpu.memory_space<vmem>>)
    %dma_wait3A_464 = arith.constant 256 : i32
    %dma_wait3A_465 = arith.constant 0 : i32
    %dma_wait3A_466 = tpu.memref_slice %arg18[%dma_wait3A_464, %dma_wait3A_465] : memref<512x128xf32, #tpu.memory_space<vmem>> -> memref<128x128xf32, #tpu.memory_space<vmem>>
    %dma_wait3A_467 = arith.constant 256 : i32
    %dma_wait3A_468 = tpu.memref_slice %arg11[%dma_wait3A_467] : memref<512xi32, #tpu.memory_space<vmem>> -> memref<128xi32, #tpu.memory_space<vmem>>
    %dma_wait3A_469 = arith.constant 0 : i32
    %dma_wait3A_470 = arith.constant 0 : i32
    %dma_wait3A_471 = tpu.memref_slice %arg2[%dma_wait3A_469, %dma_wait3A_470] : memref<100352x128xf32, #tpu.memory_space<hbm>> -> memref<100352x128xf32, #tpu.memory_space<hbm>>
    tpu.wait_indirect_dma semaphore(%arg19 : memref<!tpu.dma_semaphore, #tpu.memory_space<semaphore_mem>>) src(%dma_wait3A_471 : memref<100352x128xf32, #tpu.memory_space<hbm>>) dst(%dma_wait3A_466 : memref<128x128xf32, #tpu.memory_space<vmem>>)
    %dma_wait3A_472 = arith.constant 384 : i32
    %dma_wait3A_473 = arith.constant 0 : i32
    %dma_wait3A_474 = tpu.memref_slice %arg18[%dma_wait3A_472, %dma_wait3A_473] : memref<512x128xf32, #tpu.memory_space<vmem>> -> memref<128x128xf32, #tpu.memory_space<vmem>>
    %dma_wait3A_475 = arith.constant 384 : i32
    %dma_wait3A_476 = tpu.memref_slice %arg11[%dma_wait3A_475] : memref<512xi32, #tpu.memory_space<vmem>> -> memref<128xi32, #tpu.memory_space<vmem>>
    %dma_wait3A_477 = arith.constant 0 : i32
    %dma_wait3A_478 = arith.constant 0 : i32
    %dma_wait3A_479 = tpu.memref_slice %arg2[%dma_wait3A_477, %dma_wait3A_478] : memref<100352x128xf32, #tpu.memory_space<hbm>> -> memref<100352x128xf32, #tpu.memory_space<hbm>>
    tpu.wait_indirect_dma semaphore(%arg19 : memref<!tpu.dma_semaphore, #tpu.memory_space<semaphore_mem>>) src(%dma_wait3A_479 : memref<100352x128xf32, #tpu.memory_space<hbm>>) dst(%dma_wait3A_474 : memref<128x128xf32, #tpu.memory_space<vmem>>)
    %run_scoped3A_480 = arith.constant 6 : i32
    "tpu.region"() ({
      %run_scoped3A_871 = tpu.sem_alloc : memref<!tpu.dma_semaphore, #tpu.memory_space<semaphore_mem>>
      %dma_start3A_872 = arith.constant 0 : i32
      %dma_start3A_873 = tpu.memref_slice %arg4[%run_scoped3A_480, %mul3A_2, %dma_start3A_872] : memref<13x16384x128xf32, #tpu.memory_space<hbm>> -> memref<1x512x128xf32, #tpu.memory_space<hbm>>
      %dma_start3A_874 = tpu.memref_squeeze %dma_start3A_873 : memref<1x512x128xf32, #tpu.memory_space<hbm>> -> memref<512x128xf32, #tpu.memory_space<hbm>>
      %dma_start3A_875 = arith.constant 0 : i32
      %dma_start3A_876 = tpu.memref_slice %arg4[%run_scoped3A_480, %mul3A_2, %dma_start3A_875] : memref<13x16384x128xf32, #tpu.memory_space<hbm>> -> memref<1x512x128xf32, #tpu.memory_space<hbm>>
      %dma_start3A_877 = tpu.memref_squeeze %dma_start3A_876 : memref<1x512x128xf32, #tpu.memory_space<hbm>> -> memref<512x128xf32, #tpu.memory_space<hbm>>
      tpu.enqueue_dma source(%arg18 : memref<512x128xf32, #tpu.memory_space<vmem>>) target(%dma_start3A_877 : memref<512x128xf32, #tpu.memory_space<hbm>>) target_semaphore(%run_scoped3A_871 : memref<!tpu.dma_semaphore, #tpu.memory_space<semaphore_mem>>)
      %dma_wait3A_878 = arith.constant 0 : i32
      %dma_wait3A_879 = tpu.memref_slice %arg4[%run_scoped3A_480, %mul3A_2, %dma_wait3A_878] : memref<13x16384x128xf32, #tpu.memory_space<hbm>> -> memref<1x512x128xf32, #tpu.memory_space<hbm>>
      %dma_wait3A_880 = tpu.memref_squeeze %dma_wait3A_879 : memref<1x512x128xf32, #tpu.memory_space<hbm>> -> memref<512x128xf32, #tpu.memory_space<hbm>>
      %dma_wait3A_881 = arith.constant 0 : i32
      %dma_wait3A_882 = tpu.memref_slice %arg4[%run_scoped3A_480, %mul3A_2, %dma_wait3A_881] : memref<13x16384x128xf32, #tpu.memory_space<hbm>> -> memref<1x512x128xf32, #tpu.memory_space<hbm>>
      %dma_wait3A_883 = tpu.memref_squeeze %dma_wait3A_882 : memref<1x512x128xf32, #tpu.memory_space<hbm>> -> memref<512x128xf32, #tpu.memory_space<hbm>>
      tpu.wait_dma2 semaphore(%run_scoped3A_871 : memref<!tpu.dma_semaphore, #tpu.memory_space<semaphore_mem>>) src(%arg18 : memref<512x128xf32, #tpu.memory_space<vmem>>) dst(%dma_wait3A_883 : memref<512x128xf32, #tpu.memory_space<hbm>>)
      tpu.yield
    }) : () -> ()
    %dma_start3A_481 = arith.constant 0 : i32
    %dma_start3A_482 = arith.constant 0 : i32
    %dma_start3A_483 = tpu.memref_slice %arg18[%dma_start3A_481, %dma_start3A_482] : memref<512x128xf32, #tpu.memory_space<vmem>> -> memref<128x128xf32, #tpu.memory_space<vmem>>
    %dma_start3A_484 = arith.constant 0 : i32
    %dma_start3A_485 = tpu.memref_slice %arg12[%dma_start3A_484] : memref<512xi32, #tpu.memory_space<vmem>> -> memref<128xi32, #tpu.memory_space<vmem>>
    %dma_start3A_486 = arith.constant 0 : i32
    %dma_start3A_487 = arith.constant 0 : i32
    %dma_start3A_488 = tpu.memref_slice %arg2[%dma_start3A_486, %dma_start3A_487] : memref<100352x128xf32, #tpu.memory_space<hbm>> -> memref<100352x128xf32, #tpu.memory_space<hbm>>
    tpu.enqueue_indirect_dma source(%dma_start3A_488 : memref<100352x128xf32, #tpu.memory_space<hbm>>) target(%dma_start3A_483 : memref<128x128xf32, #tpu.memory_space<vmem>>) offsets(%dma_start3A_485 : memref<128xi32, #tpu.memory_space<vmem>>) semaphore(%arg19 : memref<!tpu.dma_semaphore, #tpu.memory_space<semaphore_mem>>)
    %dma_start3A_489 = arith.constant 128 : i32
    %dma_start3A_490 = arith.constant 0 : i32
    %dma_start3A_491 = tpu.memref_slice %arg18[%dma_start3A_489, %dma_start3A_490] : memref<512x128xf32, #tpu.memory_space<vmem>> -> memref<128x128xf32, #tpu.memory_space<vmem>>
    %dma_start3A_492 = arith.constant 128 : i32
    %dma_start3A_493 = tpu.memref_slice %arg12[%dma_start3A_492] : memref<512xi32, #tpu.memory_space<vmem>> -> memref<128xi32, #tpu.memory_space<vmem>>
    %dma_start3A_494 = arith.constant 0 : i32
    %dma_start3A_495 = arith.constant 0 : i32
    %dma_start3A_496 = tpu.memref_slice %arg2[%dma_start3A_494, %dma_start3A_495] : memref<100352x128xf32, #tpu.memory_space<hbm>> -> memref<100352x128xf32, #tpu.memory_space<hbm>>
    tpu.enqueue_indirect_dma source(%dma_start3A_496 : memref<100352x128xf32, #tpu.memory_space<hbm>>) target(%dma_start3A_491 : memref<128x128xf32, #tpu.memory_space<vmem>>) offsets(%dma_start3A_493 : memref<128xi32, #tpu.memory_space<vmem>>) semaphore(%arg19 : memref<!tpu.dma_semaphore, #tpu.memory_space<semaphore_mem>>)
    %dma_start3A_497 = arith.constant 256 : i32
    %dma_start3A_498 = arith.constant 0 : i32
    %dma_start3A_499 = tpu.memref_slice %arg18[%dma_start3A_497, %dma_start3A_498] : memref<512x128xf32, #tpu.memory_space<vmem>> -> memref<128x128xf32, #tpu.memory_space<vmem>>
    %dma_start3A_500 = arith.constant 256 : i32
    %dma_start3A_501 = tpu.memref_slice %arg12[%dma_start3A_500] : memref<512xi32, #tpu.memory_space<vmem>> -> memref<128xi32, #tpu.memory_space<vmem>>
    %dma_start3A_502 = arith.constant 0 : i32
    %dma_start3A_503 = arith.constant 0 : i32
    %dma_start3A_504 = tpu.memref_slice %arg2[%dma_start3A_502, %dma_start3A_503] : memref<100352x128xf32, #tpu.memory_space<hbm>> -> memref<100352x128xf32, #tpu.memory_space<hbm>>
    tpu.enqueue_indirect_dma source(%dma_start3A_504 : memref<100352x128xf32, #tpu.memory_space<hbm>>) target(%dma_start3A_499 : memref<128x128xf32, #tpu.memory_space<vmem>>) offsets(%dma_start3A_501 : memref<128xi32, #tpu.memory_space<vmem>>) semaphore(%arg19 : memref<!tpu.dma_semaphore, #tpu.memory_space<semaphore_mem>>)
    %dma_start3A_505 = arith.constant 384 : i32
    %dma_start3A_506 = arith.constant 0 : i32
    %dma_start3A_507 = tpu.memref_slice %arg18[%dma_start3A_505, %dma_start3A_506] : memref<512x128xf32, #tpu.memory_space<vmem>> -> memref<128x128xf32, #tpu.memory_space<vmem>>
    %dma_start3A_508 = arith.constant 384 : i32
    %dma_start3A_509 = tpu.memref_slice %arg12[%dma_start3A_508] : memref<512xi32, #tpu.memory_space<vmem>> -> memref<128xi32, #tpu.memory_space<vmem>>
    %dma_start3A_510 = arith.constant 0 : i32
    %dma_start3A_511 = arith.constant 0 : i32
    %dma_start3A_512 = tpu.memref_slice %arg2[%dma_start3A_510, %dma_start3A_511] : memref<100352x128xf32, #tpu.memory_space<hbm>> -> memref<100352x128xf32, #tpu.memory_space<hbm>>
    tpu.enqueue_indirect_dma source(%dma_start3A_512 : memref<100352x128xf32, #tpu.memory_space<hbm>>) target(%dma_start3A_507 : memref<128x128xf32, #tpu.memory_space<vmem>>) offsets(%dma_start3A_509 : memref<128xi32, #tpu.memory_space<vmem>>) semaphore(%arg19 : memref<!tpu.dma_semaphore, #tpu.memory_space<semaphore_mem>>)
    %dma_wait3A_513 = arith.constant 0 : i32
    %dma_wait3A_514 = arith.constant 0 : i32
    %dma_wait3A_515 = tpu.memref_slice %arg18[%dma_wait3A_513, %dma_wait3A_514] : memref<512x128xf32, #tpu.memory_space<vmem>> -> memref<128x128xf32, #tpu.memory_space<vmem>>
    %dma_wait3A_516 = arith.constant 0 : i32
    %dma_wait3A_517 = tpu.memref_slice %arg12[%dma_wait3A_516] : memref<512xi32, #tpu.memory_space<vmem>> -> memref<128xi32, #tpu.memory_space<vmem>>
    %dma_wait3A_518 = arith.constant 0 : i32
    %dma_wait3A_519 = arith.constant 0 : i32
    %dma_wait3A_520 = tpu.memref_slice %arg2[%dma_wait3A_518, %dma_wait3A_519] : memref<100352x128xf32, #tpu.memory_space<hbm>> -> memref<100352x128xf32, #tpu.memory_space<hbm>>
    tpu.wait_indirect_dma semaphore(%arg19 : memref<!tpu.dma_semaphore, #tpu.memory_space<semaphore_mem>>) src(%dma_wait3A_520 : memref<100352x128xf32, #tpu.memory_space<hbm>>) dst(%dma_wait3A_515 : memref<128x128xf32, #tpu.memory_space<vmem>>)
    %dma_wait3A_521 = arith.constant 128 : i32
    %dma_wait3A_522 = arith.constant 0 : i32
    %dma_wait3A_523 = tpu.memref_slice %arg18[%dma_wait3A_521, %dma_wait3A_522] : memref<512x128xf32, #tpu.memory_space<vmem>> -> memref<128x128xf32, #tpu.memory_space<vmem>>
    %dma_wait3A_524 = arith.constant 128 : i32
    %dma_wait3A_525 = tpu.memref_slice %arg12[%dma_wait3A_524] : memref<512xi32, #tpu.memory_space<vmem>> -> memref<128xi32, #tpu.memory_space<vmem>>
    %dma_wait3A_526 = arith.constant 0 : i32
    %dma_wait3A_527 = arith.constant 0 : i32
    %dma_wait3A_528 = tpu.memref_slice %arg2[%dma_wait3A_526, %dma_wait3A_527] : memref<100352x128xf32, #tpu.memory_space<hbm>> -> memref<100352x128xf32, #tpu.memory_space<hbm>>
    tpu.wait_indirect_dma semaphore(%arg19 : memref<!tpu.dma_semaphore, #tpu.memory_space<semaphore_mem>>) src(%dma_wait3A_528 : memref<100352x128xf32, #tpu.memory_space<hbm>>) dst(%dma_wait3A_523 : memref<128x128xf32, #tpu.memory_space<vmem>>)
    %dma_wait3A_529 = arith.constant 256 : i32
    %dma_wait3A_530 = arith.constant 0 : i32
    %dma_wait3A_531 = tpu.memref_slice %arg18[%dma_wait3A_529, %dma_wait3A_530] : memref<512x128xf32, #tpu.memory_space<vmem>> -> memref<128x128xf32, #tpu.memory_space<vmem>>
    %dma_wait3A_532 = arith.constant 256 : i32
    %dma_wait3A_533 = tpu.memref_slice %arg12[%dma_wait3A_532] : memref<512xi32, #tpu.memory_space<vmem>> -> memref<128xi32, #tpu.memory_space<vmem>>
    %dma_wait3A_534 = arith.constant 0 : i32
    %dma_wait3A_535 = arith.constant 0 : i32
    %dma_wait3A_536 = tpu.memref_slice %arg2[%dma_wait3A_534, %dma_wait3A_535] : memref<100352x128xf32, #tpu.memory_space<hbm>> -> memref<100352x128xf32, #tpu.memory_space<hbm>>
    tpu.wait_indirect_dma semaphore(%arg19 : memref<!tpu.dma_semaphore, #tpu.memory_space<semaphore_mem>>) src(%dma_wait3A_536 : memref<100352x128xf32, #tpu.memory_space<hbm>>) dst(%dma_wait3A_531 : memref<128x128xf32, #tpu.memory_space<vmem>>)
    %dma_wait3A_537 = arith.constant 384 : i32
    %dma_wait3A_538 = arith.constant 0 : i32
    %dma_wait3A_539 = tpu.memref_slice %arg18[%dma_wait3A_537, %dma_wait3A_538] : memref<512x128xf32, #tpu.memory_space<vmem>> -> memref<128x128xf32, #tpu.memory_space<vmem>>
    %dma_wait3A_540 = arith.constant 384 : i32
    %dma_wait3A_541 = tpu.memref_slice %arg12[%dma_wait3A_540] : memref<512xi32, #tpu.memory_space<vmem>> -> memref<128xi32, #tpu.memory_space<vmem>>
    %dma_wait3A_542 = arith.constant 0 : i32
    %dma_wait3A_543 = arith.constant 0 : i32
    %dma_wait3A_544 = tpu.memref_slice %arg2[%dma_wait3A_542, %dma_wait3A_543] : memref<100352x128xf32, #tpu.memory_space<hbm>> -> memref<100352x128xf32, #tpu.memory_space<hbm>>
    tpu.wait_indirect_dma semaphore(%arg19 : memref<!tpu.dma_semaphore, #tpu.memory_space<semaphore_mem>>) src(%dma_wait3A_544 : memref<100352x128xf32, #tpu.memory_space<hbm>>) dst(%dma_wait3A_539 : memref<128x128xf32, #tpu.memory_space<vmem>>)
    %run_scoped3A_545 = arith.constant 7 : i32
    "tpu.region"() ({
      %run_scoped3A_871 = tpu.sem_alloc : memref<!tpu.dma_semaphore, #tpu.memory_space<semaphore_mem>>
      %dma_start3A_872 = arith.constant 0 : i32
      %dma_start3A_873 = tpu.memref_slice %arg4[%run_scoped3A_545, %mul3A_2, %dma_start3A_872] : memref<13x16384x128xf32, #tpu.memory_space<hbm>> -> memref<1x512x128xf32, #tpu.memory_space<hbm>>
      %dma_start3A_874 = tpu.memref_squeeze %dma_start3A_873 : memref<1x512x128xf32, #tpu.memory_space<hbm>> -> memref<512x128xf32, #tpu.memory_space<hbm>>
      %dma_start3A_875 = arith.constant 0 : i32
      %dma_start3A_876 = tpu.memref_slice %arg4[%run_scoped3A_545, %mul3A_2, %dma_start3A_875] : memref<13x16384x128xf32, #tpu.memory_space<hbm>> -> memref<1x512x128xf32, #tpu.memory_space<hbm>>
      %dma_start3A_877 = tpu.memref_squeeze %dma_start3A_876 : memref<1x512x128xf32, #tpu.memory_space<hbm>> -> memref<512x128xf32, #tpu.memory_space<hbm>>
      tpu.enqueue_dma source(%arg18 : memref<512x128xf32, #tpu.memory_space<vmem>>) target(%dma_start3A_877 : memref<512x128xf32, #tpu.memory_space<hbm>>) target_semaphore(%run_scoped3A_871 : memref<!tpu.dma_semaphore, #tpu.memory_space<semaphore_mem>>)
      %dma_wait3A_878 = arith.constant 0 : i32
      %dma_wait3A_879 = tpu.memref_slice %arg4[%run_scoped3A_545, %mul3A_2, %dma_wait3A_878] : memref<13x16384x128xf32, #tpu.memory_space<hbm>> -> memref<1x512x128xf32, #tpu.memory_space<hbm>>
      %dma_wait3A_880 = tpu.memref_squeeze %dma_wait3A_879 : memref<1x512x128xf32, #tpu.memory_space<hbm>> -> memref<512x128xf32, #tpu.memory_space<hbm>>
      %dma_wait3A_881 = arith.constant 0 : i32
      %dma_wait3A_882 = tpu.memref_slice %arg4[%run_scoped3A_545, %mul3A_2, %dma_wait3A_881] : memref<13x16384x128xf32, #tpu.memory_space<hbm>> -> memref<1x512x128xf32, #tpu.memory_space<hbm>>
      %dma_wait3A_883 = tpu.memref_squeeze %dma_wait3A_882 : memref<1x512x128xf32, #tpu.memory_space<hbm>> -> memref<512x128xf32, #tpu.memory_space<hbm>>
      tpu.wait_dma2 semaphore(%run_scoped3A_871 : memref<!tpu.dma_semaphore, #tpu.memory_space<semaphore_mem>>) src(%arg18 : memref<512x128xf32, #tpu.memory_space<vmem>>) dst(%dma_wait3A_883 : memref<512x128xf32, #tpu.memory_space<hbm>>)
      tpu.yield
    }) : () -> ()
    %dma_start3A_546 = arith.constant 0 : i32
    %dma_start3A_547 = arith.constant 0 : i32
    %dma_start3A_548 = tpu.memref_slice %arg18[%dma_start3A_546, %dma_start3A_547] : memref<512x128xf32, #tpu.memory_space<vmem>> -> memref<128x128xf32, #tpu.memory_space<vmem>>
    %dma_start3A_549 = arith.constant 0 : i32
    %dma_start3A_550 = tpu.memref_slice %arg13[%dma_start3A_549] : memref<512xi32, #tpu.memory_space<vmem>> -> memref<128xi32, #tpu.memory_space<vmem>>
    %dma_start3A_551 = arith.constant 0 : i32
    %dma_start3A_552 = arith.constant 0 : i32
    %dma_start3A_553 = tpu.memref_slice %arg2[%dma_start3A_551, %dma_start3A_552] : memref<100352x128xf32, #tpu.memory_space<hbm>> -> memref<100352x128xf32, #tpu.memory_space<hbm>>
    tpu.enqueue_indirect_dma source(%dma_start3A_553 : memref<100352x128xf32, #tpu.memory_space<hbm>>) target(%dma_start3A_548 : memref<128x128xf32, #tpu.memory_space<vmem>>) offsets(%dma_start3A_550 : memref<128xi32, #tpu.memory_space<vmem>>) semaphore(%arg19 : memref<!tpu.dma_semaphore, #tpu.memory_space<semaphore_mem>>)
    %dma_start3A_554 = arith.constant 128 : i32
    %dma_start3A_555 = arith.constant 0 : i32
    %dma_start3A_556 = tpu.memref_slice %arg18[%dma_start3A_554, %dma_start3A_555] : memref<512x128xf32, #tpu.memory_space<vmem>> -> memref<128x128xf32, #tpu.memory_space<vmem>>
    %dma_start3A_557 = arith.constant 128 : i32
    %dma_start3A_558 = tpu.memref_slice %arg13[%dma_start3A_557] : memref<512xi32, #tpu.memory_space<vmem>> -> memref<128xi32, #tpu.memory_space<vmem>>
    %dma_start3A_559 = arith.constant 0 : i32
    %dma_start3A_560 = arith.constant 0 : i32
    %dma_start3A_561 = tpu.memref_slice %arg2[%dma_start3A_559, %dma_start3A_560] : memref<100352x128xf32, #tpu.memory_space<hbm>> -> memref<100352x128xf32, #tpu.memory_space<hbm>>
    tpu.enqueue_indirect_dma source(%dma_start3A_561 : memref<100352x128xf32, #tpu.memory_space<hbm>>) target(%dma_start3A_556 : memref<128x128xf32, #tpu.memory_space<vmem>>) offsets(%dma_start3A_558 : memref<128xi32, #tpu.memory_space<vmem>>) semaphore(%arg19 : memref<!tpu.dma_semaphore, #tpu.memory_space<semaphore_mem>>)
    %dma_start3A_562 = arith.constant 256 : i32
    %dma_start3A_563 = arith.constant 0 : i32
    %dma_start3A_564 = tpu.memref_slice %arg18[%dma_start3A_562, %dma_start3A_563] : memref<512x128xf32, #tpu.memory_space<vmem>> -> memref<128x128xf32, #tpu.memory_space<vmem>>
    %dma_start3A_565 = arith.constant 256 : i32
    %dma_start3A_566 = tpu.memref_slice %arg13[%dma_start3A_565] : memref<512xi32, #tpu.memory_space<vmem>> -> memref<128xi32, #tpu.memory_space<vmem>>
    %dma_start3A_567 = arith.constant 0 : i32
    %dma_start3A_568 = arith.constant 0 : i32
    %dma_start3A_569 = tpu.memref_slice %arg2[%dma_start3A_567, %dma_start3A_568] : memref<100352x128xf32, #tpu.memory_space<hbm>> -> memref<100352x128xf32, #tpu.memory_space<hbm>>
    tpu.enqueue_indirect_dma source(%dma_start3A_569 : memref<100352x128xf32, #tpu.memory_space<hbm>>) target(%dma_start3A_564 : memref<128x128xf32, #tpu.memory_space<vmem>>) offsets(%dma_start3A_566 : memref<128xi32, #tpu.memory_space<vmem>>) semaphore(%arg19 : memref<!tpu.dma_semaphore, #tpu.memory_space<semaphore_mem>>)
    %dma_start3A_570 = arith.constant 384 : i32
    %dma_start3A_571 = arith.constant 0 : i32
    %dma_start3A_572 = tpu.memref_slice %arg18[%dma_start3A_570, %dma_start3A_571] : memref<512x128xf32, #tpu.memory_space<vmem>> -> memref<128x128xf32, #tpu.memory_space<vmem>>
    %dma_start3A_573 = arith.constant 384 : i32
    %dma_start3A_574 = tpu.memref_slice %arg13[%dma_start3A_573] : memref<512xi32, #tpu.memory_space<vmem>> -> memref<128xi32, #tpu.memory_space<vmem>>
    %dma_start3A_575 = arith.constant 0 : i32
    %dma_start3A_576 = arith.constant 0 : i32
    %dma_start3A_577 = tpu.memref_slice %arg2[%dma_start3A_575, %dma_start3A_576] : memref<100352x128xf32, #tpu.memory_space<hbm>> -> memref<100352x128xf32, #tpu.memory_space<hbm>>
    tpu.enqueue_indirect_dma source(%dma_start3A_577 : memref<100352x128xf32, #tpu.memory_space<hbm>>) target(%dma_start3A_572 : memref<128x128xf32, #tpu.memory_space<vmem>>) offsets(%dma_start3A_574 : memref<128xi32, #tpu.memory_space<vmem>>) semaphore(%arg19 : memref<!tpu.dma_semaphore, #tpu.memory_space<semaphore_mem>>)
    %dma_wait3A_578 = arith.constant 0 : i32
    %dma_wait3A_579 = arith.constant 0 : i32
    %dma_wait3A_580 = tpu.memref_slice %arg18[%dma_wait3A_578, %dma_wait3A_579] : memref<512x128xf32, #tpu.memory_space<vmem>> -> memref<128x128xf32, #tpu.memory_space<vmem>>
    %dma_wait3A_581 = arith.constant 0 : i32
    %dma_wait3A_582 = tpu.memref_slice %arg13[%dma_wait3A_581] : memref<512xi32, #tpu.memory_space<vmem>> -> memref<128xi32, #tpu.memory_space<vmem>>
    %dma_wait3A_583 = arith.constant 0 : i32
    %dma_wait3A_584 = arith.constant 0 : i32
    %dma_wait3A_585 = tpu.memref_slice %arg2[%dma_wait3A_583, %dma_wait3A_584] : memref<100352x128xf32, #tpu.memory_space<hbm>> -> memref<100352x128xf32, #tpu.memory_space<hbm>>
    tpu.wait_indirect_dma semaphore(%arg19 : memref<!tpu.dma_semaphore, #tpu.memory_space<semaphore_mem>>) src(%dma_wait3A_585 : memref<100352x128xf32, #tpu.memory_space<hbm>>) dst(%dma_wait3A_580 : memref<128x128xf32, #tpu.memory_space<vmem>>)
    %dma_wait3A_586 = arith.constant 128 : i32
    %dma_wait3A_587 = arith.constant 0 : i32
    %dma_wait3A_588 = tpu.memref_slice %arg18[%dma_wait3A_586, %dma_wait3A_587] : memref<512x128xf32, #tpu.memory_space<vmem>> -> memref<128x128xf32, #tpu.memory_space<vmem>>
    %dma_wait3A_589 = arith.constant 128 : i32
    %dma_wait3A_590 = tpu.memref_slice %arg13[%dma_wait3A_589] : memref<512xi32, #tpu.memory_space<vmem>> -> memref<128xi32, #tpu.memory_space<vmem>>
    %dma_wait3A_591 = arith.constant 0 : i32
    %dma_wait3A_592 = arith.constant 0 : i32
    %dma_wait3A_593 = tpu.memref_slice %arg2[%dma_wait3A_591, %dma_wait3A_592] : memref<100352x128xf32, #tpu.memory_space<hbm>> -> memref<100352x128xf32, #tpu.memory_space<hbm>>
    tpu.wait_indirect_dma semaphore(%arg19 : memref<!tpu.dma_semaphore, #tpu.memory_space<semaphore_mem>>) src(%dma_wait3A_593 : memref<100352x128xf32, #tpu.memory_space<hbm>>) dst(%dma_wait3A_588 : memref<128x128xf32, #tpu.memory_space<vmem>>)
    %dma_wait3A_594 = arith.constant 256 : i32
    %dma_wait3A_595 = arith.constant 0 : i32
    %dma_wait3A_596 = tpu.memref_slice %arg18[%dma_wait3A_594, %dma_wait3A_595] : memref<512x128xf32, #tpu.memory_space<vmem>> -> memref<128x128xf32, #tpu.memory_space<vmem>>
    %dma_wait3A_597 = arith.constant 256 : i32
    %dma_wait3A_598 = tpu.memref_slice %arg13[%dma_wait3A_597] : memref<512xi32, #tpu.memory_space<vmem>> -> memref<128xi32, #tpu.memory_space<vmem>>
    %dma_wait3A_599 = arith.constant 0 : i32
    %dma_wait3A_600 = arith.constant 0 : i32
    %dma_wait3A_601 = tpu.memref_slice %arg2[%dma_wait3A_599, %dma_wait3A_600] : memref<100352x128xf32, #tpu.memory_space<hbm>> -> memref<100352x128xf32, #tpu.memory_space<hbm>>
    tpu.wait_indirect_dma semaphore(%arg19 : memref<!tpu.dma_semaphore, #tpu.memory_space<semaphore_mem>>) src(%dma_wait3A_601 : memref<100352x128xf32, #tpu.memory_space<hbm>>) dst(%dma_wait3A_596 : memref<128x128xf32, #tpu.memory_space<vmem>>)
    %dma_wait3A_602 = arith.constant 384 : i32
    %dma_wait3A_603 = arith.constant 0 : i32
    %dma_wait3A_604 = tpu.memref_slice %arg18[%dma_wait3A_602, %dma_wait3A_603] : memref<512x128xf32, #tpu.memory_space<vmem>> -> memref<128x128xf32, #tpu.memory_space<vmem>>
    %dma_wait3A_605 = arith.constant 384 : i32
    %dma_wait3A_606 = tpu.memref_slice %arg13[%dma_wait3A_605] : memref<512xi32, #tpu.memory_space<vmem>> -> memref<128xi32, #tpu.memory_space<vmem>>
    %dma_wait3A_607 = arith.constant 0 : i32
    %dma_wait3A_608 = arith.constant 0 : i32
    %dma_wait3A_609 = tpu.memref_slice %arg2[%dma_wait3A_607, %dma_wait3A_608] : memref<100352x128xf32, #tpu.memory_space<hbm>> -> memref<100352x128xf32, #tpu.memory_space<hbm>>
    tpu.wait_indirect_dma semaphore(%arg19 : memref<!tpu.dma_semaphore, #tpu.memory_space<semaphore_mem>>) src(%dma_wait3A_609 : memref<100352x128xf32, #tpu.memory_space<hbm>>) dst(%dma_wait3A_604 : memref<128x128xf32, #tpu.memory_space<vmem>>)
    %run_scoped3A_610 = arith.constant 8 : i32
    "tpu.region"() ({
      %run_scoped3A_871 = tpu.sem_alloc : memref<!tpu.dma_semaphore, #tpu.memory_space<semaphore_mem>>
      %dma_start3A_872 = arith.constant 0 : i32
      %dma_start3A_873 = tpu.memref_slice %arg4[%run_scoped3A_610, %mul3A_2, %dma_start3A_872] : memref<13x16384x128xf32, #tpu.memory_space<hbm>> -> memref<1x512x128xf32, #tpu.memory_space<hbm>>
      %dma_start3A_874 = tpu.memref_squeeze %dma_start3A_873 : memref<1x512x128xf32, #tpu.memory_space<hbm>> -> memref<512x128xf32, #tpu.memory_space<hbm>>
      %dma_start3A_875 = arith.constant 0 : i32
      %dma_start3A_876 = tpu.memref_slice %arg4[%run_scoped3A_610, %mul3A_2, %dma_start3A_875] : memref<13x16384x128xf32, #tpu.memory_space<hbm>> -> memref<1x512x128xf32, #tpu.memory_space<hbm>>
      %dma_start3A_877 = tpu.memref_squeeze %dma_start3A_876 : memref<1x512x128xf32, #tpu.memory_space<hbm>> -> memref<512x128xf32, #tpu.memory_space<hbm>>
      tpu.enqueue_dma source(%arg18 : memref<512x128xf32, #tpu.memory_space<vmem>>) target(%dma_start3A_877 : memref<512x128xf32, #tpu.memory_space<hbm>>) target_semaphore(%run_scoped3A_871 : memref<!tpu.dma_semaphore, #tpu.memory_space<semaphore_mem>>)
      %dma_wait3A_878 = arith.constant 0 : i32
      %dma_wait3A_879 = tpu.memref_slice %arg4[%run_scoped3A_610, %mul3A_2, %dma_wait3A_878] : memref<13x16384x128xf32, #tpu.memory_space<hbm>> -> memref<1x512x128xf32, #tpu.memory_space<hbm>>
      %dma_wait3A_880 = tpu.memref_squeeze %dma_wait3A_879 : memref<1x512x128xf32, #tpu.memory_space<hbm>> -> memref<512x128xf32, #tpu.memory_space<hbm>>
      %dma_wait3A_881 = arith.constant 0 : i32
      %dma_wait3A_882 = tpu.memref_slice %arg4[%run_scoped3A_610, %mul3A_2, %dma_wait3A_881] : memref<13x16384x128xf32, #tpu.memory_space<hbm>> -> memref<1x512x128xf32, #tpu.memory_space<hbm>>
      %dma_wait3A_883 = tpu.memref_squeeze %dma_wait3A_882 : memref<1x512x128xf32, #tpu.memory_space<hbm>> -> memref<512x128xf32, #tpu.memory_space<hbm>>
      tpu.wait_dma2 semaphore(%run_scoped3A_871 : memref<!tpu.dma_semaphore, #tpu.memory_space<semaphore_mem>>) src(%arg18 : memref<512x128xf32, #tpu.memory_space<vmem>>) dst(%dma_wait3A_883 : memref<512x128xf32, #tpu.memory_space<hbm>>)
      tpu.yield
    }) : () -> ()
    %dma_start3A_611 = arith.constant 0 : i32
    %dma_start3A_612 = arith.constant 0 : i32
    %dma_start3A_613 = tpu.memref_slice %arg18[%dma_start3A_611, %dma_start3A_612] : memref<512x128xf32, #tpu.memory_space<vmem>> -> memref<128x128xf32, #tpu.memory_space<vmem>>
    %dma_start3A_614 = arith.constant 0 : i32
    %dma_start3A_615 = tpu.memref_slice %arg14[%dma_start3A_614] : memref<512xi32, #tpu.memory_space<vmem>> -> memref<128xi32, #tpu.memory_space<vmem>>
    %dma_start3A_616 = arith.constant 0 : i32
    %dma_start3A_617 = arith.constant 0 : i32
    %dma_start3A_618 = tpu.memref_slice %arg2[%dma_start3A_616, %dma_start3A_617] : memref<100352x128xf32, #tpu.memory_space<hbm>> -> memref<100352x128xf32, #tpu.memory_space<hbm>>
    tpu.enqueue_indirect_dma source(%dma_start3A_618 : memref<100352x128xf32, #tpu.memory_space<hbm>>) target(%dma_start3A_613 : memref<128x128xf32, #tpu.memory_space<vmem>>) offsets(%dma_start3A_615 : memref<128xi32, #tpu.memory_space<vmem>>) semaphore(%arg19 : memref<!tpu.dma_semaphore, #tpu.memory_space<semaphore_mem>>)
    %dma_start3A_619 = arith.constant 128 : i32
    %dma_start3A_620 = arith.constant 0 : i32
    %dma_start3A_621 = tpu.memref_slice %arg18[%dma_start3A_619, %dma_start3A_620] : memref<512x128xf32, #tpu.memory_space<vmem>> -> memref<128x128xf32, #tpu.memory_space<vmem>>
    %dma_start3A_622 = arith.constant 128 : i32
    %dma_start3A_623 = tpu.memref_slice %arg14[%dma_start3A_622] : memref<512xi32, #tpu.memory_space<vmem>> -> memref<128xi32, #tpu.memory_space<vmem>>
    %dma_start3A_624 = arith.constant 0 : i32
    %dma_start3A_625 = arith.constant 0 : i32
    %dma_start3A_626 = tpu.memref_slice %arg2[%dma_start3A_624, %dma_start3A_625] : memref<100352x128xf32, #tpu.memory_space<hbm>> -> memref<100352x128xf32, #tpu.memory_space<hbm>>
    tpu.enqueue_indirect_dma source(%dma_start3A_626 : memref<100352x128xf32, #tpu.memory_space<hbm>>) target(%dma_start3A_621 : memref<128x128xf32, #tpu.memory_space<vmem>>) offsets(%dma_start3A_623 : memref<128xi32, #tpu.memory_space<vmem>>) semaphore(%arg19 : memref<!tpu.dma_semaphore, #tpu.memory_space<semaphore_mem>>)
    %dma_start3A_627 = arith.constant 256 : i32
    %dma_start3A_628 = arith.constant 0 : i32
    %dma_start3A_629 = tpu.memref_slice %arg18[%dma_start3A_627, %dma_start3A_628] : memref<512x128xf32, #tpu.memory_space<vmem>> -> memref<128x128xf32, #tpu.memory_space<vmem>>
    %dma_start3A_630 = arith.constant 256 : i32
    %dma_start3A_631 = tpu.memref_slice %arg14[%dma_start3A_630] : memref<512xi32, #tpu.memory_space<vmem>> -> memref<128xi32, #tpu.memory_space<vmem>>
    %dma_start3A_632 = arith.constant 0 : i32
    %dma_start3A_633 = arith.constant 0 : i32
    %dma_start3A_634 = tpu.memref_slice %arg2[%dma_start3A_632, %dma_start3A_633] : memref<100352x128xf32, #tpu.memory_space<hbm>> -> memref<100352x128xf32, #tpu.memory_space<hbm>>
    tpu.enqueue_indirect_dma source(%dma_start3A_634 : memref<100352x128xf32, #tpu.memory_space<hbm>>) target(%dma_start3A_629 : memref<128x128xf32, #tpu.memory_space<vmem>>) offsets(%dma_start3A_631 : memref<128xi32, #tpu.memory_space<vmem>>) semaphore(%arg19 : memref<!tpu.dma_semaphore, #tpu.memory_space<semaphore_mem>>)
    %dma_start3A_635 = arith.constant 384 : i32
    %dma_start3A_636 = arith.constant 0 : i32
    %dma_start3A_637 = tpu.memref_slice %arg18[%dma_start3A_635, %dma_start3A_636] : memref<512x128xf32, #tpu.memory_space<vmem>> -> memref<128x128xf32, #tpu.memory_space<vmem>>
    %dma_start3A_638 = arith.constant 384 : i32
    %dma_start3A_639 = tpu.memref_slice %arg14[%dma_start3A_638] : memref<512xi32, #tpu.memory_space<vmem>> -> memref<128xi32, #tpu.memory_space<vmem>>
    %dma_start3A_640 = arith.constant 0 : i32
    %dma_start3A_641 = arith.constant 0 : i32
    %dma_start3A_642 = tpu.memref_slice %arg2[%dma_start3A_640, %dma_start3A_641] : memref<100352x128xf32, #tpu.memory_space<hbm>> -> memref<100352x128xf32, #tpu.memory_space<hbm>>
    tpu.enqueue_indirect_dma source(%dma_start3A_642 : memref<100352x128xf32, #tpu.memory_space<hbm>>) target(%dma_start3A_637 : memref<128x128xf32, #tpu.memory_space<vmem>>) offsets(%dma_start3A_639 : memref<128xi32, #tpu.memory_space<vmem>>) semaphore(%arg19 : memref<!tpu.dma_semaphore, #tpu.memory_space<semaphore_mem>>)
    %dma_wait3A_643 = arith.constant 0 : i32
    %dma_wait3A_644 = arith.constant 0 : i32
    %dma_wait3A_645 = tpu.memref_slice %arg18[%dma_wait3A_643, %dma_wait3A_644] : memref<512x128xf32, #tpu.memory_space<vmem>> -> memref<128x128xf32, #tpu.memory_space<vmem>>
    %dma_wait3A_646 = arith.constant 0 : i32
    %dma_wait3A_647 = tpu.memref_slice %arg14[%dma_wait3A_646] : memref<512xi32, #tpu.memory_space<vmem>> -> memref<128xi32, #tpu.memory_space<vmem>>
    %dma_wait3A_648 = arith.constant 0 : i32
    %dma_wait3A_649 = arith.constant 0 : i32
    %dma_wait3A_650 = tpu.memref_slice %arg2[%dma_wait3A_648, %dma_wait3A_649] : memref<100352x128xf32, #tpu.memory_space<hbm>> -> memref<100352x128xf32, #tpu.memory_space<hbm>>
    tpu.wait_indirect_dma semaphore(%arg19 : memref<!tpu.dma_semaphore, #tpu.memory_space<semaphore_mem>>) src(%dma_wait3A_650 : memref<100352x128xf32, #tpu.memory_space<hbm>>) dst(%dma_wait3A_645 : memref<128x128xf32, #tpu.memory_space<vmem>>)
    %dma_wait3A_651 = arith.constant 128 : i32
    %dma_wait3A_652 = arith.constant 0 : i32
    %dma_wait3A_653 = tpu.memref_slice %arg18[%dma_wait3A_651, %dma_wait3A_652] : memref<512x128xf32, #tpu.memory_space<vmem>> -> memref<128x128xf32, #tpu.memory_space<vmem>>
    %dma_wait3A_654 = arith.constant 128 : i32
    %dma_wait3A_655 = tpu.memref_slice %arg14[%dma_wait3A_654] : memref<512xi32, #tpu.memory_space<vmem>> -> memref<128xi32, #tpu.memory_space<vmem>>
    %dma_wait3A_656 = arith.constant 0 : i32
    %dma_wait3A_657 = arith.constant 0 : i32
    %dma_wait3A_658 = tpu.memref_slice %arg2[%dma_wait3A_656, %dma_wait3A_657] : memref<100352x128xf32, #tpu.memory_space<hbm>> -> memref<100352x128xf32, #tpu.memory_space<hbm>>
    tpu.wait_indirect_dma semaphore(%arg19 : memref<!tpu.dma_semaphore, #tpu.memory_space<semaphore_mem>>) src(%dma_wait3A_658 : memref<100352x128xf32, #tpu.memory_space<hbm>>) dst(%dma_wait3A_653 : memref<128x128xf32, #tpu.memory_space<vmem>>)
    %dma_wait3A_659 = arith.constant 256 : i32
    %dma_wait3A_660 = arith.constant 0 : i32
    %dma_wait3A_661 = tpu.memref_slice %arg18[%dma_wait3A_659, %dma_wait3A_660] : memref<512x128xf32, #tpu.memory_space<vmem>> -> memref<128x128xf32, #tpu.memory_space<vmem>>
    %dma_wait3A_662 = arith.constant 256 : i32
    %dma_wait3A_663 = tpu.memref_slice %arg14[%dma_wait3A_662] : memref<512xi32, #tpu.memory_space<vmem>> -> memref<128xi32, #tpu.memory_space<vmem>>
    %dma_wait3A_664 = arith.constant 0 : i32
    %dma_wait3A_665 = arith.constant 0 : i32
    %dma_wait3A_666 = tpu.memref_slice %arg2[%dma_wait3A_664, %dma_wait3A_665] : memref<100352x128xf32, #tpu.memory_space<hbm>> -> memref<100352x128xf32, #tpu.memory_space<hbm>>
    tpu.wait_indirect_dma semaphore(%arg19 : memref<!tpu.dma_semaphore, #tpu.memory_space<semaphore_mem>>) src(%dma_wait3A_666 : memref<100352x128xf32, #tpu.memory_space<hbm>>) dst(%dma_wait3A_661 : memref<128x128xf32, #tpu.memory_space<vmem>>)
    %dma_wait3A_667 = arith.constant 384 : i32
    %dma_wait3A_668 = arith.constant 0 : i32
    %dma_wait3A_669 = tpu.memref_slice %arg18[%dma_wait3A_667, %dma_wait3A_668] : memref<512x128xf32, #tpu.memory_space<vmem>> -> memref<128x128xf32, #tpu.memory_space<vmem>>
    %dma_wait3A_670 = arith.constant 384 : i32
    %dma_wait3A_671 = tpu.memref_slice %arg14[%dma_wait3A_670] : memref<512xi32, #tpu.memory_space<vmem>> -> memref<128xi32, #tpu.memory_space<vmem>>
    %dma_wait3A_672 = arith.constant 0 : i32
    %dma_wait3A_673 = arith.constant 0 : i32
    %dma_wait3A_674 = tpu.memref_slice %arg2[%dma_wait3A_672, %dma_wait3A_673] : memref<100352x128xf32, #tpu.memory_space<hbm>> -> memref<100352x128xf32, #tpu.memory_space<hbm>>
    tpu.wait_indirect_dma semaphore(%arg19 : memref<!tpu.dma_semaphore, #tpu.memory_space<semaphore_mem>>) src(%dma_wait3A_674 : memref<100352x128xf32, #tpu.memory_space<hbm>>) dst(%dma_wait3A_669 : memref<128x128xf32, #tpu.memory_space<vmem>>)
    %run_scoped3A_675 = arith.constant 9 : i32
    "tpu.region"() ({
      %run_scoped3A_871 = tpu.sem_alloc : memref<!tpu.dma_semaphore, #tpu.memory_space<semaphore_mem>>
      %dma_start3A_872 = arith.constant 0 : i32
      %dma_start3A_873 = tpu.memref_slice %arg4[%run_scoped3A_675, %mul3A_2, %dma_start3A_872] : memref<13x16384x128xf32, #tpu.memory_space<hbm>> -> memref<1x512x128xf32, #tpu.memory_space<hbm>>
      %dma_start3A_874 = tpu.memref_squeeze %dma_start3A_873 : memref<1x512x128xf32, #tpu.memory_space<hbm>> -> memref<512x128xf32, #tpu.memory_space<hbm>>
      %dma_start3A_875 = arith.constant 0 : i32
      %dma_start3A_876 = tpu.memref_slice %arg4[%run_scoped3A_675, %mul3A_2, %dma_start3A_875] : memref<13x16384x128xf32, #tpu.memory_space<hbm>> -> memref<1x512x128xf32, #tpu.memory_space<hbm>>
      %dma_start3A_877 = tpu.memref_squeeze %dma_start3A_876 : memref<1x512x128xf32, #tpu.memory_space<hbm>> -> memref<512x128xf32, #tpu.memory_space<hbm>>
      tpu.enqueue_dma source(%arg18 : memref<512x128xf32, #tpu.memory_space<vmem>>) target(%dma_start3A_877 : memref<512x128xf32, #tpu.memory_space<hbm>>) target_semaphore(%run_scoped3A_871 : memref<!tpu.dma_semaphore, #tpu.memory_space<semaphore_mem>>)
      %dma_wait3A_878 = arith.constant 0 : i32
      %dma_wait3A_879 = tpu.memref_slice %arg4[%run_scoped3A_675, %mul3A_2, %dma_wait3A_878] : memref<13x16384x128xf32, #tpu.memory_space<hbm>> -> memref<1x512x128xf32, #tpu.memory_space<hbm>>
      %dma_wait3A_880 = tpu.memref_squeeze %dma_wait3A_879 : memref<1x512x128xf32, #tpu.memory_space<hbm>> -> memref<512x128xf32, #tpu.memory_space<hbm>>
      %dma_wait3A_881 = arith.constant 0 : i32
      %dma_wait3A_882 = tpu.memref_slice %arg4[%run_scoped3A_675, %mul3A_2, %dma_wait3A_881] : memref<13x16384x128xf32, #tpu.memory_space<hbm>> -> memref<1x512x128xf32, #tpu.memory_space<hbm>>
      %dma_wait3A_883 = tpu.memref_squeeze %dma_wait3A_882 : memref<1x512x128xf32, #tpu.memory_space<hbm>> -> memref<512x128xf32, #tpu.memory_space<hbm>>
      tpu.wait_dma2 semaphore(%run_scoped3A_871 : memref<!tpu.dma_semaphore, #tpu.memory_space<semaphore_mem>>) src(%arg18 : memref<512x128xf32, #tpu.memory_space<vmem>>) dst(%dma_wait3A_883 : memref<512x128xf32, #tpu.memory_space<hbm>>)
      tpu.yield
    }) : () -> ()
    %dma_start3A_676 = arith.constant 0 : i32
    %dma_start3A_677 = arith.constant 0 : i32
    %dma_start3A_678 = tpu.memref_slice %arg18[%dma_start3A_676, %dma_start3A_677] : memref<512x128xf32, #tpu.memory_space<vmem>> -> memref<128x128xf32, #tpu.memory_space<vmem>>
    %dma_start3A_679 = arith.constant 0 : i32
    %dma_start3A_680 = tpu.memref_slice %arg15[%dma_start3A_679] : memref<512xi32, #tpu.memory_space<vmem>> -> memref<128xi32, #tpu.memory_space<vmem>>
    %dma_start3A_681 = arith.constant 0 : i32
    %dma_start3A_682 = arith.constant 0 : i32
    %dma_start3A_683 = tpu.memref_slice %arg2[%dma_start3A_681, %dma_start3A_682] : memref<100352x128xf32, #tpu.memory_space<hbm>> -> memref<100352x128xf32, #tpu.memory_space<hbm>>
    tpu.enqueue_indirect_dma source(%dma_start3A_683 : memref<100352x128xf32, #tpu.memory_space<hbm>>) target(%dma_start3A_678 : memref<128x128xf32, #tpu.memory_space<vmem>>) offsets(%dma_start3A_680 : memref<128xi32, #tpu.memory_space<vmem>>) semaphore(%arg19 : memref<!tpu.dma_semaphore, #tpu.memory_space<semaphore_mem>>)
    %dma_start3A_684 = arith.constant 128 : i32
    %dma_start3A_685 = arith.constant 0 : i32
    %dma_start3A_686 = tpu.memref_slice %arg18[%dma_start3A_684, %dma_start3A_685] : memref<512x128xf32, #tpu.memory_space<vmem>> -> memref<128x128xf32, #tpu.memory_space<vmem>>
    %dma_start3A_687 = arith.constant 128 : i32
    %dma_start3A_688 = tpu.memref_slice %arg15[%dma_start3A_687] : memref<512xi32, #tpu.memory_space<vmem>> -> memref<128xi32, #tpu.memory_space<vmem>>
    %dma_start3A_689 = arith.constant 0 : i32
    %dma_start3A_690 = arith.constant 0 : i32
    %dma_start3A_691 = tpu.memref_slice %arg2[%dma_start3A_689, %dma_start3A_690] : memref<100352x128xf32, #tpu.memory_space<hbm>> -> memref<100352x128xf32, #tpu.memory_space<hbm>>
    tpu.enqueue_indirect_dma source(%dma_start3A_691 : memref<100352x128xf32, #tpu.memory_space<hbm>>) target(%dma_start3A_686 : memref<128x128xf32, #tpu.memory_space<vmem>>) offsets(%dma_start3A_688 : memref<128xi32, #tpu.memory_space<vmem>>) semaphore(%arg19 : memref<!tpu.dma_semaphore, #tpu.memory_space<semaphore_mem>>)
    %dma_start3A_692 = arith.constant 256 : i32
    %dma_start3A_693 = arith.constant 0 : i32
    %dma_start3A_694 = tpu.memref_slice %arg18[%dma_start3A_692, %dma_start3A_693] : memref<512x128xf32, #tpu.memory_space<vmem>> -> memref<128x128xf32, #tpu.memory_space<vmem>>
    %dma_start3A_695 = arith.constant 256 : i32
    %dma_start3A_696 = tpu.memref_slice %arg15[%dma_start3A_695] : memref<512xi32, #tpu.memory_space<vmem>> -> memref<128xi32, #tpu.memory_space<vmem>>
    %dma_start3A_697 = arith.constant 0 : i32
    %dma_start3A_698 = arith.constant 0 : i32
    %dma_start3A_699 = tpu.memref_slice %arg2[%dma_start3A_697, %dma_start3A_698] : memref<100352x128xf32, #tpu.memory_space<hbm>> -> memref<100352x128xf32, #tpu.memory_space<hbm>>
    tpu.enqueue_indirect_dma source(%dma_start3A_699 : memref<100352x128xf32, #tpu.memory_space<hbm>>) target(%dma_start3A_694 : memref<128x128xf32, #tpu.memory_space<vmem>>) offsets(%dma_start3A_696 : memref<128xi32, #tpu.memory_space<vmem>>) semaphore(%arg19 : memref<!tpu.dma_semaphore, #tpu.memory_space<semaphore_mem>>)
    %dma_start3A_700 = arith.constant 384 : i32
    %dma_start3A_701 = arith.constant 0 : i32
    %dma_start3A_702 = tpu.memref_slice %arg18[%dma_start3A_700, %dma_start3A_701] : memref<512x128xf32, #tpu.memory_space<vmem>> -> memref<128x128xf32, #tpu.memory_space<vmem>>
    %dma_start3A_703 = arith.constant 384 : i32
    %dma_start3A_704 = tpu.memref_slice %arg15[%dma_start3A_703] : memref<512xi32, #tpu.memory_space<vmem>> -> memref<128xi32, #tpu.memory_space<vmem>>
    %dma_start3A_705 = arith.constant 0 : i32
    %dma_start3A_706 = arith.constant 0 : i32
    %dma_start3A_707 = tpu.memref_slice %arg2[%dma_start3A_705, %dma_start3A_706] : memref<100352x128xf32, #tpu.memory_space<hbm>> -> memref<100352x128xf32, #tpu.memory_space<hbm>>
    tpu.enqueue_indirect_dma source(%dma_start3A_707 : memref<100352x128xf32, #tpu.memory_space<hbm>>) target(%dma_start3A_702 : memref<128x128xf32, #tpu.memory_space<vmem>>) offsets(%dma_start3A_704 : memref<128xi32, #tpu.memory_space<vmem>>) semaphore(%arg19 : memref<!tpu.dma_semaphore, #tpu.memory_space<semaphore_mem>>)
    %dma_wait3A_708 = arith.constant 0 : i32
    %dma_wait3A_709 = arith.constant 0 : i32
    %dma_wait3A_710 = tpu.memref_slice %arg18[%dma_wait3A_708, %dma_wait3A_709] : memref<512x128xf32, #tpu.memory_space<vmem>> -> memref<128x128xf32, #tpu.memory_space<vmem>>
    %dma_wait3A_711 = arith.constant 0 : i32
    %dma_wait3A_712 = tpu.memref_slice %arg15[%dma_wait3A_711] : memref<512xi32, #tpu.memory_space<vmem>> -> memref<128xi32, #tpu.memory_space<vmem>>
    %dma_wait3A_713 = arith.constant 0 : i32
    %dma_wait3A_714 = arith.constant 0 : i32
    %dma_wait3A_715 = tpu.memref_slice %arg2[%dma_wait3A_713, %dma_wait3A_714] : memref<100352x128xf32, #tpu.memory_space<hbm>> -> memref<100352x128xf32, #tpu.memory_space<hbm>>
    tpu.wait_indirect_dma semaphore(%arg19 : memref<!tpu.dma_semaphore, #tpu.memory_space<semaphore_mem>>) src(%dma_wait3A_715 : memref<100352x128xf32, #tpu.memory_space<hbm>>) dst(%dma_wait3A_710 : memref<128x128xf32, #tpu.memory_space<vmem>>)
    %dma_wait3A_716 = arith.constant 128 : i32
    %dma_wait3A_717 = arith.constant 0 : i32
    %dma_wait3A_718 = tpu.memref_slice %arg18[%dma_wait3A_716, %dma_wait3A_717] : memref<512x128xf32, #tpu.memory_space<vmem>> -> memref<128x128xf32, #tpu.memory_space<vmem>>
    %dma_wait3A_719 = arith.constant 128 : i32
    %dma_wait3A_720 = tpu.memref_slice %arg15[%dma_wait3A_719] : memref<512xi32, #tpu.memory_space<vmem>> -> memref<128xi32, #tpu.memory_space<vmem>>
    %dma_wait3A_721 = arith.constant 0 : i32
    %dma_wait3A_722 = arith.constant 0 : i32
    %dma_wait3A_723 = tpu.memref_slice %arg2[%dma_wait3A_721, %dma_wait3A_722] : memref<100352x128xf32, #tpu.memory_space<hbm>> -> memref<100352x128xf32, #tpu.memory_space<hbm>>
    tpu.wait_indirect_dma semaphore(%arg19 : memref<!tpu.dma_semaphore, #tpu.memory_space<semaphore_mem>>) src(%dma_wait3A_723 : memref<100352x128xf32, #tpu.memory_space<hbm>>) dst(%dma_wait3A_718 : memref<128x128xf32, #tpu.memory_space<vmem>>)
    %dma_wait3A_724 = arith.constant 256 : i32
    %dma_wait3A_725 = arith.constant 0 : i32
    %dma_wait3A_726 = tpu.memref_slice %arg18[%dma_wait3A_724, %dma_wait3A_725] : memref<512x128xf32, #tpu.memory_space<vmem>> -> memref<128x128xf32, #tpu.memory_space<vmem>>
    %dma_wait3A_727 = arith.constant 256 : i32
    %dma_wait3A_728 = tpu.memref_slice %arg15[%dma_wait3A_727] : memref<512xi32, #tpu.memory_space<vmem>> -> memref<128xi32, #tpu.memory_space<vmem>>
    %dma_wait3A_729 = arith.constant 0 : i32
    %dma_wait3A_730 = arith.constant 0 : i32
    %dma_wait3A_731 = tpu.memref_slice %arg2[%dma_wait3A_729, %dma_wait3A_730] : memref<100352x128xf32, #tpu.memory_space<hbm>> -> memref<100352x128xf32, #tpu.memory_space<hbm>>
    tpu.wait_indirect_dma semaphore(%arg19 : memref<!tpu.dma_semaphore, #tpu.memory_space<semaphore_mem>>) src(%dma_wait3A_731 : memref<100352x128xf32, #tpu.memory_space<hbm>>) dst(%dma_wait3A_726 : memref<128x128xf32, #tpu.memory_space<vmem>>)
    %dma_wait3A_732 = arith.constant 384 : i32
    %dma_wait3A_733 = arith.constant 0 : i32
    %dma_wait3A_734 = tpu.memref_slice %arg18[%dma_wait3A_732, %dma_wait3A_733] : memref<512x128xf32, #tpu.memory_space<vmem>> -> memref<128x128xf32, #tpu.memory_space<vmem>>
    %dma_wait3A_735 = arith.constant 384 : i32
    %dma_wait3A_736 = tpu.memref_slice %arg15[%dma_wait3A_735] : memref<512xi32, #tpu.memory_space<vmem>> -> memref<128xi32, #tpu.memory_space<vmem>>
    %dma_wait3A_737 = arith.constant 0 : i32
    %dma_wait3A_738 = arith.constant 0 : i32
    %dma_wait3A_739 = tpu.memref_slice %arg2[%dma_wait3A_737, %dma_wait3A_738] : memref<100352x128xf32, #tpu.memory_space<hbm>> -> memref<100352x128xf32, #tpu.memory_space<hbm>>
    tpu.wait_indirect_dma semaphore(%arg19 : memref<!tpu.dma_semaphore, #tpu.memory_space<semaphore_mem>>) src(%dma_wait3A_739 : memref<100352x128xf32, #tpu.memory_space<hbm>>) dst(%dma_wait3A_734 : memref<128x128xf32, #tpu.memory_space<vmem>>)
    %run_scoped3A_740 = arith.constant 10 : i32
    "tpu.region"() ({
      %run_scoped3A_871 = tpu.sem_alloc : memref<!tpu.dma_semaphore, #tpu.memory_space<semaphore_mem>>
      %dma_start3A_872 = arith.constant 0 : i32
      %dma_start3A_873 = tpu.memref_slice %arg4[%run_scoped3A_740, %mul3A_2, %dma_start3A_872] : memref<13x16384x128xf32, #tpu.memory_space<hbm>> -> memref<1x512x128xf32, #tpu.memory_space<hbm>>
      %dma_start3A_874 = tpu.memref_squeeze %dma_start3A_873 : memref<1x512x128xf32, #tpu.memory_space<hbm>> -> memref<512x128xf32, #tpu.memory_space<hbm>>
      %dma_start3A_875 = arith.constant 0 : i32
      %dma_start3A_876 = tpu.memref_slice %arg4[%run_scoped3A_740, %mul3A_2, %dma_start3A_875] : memref<13x16384x128xf32, #tpu.memory_space<hbm>> -> memref<1x512x128xf32, #tpu.memory_space<hbm>>
      %dma_start3A_877 = tpu.memref_squeeze %dma_start3A_876 : memref<1x512x128xf32, #tpu.memory_space<hbm>> -> memref<512x128xf32, #tpu.memory_space<hbm>>
      tpu.enqueue_dma source(%arg18 : memref<512x128xf32, #tpu.memory_space<vmem>>) target(%dma_start3A_877 : memref<512x128xf32, #tpu.memory_space<hbm>>) target_semaphore(%run_scoped3A_871 : memref<!tpu.dma_semaphore, #tpu.memory_space<semaphore_mem>>)
      %dma_wait3A_878 = arith.constant 0 : i32
      %dma_wait3A_879 = tpu.memref_slice %arg4[%run_scoped3A_740, %mul3A_2, %dma_wait3A_878] : memref<13x16384x128xf32, #tpu.memory_space<hbm>> -> memref<1x512x128xf32, #tpu.memory_space<hbm>>
      %dma_wait3A_880 = tpu.memref_squeeze %dma_wait3A_879 : memref<1x512x128xf32, #tpu.memory_space<hbm>> -> memref<512x128xf32, #tpu.memory_space<hbm>>
      %dma_wait3A_881 = arith.constant 0 : i32
      %dma_wait3A_882 = tpu.memref_slice %arg4[%run_scoped3A_740, %mul3A_2, %dma_wait3A_881] : memref<13x16384x128xf32, #tpu.memory_space<hbm>> -> memref<1x512x128xf32, #tpu.memory_space<hbm>>
      %dma_wait3A_883 = tpu.memref_squeeze %dma_wait3A_882 : memref<1x512x128xf32, #tpu.memory_space<hbm>> -> memref<512x128xf32, #tpu.memory_space<hbm>>
      tpu.wait_dma2 semaphore(%run_scoped3A_871 : memref<!tpu.dma_semaphore, #tpu.memory_space<semaphore_mem>>) src(%arg18 : memref<512x128xf32, #tpu.memory_space<vmem>>) dst(%dma_wait3A_883 : memref<512x128xf32, #tpu.memory_space<hbm>>)
      tpu.yield
    }) : () -> ()
    %dma_start3A_741 = arith.constant 0 : i32
    %dma_start3A_742 = arith.constant 0 : i32
    %dma_start3A_743 = tpu.memref_slice %arg18[%dma_start3A_741, %dma_start3A_742] : memref<512x128xf32, #tpu.memory_space<vmem>> -> memref<128x128xf32, #tpu.memory_space<vmem>>
    %dma_start3A_744 = arith.constant 0 : i32
    %dma_start3A_745 = tpu.memref_slice %arg16[%dma_start3A_744] : memref<512xi32, #tpu.memory_space<vmem>> -> memref<128xi32, #tpu.memory_space<vmem>>
    %dma_start3A_746 = arith.constant 0 : i32
    %dma_start3A_747 = arith.constant 0 : i32
    %dma_start3A_748 = tpu.memref_slice %arg2[%dma_start3A_746, %dma_start3A_747] : memref<100352x128xf32, #tpu.memory_space<hbm>> -> memref<100352x128xf32, #tpu.memory_space<hbm>>
    tpu.enqueue_indirect_dma source(%dma_start3A_748 : memref<100352x128xf32, #tpu.memory_space<hbm>>) target(%dma_start3A_743 : memref<128x128xf32, #tpu.memory_space<vmem>>) offsets(%dma_start3A_745 : memref<128xi32, #tpu.memory_space<vmem>>) semaphore(%arg19 : memref<!tpu.dma_semaphore, #tpu.memory_space<semaphore_mem>>)
    %dma_start3A_749 = arith.constant 128 : i32
    %dma_start3A_750 = arith.constant 0 : i32
    %dma_start3A_751 = tpu.memref_slice %arg18[%dma_start3A_749, %dma_start3A_750] : memref<512x128xf32, #tpu.memory_space<vmem>> -> memref<128x128xf32, #tpu.memory_space<vmem>>
    %dma_start3A_752 = arith.constant 128 : i32
    %dma_start3A_753 = tpu.memref_slice %arg16[%dma_start3A_752] : memref<512xi32, #tpu.memory_space<vmem>> -> memref<128xi32, #tpu.memory_space<vmem>>
    %dma_start3A_754 = arith.constant 0 : i32
    %dma_start3A_755 = arith.constant 0 : i32
    %dma_start3A_756 = tpu.memref_slice %arg2[%dma_start3A_754, %dma_start3A_755] : memref<100352x128xf32, #tpu.memory_space<hbm>> -> memref<100352x128xf32, #tpu.memory_space<hbm>>
    tpu.enqueue_indirect_dma source(%dma_start3A_756 : memref<100352x128xf32, #tpu.memory_space<hbm>>) target(%dma_start3A_751 : memref<128x128xf32, #tpu.memory_space<vmem>>) offsets(%dma_start3A_753 : memref<128xi32, #tpu.memory_space<vmem>>) semaphore(%arg19 : memref<!tpu.dma_semaphore, #tpu.memory_space<semaphore_mem>>)
    %dma_start3A_757 = arith.constant 256 : i32
    %dma_start3A_758 = arith.constant 0 : i32
    %dma_start3A_759 = tpu.memref_slice %arg18[%dma_start3A_757, %dma_start3A_758] : memref<512x128xf32, #tpu.memory_space<vmem>> -> memref<128x128xf32, #tpu.memory_space<vmem>>
    %dma_start3A_760 = arith.constant 256 : i32
    %dma_start3A_761 = tpu.memref_slice %arg16[%dma_start3A_760] : memref<512xi32, #tpu.memory_space<vmem>> -> memref<128xi32, #tpu.memory_space<vmem>>
    %dma_start3A_762 = arith.constant 0 : i32
    %dma_start3A_763 = arith.constant 0 : i32
    %dma_start3A_764 = tpu.memref_slice %arg2[%dma_start3A_762, %dma_start3A_763] : memref<100352x128xf32, #tpu.memory_space<hbm>> -> memref<100352x128xf32, #tpu.memory_space<hbm>>
    tpu.enqueue_indirect_dma source(%dma_start3A_764 : memref<100352x128xf32, #tpu.memory_space<hbm>>) target(%dma_start3A_759 : memref<128x128xf32, #tpu.memory_space<vmem>>) offsets(%dma_start3A_761 : memref<128xi32, #tpu.memory_space<vmem>>) semaphore(%arg19 : memref<!tpu.dma_semaphore, #tpu.memory_space<semaphore_mem>>)
    %dma_start3A_765 = arith.constant 384 : i32
    %dma_start3A_766 = arith.constant 0 : i32
    %dma_start3A_767 = tpu.memref_slice %arg18[%dma_start3A_765, %dma_start3A_766] : memref<512x128xf32, #tpu.memory_space<vmem>> -> memref<128x128xf32, #tpu.memory_space<vmem>>
    %dma_start3A_768 = arith.constant 384 : i32
    %dma_start3A_769 = tpu.memref_slice %arg16[%dma_start3A_768] : memref<512xi32, #tpu.memory_space<vmem>> -> memref<128xi32, #tpu.memory_space<vmem>>
    %dma_start3A_770 = arith.constant 0 : i32
    %dma_start3A_771 = arith.constant 0 : i32
    %dma_start3A_772 = tpu.memref_slice %arg2[%dma_start3A_770, %dma_start3A_771] : memref<100352x128xf32, #tpu.memory_space<hbm>> -> memref<100352x128xf32, #tpu.memory_space<hbm>>
    tpu.enqueue_indirect_dma source(%dma_start3A_772 : memref<100352x128xf32, #tpu.memory_space<hbm>>) target(%dma_start3A_767 : memref<128x128xf32, #tpu.memory_space<vmem>>) offsets(%dma_start3A_769 : memref<128xi32, #tpu.memory_space<vmem>>) semaphore(%arg19 : memref<!tpu.dma_semaphore, #tpu.memory_space<semaphore_mem>>)
    %dma_wait3A_773 = arith.constant 0 : i32
    %dma_wait3A_774 = arith.constant 0 : i32
    %dma_wait3A_775 = tpu.memref_slice %arg18[%dma_wait3A_773, %dma_wait3A_774] : memref<512x128xf32, #tpu.memory_space<vmem>> -> memref<128x128xf32, #tpu.memory_space<vmem>>
    %dma_wait3A_776 = arith.constant 0 : i32
    %dma_wait3A_777 = tpu.memref_slice %arg16[%dma_wait3A_776] : memref<512xi32, #tpu.memory_space<vmem>> -> memref<128xi32, #tpu.memory_space<vmem>>
    %dma_wait3A_778 = arith.constant 0 : i32
    %dma_wait3A_779 = arith.constant 0 : i32
    %dma_wait3A_780 = tpu.memref_slice %arg2[%dma_wait3A_778, %dma_wait3A_779] : memref<100352x128xf32, #tpu.memory_space<hbm>> -> memref<100352x128xf32, #tpu.memory_space<hbm>>
    tpu.wait_indirect_dma semaphore(%arg19 : memref<!tpu.dma_semaphore, #tpu.memory_space<semaphore_mem>>) src(%dma_wait3A_780 : memref<100352x128xf32, #tpu.memory_space<hbm>>) dst(%dma_wait3A_775 : memref<128x128xf32, #tpu.memory_space<vmem>>)
    %dma_wait3A_781 = arith.constant 128 : i32
    %dma_wait3A_782 = arith.constant 0 : i32
    %dma_wait3A_783 = tpu.memref_slice %arg18[%dma_wait3A_781, %dma_wait3A_782] : memref<512x128xf32, #tpu.memory_space<vmem>> -> memref<128x128xf32, #tpu.memory_space<vmem>>
    %dma_wait3A_784 = arith.constant 128 : i32
    %dma_wait3A_785 = tpu.memref_slice %arg16[%dma_wait3A_784] : memref<512xi32, #tpu.memory_space<vmem>> -> memref<128xi32, #tpu.memory_space<vmem>>
    %dma_wait3A_786 = arith.constant 0 : i32
    %dma_wait3A_787 = arith.constant 0 : i32
    %dma_wait3A_788 = tpu.memref_slice %arg2[%dma_wait3A_786, %dma_wait3A_787] : memref<100352x128xf32, #tpu.memory_space<hbm>> -> memref<100352x128xf32, #tpu.memory_space<hbm>>
    tpu.wait_indirect_dma semaphore(%arg19 : memref<!tpu.dma_semaphore, #tpu.memory_space<semaphore_mem>>) src(%dma_wait3A_788 : memref<100352x128xf32, #tpu.memory_space<hbm>>) dst(%dma_wait3A_783 : memref<128x128xf32, #tpu.memory_space<vmem>>)
    %dma_wait3A_789 = arith.constant 256 : i32
    %dma_wait3A_790 = arith.constant 0 : i32
    %dma_wait3A_791 = tpu.memref_slice %arg18[%dma_wait3A_789, %dma_wait3A_790] : memref<512x128xf32, #tpu.memory_space<vmem>> -> memref<128x128xf32, #tpu.memory_space<vmem>>
    %dma_wait3A_792 = arith.constant 256 : i32
    %dma_wait3A_793 = tpu.memref_slice %arg16[%dma_wait3A_792] : memref<512xi32, #tpu.memory_space<vmem>> -> memref<128xi32, #tpu.memory_space<vmem>>
    %dma_wait3A_794 = arith.constant 0 : i32
    %dma_wait3A_795 = arith.constant 0 : i32
    %dma_wait3A_796 = tpu.memref_slice %arg2[%dma_wait3A_794, %dma_wait3A_795] : memref<100352x128xf32, #tpu.memory_space<hbm>> -> memref<100352x128xf32, #tpu.memory_space<hbm>>
    tpu.wait_indirect_dma semaphore(%arg19 : memref<!tpu.dma_semaphore, #tpu.memory_space<semaphore_mem>>) src(%dma_wait3A_796 : memref<100352x128xf32, #tpu.memory_space<hbm>>) dst(%dma_wait3A_791 : memref<128x128xf32, #tpu.memory_space<vmem>>)
    %dma_wait3A_797 = arith.constant 384 : i32
    %dma_wait3A_798 = arith.constant 0 : i32
    %dma_wait3A_799 = tpu.memref_slice %arg18[%dma_wait3A_797, %dma_wait3A_798] : memref<512x128xf32, #tpu.memory_space<vmem>> -> memref<128x128xf32, #tpu.memory_space<vmem>>
    %dma_wait3A_800 = arith.constant 384 : i32
    %dma_wait3A_801 = tpu.memref_slice %arg16[%dma_wait3A_800] : memref<512xi32, #tpu.memory_space<vmem>> -> memref<128xi32, #tpu.memory_space<vmem>>
    %dma_wait3A_802 = arith.constant 0 : i32
    %dma_wait3A_803 = arith.constant 0 : i32
    %dma_wait3A_804 = tpu.memref_slice %arg2[%dma_wait3A_802, %dma_wait3A_803] : memref<100352x128xf32, #tpu.memory_space<hbm>> -> memref<100352x128xf32, #tpu.memory_space<hbm>>
    tpu.wait_indirect_dma semaphore(%arg19 : memref<!tpu.dma_semaphore, #tpu.memory_space<semaphore_mem>>) src(%dma_wait3A_804 : memref<100352x128xf32, #tpu.memory_space<hbm>>) dst(%dma_wait3A_799 : memref<128x128xf32, #tpu.memory_space<vmem>>)
    %run_scoped3A_805 = arith.constant 11 : i32
    "tpu.region"() ({
      %run_scoped3A_871 = tpu.sem_alloc : memref<!tpu.dma_semaphore, #tpu.memory_space<semaphore_mem>>
      %dma_start3A_872 = arith.constant 0 : i32
      %dma_start3A_873 = tpu.memref_slice %arg4[%run_scoped3A_805, %mul3A_2, %dma_start3A_872] : memref<13x16384x128xf32, #tpu.memory_space<hbm>> -> memref<1x512x128xf32, #tpu.memory_space<hbm>>
      %dma_start3A_874 = tpu.memref_squeeze %dma_start3A_873 : memref<1x512x128xf32, #tpu.memory_space<hbm>> -> memref<512x128xf32, #tpu.memory_space<hbm>>
      %dma_start3A_875 = arith.constant 0 : i32
      %dma_start3A_876 = tpu.memref_slice %arg4[%run_scoped3A_805, %mul3A_2, %dma_start3A_875] : memref<13x16384x128xf32, #tpu.memory_space<hbm>> -> memref<1x512x128xf32, #tpu.memory_space<hbm>>
      %dma_start3A_877 = tpu.memref_squeeze %dma_start3A_876 : memref<1x512x128xf32, #tpu.memory_space<hbm>> -> memref<512x128xf32, #tpu.memory_space<hbm>>
      tpu.enqueue_dma source(%arg18 : memref<512x128xf32, #tpu.memory_space<vmem>>) target(%dma_start3A_877 : memref<512x128xf32, #tpu.memory_space<hbm>>) target_semaphore(%run_scoped3A_871 : memref<!tpu.dma_semaphore, #tpu.memory_space<semaphore_mem>>)
      %dma_wait3A_878 = arith.constant 0 : i32
      %dma_wait3A_879 = tpu.memref_slice %arg4[%run_scoped3A_805, %mul3A_2, %dma_wait3A_878] : memref<13x16384x128xf32, #tpu.memory_space<hbm>> -> memref<1x512x128xf32, #tpu.memory_space<hbm>>
      %dma_wait3A_880 = tpu.memref_squeeze %dma_wait3A_879 : memref<1x512x128xf32, #tpu.memory_space<hbm>> -> memref<512x128xf32, #tpu.memory_space<hbm>>
      %dma_wait3A_881 = arith.constant 0 : i32
      %dma_wait3A_882 = tpu.memref_slice %arg4[%run_scoped3A_805, %mul3A_2, %dma_wait3A_881] : memref<13x16384x128xf32, #tpu.memory_space<hbm>> -> memref<1x512x128xf32, #tpu.memory_space<hbm>>
      %dma_wait3A_883 = tpu.memref_squeeze %dma_wait3A_882 : memref<1x512x128xf32, #tpu.memory_space<hbm>> -> memref<512x128xf32, #tpu.memory_space<hbm>>
      tpu.wait_dma2 semaphore(%run_scoped3A_871 : memref<!tpu.dma_semaphore, #tpu.memory_space<semaphore_mem>>) src(%arg18 : memref<512x128xf32, #tpu.memory_space<vmem>>) dst(%dma_wait3A_883 : memref<512x128xf32, #tpu.memory_space<hbm>>)
      tpu.yield
    }) : () -> ()
    %dma_start3A_806 = arith.constant 0 : i32
    %dma_start3A_807 = arith.constant 0 : i32
    %dma_start3A_808 = tpu.memref_slice %arg18[%dma_start3A_806, %dma_start3A_807] : memref<512x128xf32, #tpu.memory_space<vmem>> -> memref<128x128xf32, #tpu.memory_space<vmem>>
    %dma_start3A_809 = arith.constant 0 : i32
    %dma_start3A_810 = tpu.memref_slice %arg17[%dma_start3A_809] : memref<512xi32, #tpu.memory_space<vmem>> -> memref<128xi32, #tpu.memory_space<vmem>>
    %dma_start3A_811 = arith.constant 0 : i32
    %dma_start3A_812 = arith.constant 0 : i32
    %dma_start3A_813 = tpu.memref_slice %arg2[%dma_start3A_811, %dma_start3A_812] : memref<100352x128xf32, #tpu.memory_space<hbm>> -> memref<100352x128xf32, #tpu.memory_space<hbm>>
    tpu.enqueue_indirect_dma source(%dma_start3A_813 : memref<100352x128xf32, #tpu.memory_space<hbm>>) target(%dma_start3A_808 : memref<128x128xf32, #tpu.memory_space<vmem>>) offsets(%dma_start3A_810 : memref<128xi32, #tpu.memory_space<vmem>>) semaphore(%arg19 : memref<!tpu.dma_semaphore, #tpu.memory_space<semaphore_mem>>)
    %dma_start3A_814 = arith.constant 128 : i32
    %dma_start3A_815 = arith.constant 0 : i32
    %dma_start3A_816 = tpu.memref_slice %arg18[%dma_start3A_814, %dma_start3A_815] : memref<512x128xf32, #tpu.memory_space<vmem>> -> memref<128x128xf32, #tpu.memory_space<vmem>>
    %dma_start3A_817 = arith.constant 128 : i32
    %dma_start3A_818 = tpu.memref_slice %arg17[%dma_start3A_817] : memref<512xi32, #tpu.memory_space<vmem>> -> memref<128xi32, #tpu.memory_space<vmem>>
    %dma_start3A_819 = arith.constant 0 : i32
    %dma_start3A_820 = arith.constant 0 : i32
    %dma_start3A_821 = tpu.memref_slice %arg2[%dma_start3A_819, %dma_start3A_820] : memref<100352x128xf32, #tpu.memory_space<hbm>> -> memref<100352x128xf32, #tpu.memory_space<hbm>>
    tpu.enqueue_indirect_dma source(%dma_start3A_821 : memref<100352x128xf32, #tpu.memory_space<hbm>>) target(%dma_start3A_816 : memref<128x128xf32, #tpu.memory_space<vmem>>) offsets(%dma_start3A_818 : memref<128xi32, #tpu.memory_space<vmem>>) semaphore(%arg19 : memref<!tpu.dma_semaphore, #tpu.memory_space<semaphore_mem>>)
    %dma_start3A_822 = arith.constant 256 : i32
    %dma_start3A_823 = arith.constant 0 : i32
    %dma_start3A_824 = tpu.memref_slice %arg18[%dma_start3A_822, %dma_start3A_823] : memref<512x128xf32, #tpu.memory_space<vmem>> -> memref<128x128xf32, #tpu.memory_space<vmem>>
    %dma_start3A_825 = arith.constant 256 : i32
    %dma_start3A_826 = tpu.memref_slice %arg17[%dma_start3A_825] : memref<512xi32, #tpu.memory_space<vmem>> -> memref<128xi32, #tpu.memory_space<vmem>>
    %dma_start3A_827 = arith.constant 0 : i32
    %dma_start3A_828 = arith.constant 0 : i32
    %dma_start3A_829 = tpu.memref_slice %arg2[%dma_start3A_827, %dma_start3A_828] : memref<100352x128xf32, #tpu.memory_space<hbm>> -> memref<100352x128xf32, #tpu.memory_space<hbm>>
    tpu.enqueue_indirect_dma source(%dma_start3A_829 : memref<100352x128xf32, #tpu.memory_space<hbm>>) target(%dma_start3A_824 : memref<128x128xf32, #tpu.memory_space<vmem>>) offsets(%dma_start3A_826 : memref<128xi32, #tpu.memory_space<vmem>>) semaphore(%arg19 : memref<!tpu.dma_semaphore, #tpu.memory_space<semaphore_mem>>)
    %dma_start3A_830 = arith.constant 384 : i32
    %dma_start3A_831 = arith.constant 0 : i32
    %dma_start3A_832 = tpu.memref_slice %arg18[%dma_start3A_830, %dma_start3A_831] : memref<512x128xf32, #tpu.memory_space<vmem>> -> memref<128x128xf32, #tpu.memory_space<vmem>>
    %dma_start3A_833 = arith.constant 384 : i32
    %dma_start3A_834 = tpu.memref_slice %arg17[%dma_start3A_833] : memref<512xi32, #tpu.memory_space<vmem>> -> memref<128xi32, #tpu.memory_space<vmem>>
    %dma_start3A_835 = arith.constant 0 : i32
    %dma_start3A_836 = arith.constant 0 : i32
    %dma_start3A_837 = tpu.memref_slice %arg2[%dma_start3A_835, %dma_start3A_836] : memref<100352x128xf32, #tpu.memory_space<hbm>> -> memref<100352x128xf32, #tpu.memory_space<hbm>>
    tpu.enqueue_indirect_dma source(%dma_start3A_837 : memref<100352x128xf32, #tpu.memory_space<hbm>>) target(%dma_start3A_832 : memref<128x128xf32, #tpu.memory_space<vmem>>) offsets(%dma_start3A_834 : memref<128xi32, #tpu.memory_space<vmem>>) semaphore(%arg19 : memref<!tpu.dma_semaphore, #tpu.memory_space<semaphore_mem>>)
    %dma_wait3A_838 = arith.constant 0 : i32
    %dma_wait3A_839 = arith.constant 0 : i32
    %dma_wait3A_840 = tpu.memref_slice %arg18[%dma_wait3A_838, %dma_wait3A_839] : memref<512x128xf32, #tpu.memory_space<vmem>> -> memref<128x128xf32, #tpu.memory_space<vmem>>
    %dma_wait3A_841 = arith.constant 0 : i32
    %dma_wait3A_842 = tpu.memref_slice %arg17[%dma_wait3A_841] : memref<512xi32, #tpu.memory_space<vmem>> -> memref<128xi32, #tpu.memory_space<vmem>>
    %dma_wait3A_843 = arith.constant 0 : i32
    %dma_wait3A_844 = arith.constant 0 : i32
    %dma_wait3A_845 = tpu.memref_slice %arg2[%dma_wait3A_843, %dma_wait3A_844] : memref<100352x128xf32, #tpu.memory_space<hbm>> -> memref<100352x128xf32, #tpu.memory_space<hbm>>
    tpu.wait_indirect_dma semaphore(%arg19 : memref<!tpu.dma_semaphore, #tpu.memory_space<semaphore_mem>>) src(%dma_wait3A_845 : memref<100352x128xf32, #tpu.memory_space<hbm>>) dst(%dma_wait3A_840 : memref<128x128xf32, #tpu.memory_space<vmem>>)
    %dma_wait3A_846 = arith.constant 128 : i32
    %dma_wait3A_847 = arith.constant 0 : i32
    %dma_wait3A_848 = tpu.memref_slice %arg18[%dma_wait3A_846, %dma_wait3A_847] : memref<512x128xf32, #tpu.memory_space<vmem>> -> memref<128x128xf32, #tpu.memory_space<vmem>>
    %dma_wait3A_849 = arith.constant 128 : i32
    %dma_wait3A_850 = tpu.memref_slice %arg17[%dma_wait3A_849] : memref<512xi32, #tpu.memory_space<vmem>> -> memref<128xi32, #tpu.memory_space<vmem>>
    %dma_wait3A_851 = arith.constant 0 : i32
    %dma_wait3A_852 = arith.constant 0 : i32
    %dma_wait3A_853 = tpu.memref_slice %arg2[%dma_wait3A_851, %dma_wait3A_852] : memref<100352x128xf32, #tpu.memory_space<hbm>> -> memref<100352x128xf32, #tpu.memory_space<hbm>>
    tpu.wait_indirect_dma semaphore(%arg19 : memref<!tpu.dma_semaphore, #tpu.memory_space<semaphore_mem>>) src(%dma_wait3A_853 : memref<100352x128xf32, #tpu.memory_space<hbm>>) dst(%dma_wait3A_848 : memref<128x128xf32, #tpu.memory_space<vmem>>)
    %dma_wait3A_854 = arith.constant 256 : i32
    %dma_wait3A_855 = arith.constant 0 : i32
    %dma_wait3A_856 = tpu.memref_slice %arg18[%dma_wait3A_854, %dma_wait3A_855] : memref<512x128xf32, #tpu.memory_space<vmem>> -> memref<128x128xf32, #tpu.memory_space<vmem>>
    %dma_wait3A_857 = arith.constant 256 : i32
    %dma_wait3A_858 = tpu.memref_slice %arg17[%dma_wait3A_857] : memref<512xi32, #tpu.memory_space<vmem>> -> memref<128xi32, #tpu.memory_space<vmem>>
    %dma_wait3A_859 = arith.constant 0 : i32
    %dma_wait3A_860 = arith.constant 0 : i32
    %dma_wait3A_861 = tpu.memref_slice %arg2[%dma_wait3A_859, %dma_wait3A_860] : memref<100352x128xf32, #tpu.memory_space<hbm>> -> memref<100352x128xf32, #tpu.memory_space<hbm>>
    tpu.wait_indirect_dma semaphore(%arg19 : memref<!tpu.dma_semaphore, #tpu.memory_space<semaphore_mem>>) src(%dma_wait3A_861 : memref<100352x128xf32, #tpu.memory_space<hbm>>) dst(%dma_wait3A_856 : memref<128x128xf32, #tpu.memory_space<vmem>>)
    %dma_wait3A_862 = arith.constant 384 : i32
    %dma_wait3A_863 = arith.constant 0 : i32
    %dma_wait3A_864 = tpu.memref_slice %arg18[%dma_wait3A_862, %dma_wait3A_863] : memref<512x128xf32, #tpu.memory_space<vmem>> -> memref<128x128xf32, #tpu.memory_space<vmem>>
    %dma_wait3A_865 = arith.constant 384 : i32
    %dma_wait3A_866 = tpu.memref_slice %arg17[%dma_wait3A_865] : memref<512xi32, #tpu.memory_space<vmem>> -> memref<128xi32, #tpu.memory_space<vmem>>
    %dma_wait3A_867 = arith.constant 0 : i32
    %dma_wait3A_868 = arith.constant 0 : i32
    %dma_wait3A_869 = tpu.memref_slice %arg2[%dma_wait3A_867, %dma_wait3A_868] : memref<100352x128xf32, #tpu.memory_space<hbm>> -> memref<100352x128xf32, #tpu.memory_space<hbm>>
    tpu.wait_indirect_dma semaphore(%arg19 : memref<!tpu.dma_semaphore, #tpu.memory_space<semaphore_mem>>) src(%dma_wait3A_869 : memref<100352x128xf32, #tpu.memory_space<hbm>>) dst(%dma_wait3A_864 : memref<128x128xf32, #tpu.memory_space<vmem>>)
    %run_scoped3A_870 = arith.constant 12 : i32
    "tpu.region"() ({
      %run_scoped3A_871 = tpu.sem_alloc : memref<!tpu.dma_semaphore, #tpu.memory_space<semaphore_mem>>
      %dma_start3A_872 = arith.constant 0 : i32
      %dma_start3A_873 = tpu.memref_slice %arg4[%run_scoped3A_870, %mul3A_2, %dma_start3A_872] : memref<13x16384x128xf32, #tpu.memory_space<hbm>> -> memref<1x512x128xf32, #tpu.memory_space<hbm>>
      %dma_start3A_874 = tpu.memref_squeeze %dma_start3A_873 : memref<1x512x128xf32, #tpu.memory_space<hbm>> -> memref<512x128xf32, #tpu.memory_space<hbm>>
      %dma_start3A_875 = arith.constant 0 : i32
      %dma_start3A_876 = tpu.memref_slice %arg4[%run_scoped3A_870, %mul3A_2, %dma_start3A_875] : memref<13x16384x128xf32, #tpu.memory_space<hbm>> -> memref<1x512x128xf32, #tpu.memory_space<hbm>>
      %dma_start3A_877 = tpu.memref_squeeze %dma_start3A_876 : memref<1x512x128xf32, #tpu.memory_space<hbm>> -> memref<512x128xf32, #tpu.memory_space<hbm>>
      tpu.enqueue_dma source(%arg18 : memref<512x128xf32, #tpu.memory_space<vmem>>) target(%dma_start3A_877 : memref<512x128xf32, #tpu.memory_space<hbm>>) target_semaphore(%run_scoped3A_871 : memref<!tpu.dma_semaphore, #tpu.memory_space<semaphore_mem>>)
      %dma_wait3A_878 = arith.constant 0 : i32
      %dma_wait3A_879 = tpu.memref_slice %arg4[%run_scoped3A_870, %mul3A_2, %dma_wait3A_878] : memref<13x16384x128xf32, #tpu.memory_space<hbm>> -> memref<1x512x128xf32, #tpu.memory_space<hbm>>
      %dma_wait3A_880 = tpu.memref_squeeze %dma_wait3A_879 : memref<1x512x128xf32, #tpu.memory_space<hbm>> -> memref<512x128xf32, #tpu.memory_space<hbm>>
      %dma_wait3A_881 = arith.constant 0 : i32
      %dma_wait3A_882 = tpu.memref_slice %arg4[%run_scoped3A_870, %mul3A_2, %dma_wait3A_881] : memref<13x16384x128xf32, #tpu.memory_space<hbm>> -> memref<1x512x128xf32, #tpu.memory_space<hbm>>
      %dma_wait3A_883 = tpu.memref_squeeze %dma_wait3A_882 : memref<1x512x128xf32, #tpu.memory_space<hbm>> -> memref<512x128xf32, #tpu.memory_space<hbm>>
      tpu.wait_dma2 semaphore(%run_scoped3A_871 : memref<!tpu.dma_semaphore, #tpu.memory_space<semaphore_mem>>) src(%arg18 : memref<512x128xf32, #tpu.memory_space<vmem>>) dst(%dma_wait3A_883 : memref<512x128xf32, #tpu.memory_space<hbm>>)
      tpu.yield
    }) : () -> ()
    return
  }
}

module attributes {stable_mosaic.version = 14 : i64} {
  func.func @_prep_body(%arg0: i32, %arg1: memref<64x2048xf32, #tpu.memory_space<vmem>>, %arg2: memref<64x2048xf32, #tpu.memory_space<vmem>>, %arg3: memref<2048x128xf32, #tpu.memory_space<vmem>>) attributes {dimension_semantics = [#tpu.dimension_semantics<arbitrary>], iteration_bounds = array<i64: 49>, scalar_prefetch = 0 : i64, scratch_operands = 0 : i64, tpu.core_type = #tpu.core_type<tc>, window_params = [{transform_indices = @transform_0, window_bounds = array<i64: 64, 2048>}, {transform_indices = @transform_1, window_bounds = array<i64: 64, 2048>}, {transform_indices = @transform_2, window_bounds = array<i64: 2048, 128>}]} {
    %get3A = arith.constant 0 : index
    %get3A_0 = arith.constant 0 : index
    %get3A_1 = vector.load %arg1[%get3A, %get3A_0] : memref<64x2048xf32, #tpu.memory_space<vmem>>, vector<64x2048xf32>
    %transpose3A = tpu.transpose %get3A_1, [1, 0] : vector<64x2048xf32> -> vector<2048x64xf32>
    %swap3A = arith.constant 0 : index
    %swap3A_2 = arith.constant 0 : index
    %swap3A_3 = vector.load %arg3[%swap3A, %swap3A_2] : memref<2048x128xf32, #tpu.memory_space<vmem>>, vector<2048x64xf32>
    tpu.vector_store %arg3[%swap3A, %swap3A_2], %transpose3A {strides = array<i32>} : memref<2048x128xf32, #tpu.memory_space<vmem>>, vector<2048x64xf32>,
    %get3A_4 = arith.constant 0 : index
    %get3A_5 = arith.constant 0 : index
    %get3A_6 = vector.load %arg2[%get3A_4, %get3A_5] : memref<64x2048xf32, #tpu.memory_space<vmem>>, vector<64x2048xf32>
    %transpose3A_7 = tpu.transpose %get3A_6, [1, 0] : vector<64x2048xf32> -> vector<2048x64xf32>
    %swap3A_8 = arith.constant 0 : index
    %swap3A_9 = arith.constant 64 : index
    %swap3A_10 = vector.load %arg3[%swap3A_8, %swap3A_9] : memref<2048x128xf32, #tpu.memory_space<vmem>>, vector<2048x64xf32>
    tpu.vector_store %arg3[%swap3A_8, %swap3A_9], %transpose3A_7 {strides = array<i32>} : memref<2048x128xf32, #tpu.memory_space<vmem>>, vector<2048x64xf32>,
    return
  }
  func.func @transform_0(%arg0: i32) -> (i32, i32) {
    %c0_i32 = arith.constant 0 : i32
    %c0_i32_0 = arith.constant 0 : i32
    return %c0_i32, %arg0 : i32, i32
  }
  func.func @transform_1(%arg0: i32) -> (i32, i32) {
    %c0_i32 = arith.constant 0 : i32
    %c0_i32_0 = arith.constant 0 : i32
    return %c0_i32, %arg0 : i32, i32
  }
  func.func @transform_2(%arg0: i32) -> (i32, i32) {
    %c0_i32 = arith.constant 0 : i32
    %c0_i32_0 = arith.constant 0 : i32
    return %arg0, %c0_i32 : i32, i32
  }
}

module attributes {stable_mosaic.version = 14 : i64} {
  func.func @_mlp_body(%arg0: i32, %arg1: memref<13x1024x128xf32, #tpu.memory_space<vmem>>, %arg2: memref<1024x8xf32, #tpu.memory_space<vmem>>, %arg3: memref<13x128x64xf32, #tpu.memory_space<vmem>>, %arg4: memref<8x64xf32, #tpu.memory_space<vmem>>, %arg5: memref<1x64xf32, #tpu.memory_space<vmem>>, %arg6: memref<64x32xf32, #tpu.memory_space<vmem>>, %arg7: memref<1x32xf32, #tpu.memory_space<vmem>>, %arg8: memref<32x1xf32, #tpu.memory_space<vmem>>, %arg9: memref<1x1xf32, #tpu.memory_space<vmem>>, %arg10: memref<1024x1xf32, #tpu.memory_space<vmem>>) attributes {dimension_semantics = [#tpu.dimension_semantics<arbitrary>], iteration_bounds = array<i64: 16>, scalar_prefetch = 0 : i64, scratch_operands = 0 : i64, tpu.core_type = #tpu.core_type<tc>, window_params = [{transform_indices = @transform_0, window_bounds = array<i64: 13, 1024, 128>}, {transform_indices = @transform_1, window_bounds = array<i64: 1024, 8>}, {pipeline_mode = #tpu.pipeline_mode<synchronous>, transform_indices = @transform_2, window_bounds = array<i64: 13, 128, 64>}, {pipeline_mode = #tpu.pipeline_mode<synchronous>, transform_indices = @transform_3, window_bounds = array<i64: 8, 64>}, {pipeline_mode = #tpu.pipeline_mode<synchronous>, transform_indices = @transform_4, window_bounds = array<i64: 1, 64>}, {pipeline_mode = #tpu.pipeline_mode<synchronous>, transform_indices = @transform_5, window_bounds = array<i64: 64, 32>}, {pipeline_mode = #tpu.pipeline_mode<synchronous>, transform_indices = @transform_6, window_bounds = array<i64: 1, 32>}, {pipeline_mode = #tpu.pipeline_mode<synchronous>, transform_indices = @transform_7, window_bounds = array<i64: 32, 1>}, {pipeline_mode = #tpu.pipeline_mode<synchronous>, transform_indices = @transform_8, window_bounds = array<i64: 1, 1>}, {transform_indices = @transform_9, window_bounds = array<i64: 1024, 1>}]} {
    %get3A = arith.constant 0 : index
    %get3A_0 = arith.constant 0 : index
    %get3A_1 = vector.load %arg2[%get3A, %get3A_0] : memref<1024x8xf32, #tpu.memory_space<vmem>>, vector<1024x8xf32>
    %get3A_2 = arith.constant 0 : index
    %get3A_3 = arith.constant 0 : index
    %get3A_4 = vector.load %arg4[%get3A_2, %get3A_3] : memref<8x64xf32, #tpu.memory_space<vmem>>, vector<8x64xf32>
    %dot_general3A = arith.constant dense<0.000000e+00> : vector<1024x64xf32>
    %dot_general3A_5 = tpu.matmul %get3A_1, %get3A_4, %dot_general3A {dimension_numbers = #tpu.dot_dimension_numbers<[1], [0], [0], [1], [0, 0, 1, 1], [], []>, transpose_lhs_hint = false} : vector<1024x8xf32>, vector<8x64xf32>, vector<1024x64xf32> -> vector<1024x64xf32>
    %get3A_6 = arith.constant 0 : index
    %get3A_7 = arith.constant 0 : index
    %get3A_8 = arith.constant 0 : index
    %get3A_9 = vector.load %arg1[%get3A_6, %get3A_7, %get3A_8] : memref<13x1024x128xf32, #tpu.memory_space<vmem>>, vector<1x1024x128xf32>
    %get3A_10 = vector.shape_cast %get3A_9 : vector<1x1024x128xf32> to vector<1024x128xf32>
    %get3A_11 = arith.constant 1 : index
    %get3A_12 = arith.constant 0 : index
    %get3A_13 = arith.constant 0 : index
    %get3A_14 = vector.load %arg1[%get3A_11, %get3A_12, %get3A_13] : memref<13x1024x128xf32, #tpu.memory_space<vmem>>, vector<1x1024x128xf32>
    %get3A_15 = vector.shape_cast %get3A_14 : vector<1x1024x128xf32> to vector<1024x128xf32>
    %add3A = arith.addf %get3A_10, %get3A_15 : vector<1024x128xf32>
    %get3A_16 = arith.constant 2 : index
    %get3A_17 = arith.constant 0 : index
    %get3A_18 = arith.constant 0 : index
    %get3A_19 = vector.load %arg1[%get3A_16, %get3A_17, %get3A_18] : memref<13x1024x128xf32, #tpu.memory_space<vmem>>, vector<1x1024x128xf32>
    %get3A_20 = vector.shape_cast %get3A_19 : vector<1x1024x128xf32> to vector<1024x128xf32>
    %add3A_21 = arith.addf %add3A, %get3A_20 : vector<1024x128xf32>
    %get3A_22 = arith.constant 3 : index
    %get3A_23 = arith.constant 0 : index
    %get3A_24 = arith.constant 0 : index
    %get3A_25 = vector.load %arg1[%get3A_22, %get3A_23, %get3A_24] : memref<13x1024x128xf32, #tpu.memory_space<vmem>>, vector<1x1024x128xf32>
    %get3A_26 = vector.shape_cast %get3A_25 : vector<1x1024x128xf32> to vector<1024x128xf32>
    %add3A_27 = arith.addf %add3A_21, %get3A_26 : vector<1024x128xf32>
    %get3A_28 = arith.constant 4 : index
    %get3A_29 = arith.constant 0 : index
    %get3A_30 = arith.constant 0 : index
    %get3A_31 = vector.load %arg1[%get3A_28, %get3A_29, %get3A_30] : memref<13x1024x128xf32, #tpu.memory_space<vmem>>, vector<1x1024x128xf32>
    %get3A_32 = vector.shape_cast %get3A_31 : vector<1x1024x128xf32> to vector<1024x128xf32>
    %add3A_33 = arith.addf %add3A_27, %get3A_32 : vector<1024x128xf32>
    %get3A_34 = arith.constant 5 : index
    %get3A_35 = arith.constant 0 : index
    %get3A_36 = arith.constant 0 : index
    %get3A_37 = vector.load %arg1[%get3A_34, %get3A_35, %get3A_36] : memref<13x1024x128xf32, #tpu.memory_space<vmem>>, vector<1x1024x128xf32>
    %get3A_38 = vector.shape_cast %get3A_37 : vector<1x1024x128xf32> to vector<1024x128xf32>
    %get3A_39 = arith.constant 6 : index
    %get3A_40 = arith.constant 0 : index
    %get3A_41 = arith.constant 0 : index
    %get3A_42 = vector.load %arg1[%get3A_39, %get3A_40, %get3A_41] : memref<13x1024x128xf32, #tpu.memory_space<vmem>>, vector<1x1024x128xf32>
    %get3A_43 = vector.shape_cast %get3A_42 : vector<1x1024x128xf32> to vector<1024x128xf32>
    %add3A_44 = arith.addf %get3A_38, %get3A_43 : vector<1024x128xf32>
    %get3A_45 = arith.constant 7 : index
    %get3A_46 = arith.constant 0 : index
    %get3A_47 = arith.constant 0 : index
    %get3A_48 = vector.load %arg1[%get3A_45, %get3A_46, %get3A_47] : memref<13x1024x128xf32, #tpu.memory_space<vmem>>, vector<1x1024x128xf32>
    %get3A_49 = vector.shape_cast %get3A_48 : vector<1x1024x128xf32> to vector<1024x128xf32>
    %add3A_50 = arith.addf %add3A_44, %get3A_49 : vector<1024x128xf32>
    %get3A_51 = arith.constant 8 : index
    %get3A_52 = arith.constant 0 : index
    %get3A_53 = arith.constant 0 : index
    %get3A_54 = vector.load %arg1[%get3A_51, %get3A_52, %get3A_53] : memref<13x1024x128xf32, #tpu.memory_space<vmem>>, vector<1x1024x128xf32>
    %get3A_55 = vector.shape_cast %get3A_54 : vector<1x1024x128xf32> to vector<1024x128xf32>
    %add3A_56 = arith.addf %add3A_50, %get3A_55 : vector<1024x128xf32>
    %get3A_57 = arith.constant 9 : index
    %get3A_58 = arith.constant 0 : index
    %get3A_59 = arith.constant 0 : index
    %get3A_60 = vector.load %arg1[%get3A_57, %get3A_58, %get3A_59] : memref<13x1024x128xf32, #tpu.memory_space<vmem>>, vector<1x1024x128xf32>
    %get3A_61 = vector.shape_cast %get3A_60 : vector<1x1024x128xf32> to vector<1024x128xf32>
    %add3A_62 = arith.addf %add3A_56, %get3A_61 : vector<1024x128xf32>
    %get3A_63 = arith.constant 0 : index
    %get3A_64 = arith.constant 0 : index
    %get3A_65 = arith.constant 0 : index
    %get3A_66 = vector.load %arg3[%get3A_63, %get3A_64, %get3A_65] : memref<13x128x64xf32, #tpu.memory_space<vmem>>, vector<1x128x64xf32>
    %get3A_67 = vector.shape_cast %get3A_66 : vector<1x128x64xf32> to vector<128x64xf32>
    %dot_general3A_68 = arith.constant dense<0.000000e+00> : vector<1024x64xf32>
    %dot_general3A_69 = tpu.matmul %add3A_33, %get3A_67, %dot_general3A_68 {dimension_numbers = #tpu.dot_dimension_numbers<[1], [0], [0], [1], [0, 0, 1, 1], [], []>, transpose_lhs_hint = false} : vector<1024x128xf32>, vector<128x64xf32>, vector<1024x64xf32> -> vector<1024x64xf32>
    %add3A_70 = arith.addf %dot_general3A_5, %dot_general3A_69 : vector<1024x64xf32>
    %get3A_71 = arith.constant 5 : index
    %get3A_72 = arith.constant 0 : index
    %get3A_73 = arith.constant 0 : index
    %get3A_74 = vector.load %arg3[%get3A_71, %get3A_72, %get3A_73] : memref<13x128x64xf32, #tpu.memory_space<vmem>>, vector<1x128x64xf32>
    %get3A_75 = vector.shape_cast %get3A_74 : vector<1x128x64xf32> to vector<128x64xf32>
    %dot_general3A_76 = arith.constant dense<0.000000e+00> : vector<1024x64xf32>
    %dot_general3A_77 = tpu.matmul %add3A_62, %get3A_75, %dot_general3A_76 {dimension_numbers = #tpu.dot_dimension_numbers<[1], [0], [0], [1], [0, 0, 1, 1], [], []>, transpose_lhs_hint = false} : vector<1024x128xf32>, vector<128x64xf32>, vector<1024x64xf32> -> vector<1024x64xf32>
    %add3A_78 = arith.addf %add3A_70, %dot_general3A_77 : vector<1024x64xf32>
    %get3A_79 = arith.constant 10 : index
    %get3A_80 = arith.constant 0 : index
    %get3A_81 = arith.constant 0 : index
    %get3A_82 = vector.load %arg1[%get3A_79, %get3A_80, %get3A_81] : memref<13x1024x128xf32, #tpu.memory_space<vmem>>, vector<1x1024x128xf32>
    %get3A_83 = vector.shape_cast %get3A_82 : vector<1x1024x128xf32> to vector<1024x128xf32>
    %get3A_84 = arith.constant 10 : index
    %get3A_85 = arith.constant 0 : index
    %get3A_86 = arith.constant 0 : index
    %get3A_87 = vector.load %arg3[%get3A_84, %get3A_85, %get3A_86] : memref<13x128x64xf32, #tpu.memory_space<vmem>>, vector<1x128x64xf32>
    %get3A_88 = vector.shape_cast %get3A_87 : vector<1x128x64xf32> to vector<128x64xf32>
    %dot_general3A_89 = arith.constant dense<0.000000e+00> : vector<1024x64xf32>
    %dot_general3A_90 = tpu.matmul %get3A_83, %get3A_88, %dot_general3A_89 {dimension_numbers = #tpu.dot_dimension_numbers<[1], [0], [0], [1], [0, 0, 1, 1], [], []>, transpose_lhs_hint = false} : vector<1024x128xf32>, vector<128x64xf32>, vector<1024x64xf32> -> vector<1024x64xf32>
    %add3A_91 = arith.addf %add3A_78, %dot_general3A_90 : vector<1024x64xf32>
    %get3A_92 = arith.constant 11 : index
    %get3A_93 = arith.constant 0 : index
    %get3A_94 = arith.constant 0 : index
    %get3A_95 = vector.load %arg1[%get3A_92, %get3A_93, %get3A_94] : memref<13x1024x128xf32, #tpu.memory_space<vmem>>, vector<1x1024x128xf32>
    %get3A_96 = vector.shape_cast %get3A_95 : vector<1x1024x128xf32> to vector<1024x128xf32>
    %get3A_97 = arith.constant 11 : index
    %get3A_98 = arith.constant 0 : index
    %get3A_99 = arith.constant 0 : index
    %get3A_100 = vector.load %arg3[%get3A_97, %get3A_98, %get3A_99] : memref<13x128x64xf32, #tpu.memory_space<vmem>>, vector<1x128x64xf32>
    %get3A_101 = vector.shape_cast %get3A_100 : vector<1x128x64xf32> to vector<128x64xf32>
    %dot_general3A_102 = arith.constant dense<0.000000e+00> : vector<1024x64xf32>
    %dot_general3A_103 = tpu.matmul %get3A_96, %get3A_101, %dot_general3A_102 {dimension_numbers = #tpu.dot_dimension_numbers<[1], [0], [0], [1], [0, 0, 1, 1], [], []>, transpose_lhs_hint = false} : vector<1024x128xf32>, vector<128x64xf32>, vector<1024x64xf32> -> vector<1024x64xf32>
    %add3A_104 = arith.addf %add3A_91, %dot_general3A_103 : vector<1024x64xf32>
    %get3A_105 = arith.constant 12 : index
    %get3A_106 = arith.constant 0 : index
    %get3A_107 = arith.constant 0 : index
    %get3A_108 = vector.load %arg1[%get3A_105, %get3A_106, %get3A_107] : memref<13x1024x128xf32, #tpu.memory_space<vmem>>, vector<1x1024x128xf32>
    %get3A_109 = vector.shape_cast %get3A_108 : vector<1x1024x128xf32> to vector<1024x128xf32>
    %get3A_110 = arith.constant 12 : index
    %get3A_111 = arith.constant 0 : index
    %get3A_112 = arith.constant 0 : index
    %get3A_113 = vector.load %arg3[%get3A_110, %get3A_111, %get3A_112] : memref<13x128x64xf32, #tpu.memory_space<vmem>>, vector<1x128x64xf32>
    %get3A_114 = vector.shape_cast %get3A_113 : vector<1x128x64xf32> to vector<128x64xf32>
    %dot_general3A_115 = arith.constant dense<0.000000e+00> : vector<1024x64xf32>
    %dot_general3A_116 = tpu.matmul %get3A_109, %get3A_114, %dot_general3A_115 {dimension_numbers = #tpu.dot_dimension_numbers<[1], [0], [0], [1], [0, 0, 1, 1], [], []>, transpose_lhs_hint = false} : vector<1024x128xf32>, vector<128x64xf32>, vector<1024x64xf32> -> vector<1024x64xf32>
    %add3A_117 = arith.addf %add3A_104, %dot_general3A_116 : vector<1024x64xf32>
    %get3A_118 = arith.constant 0 : index
    %get3A_119 = arith.constant 0 : index
    %get3A_120 = vector.load %arg5[%get3A_118, %get3A_119] : memref<1x64xf32, #tpu.memory_space<vmem>>, vector<1x64xf32>
    %add3A_121 = vector.broadcast %get3A_120 : vector<1x64xf32> to vector<1024x64xf32>
    %add3A_122 = arith.addf %add3A_117, %add3A_121 : vector<1024x64xf32>
    %max3A = arith.constant 0.000000e+00 : f32
    %max3A_123 = vector.broadcast %max3A : f32 to vector<1024x64xf32>
    %max3A_124 = arith.maximumf %add3A_122, %max3A_123 : vector<1024x64xf32>
    %get3A_125 = arith.constant 0 : index
    %get3A_126 = arith.constant 0 : index
    %get3A_127 = vector.load %arg6[%get3A_125, %get3A_126] : memref<64x32xf32, #tpu.memory_space<vmem>>, vector<64x32xf32>
    %dot_general3A_128 = arith.constant dense<0.000000e+00> : vector<1024x32xf32>
    %dot_general3A_129 = tpu.matmul %max3A_124, %get3A_127, %dot_general3A_128 {dimension_numbers = #tpu.dot_dimension_numbers<[1], [0], [0], [1], [0, 0, 1, 1], [], []>, transpose_lhs_hint = false} : vector<1024x64xf32>, vector<64x32xf32>, vector<1024x32xf32> -> vector<1024x32xf32>
    %get3A_130 = arith.constant 0 : index
    %get3A_131 = arith.constant 0 : index
    %get3A_132 = vector.load %arg7[%get3A_130, %get3A_131] : memref<1x32xf32, #tpu.memory_space<vmem>>, vector<1x32xf32>
    %add3A_133 = vector.broadcast %get3A_132 : vector<1x32xf32> to vector<1024x32xf32>
    %add3A_134 = arith.addf %dot_general3A_129, %add3A_133 : vector<1024x32xf32>
    %max3A_135 = arith.constant 0.000000e+00 : f32
    %max3A_136 = vector.broadcast %max3A_135 : f32 to vector<1024x32xf32>
    %max3A_137 = arith.maximumf %add3A_134, %max3A_136 : vector<1024x32xf32>
    %get3A_138 = arith.constant 0 : index
    %get3A_139 = arith.constant 0 : index
    %get3A_140 = vector.load %arg8[%get3A_138, %get3A_139] : memref<32x1xf32, #tpu.memory_space<vmem>>, vector<32x1xf32>
    %dot_general3A_141 = arith.constant dense<0.000000e+00> : vector<1024x1xf32>
    %dot_general3A_142 = tpu.matmul %max3A_137, %get3A_140, %dot_general3A_141 {dimension_numbers = #tpu.dot_dimension_numbers<[1], [0], [0], [1], [0, 0, 1, 1], [], []>, transpose_lhs_hint = false} : vector<1024x32xf32>, vector<32x1xf32>, vector<1024x1xf32> -> vector<1024x1xf32>
    %get3A_143 = arith.constant 0 : index
    %get3A_144 = arith.constant 0 : index
    %get3A_145 = vector.load %arg9[%get3A_143, %get3A_144] : memref<1x1xf32, #tpu.memory_space<vmem>>, vector<1x1xf32>
    %add3A_146 = vector.broadcast %get3A_145 : vector<1x1xf32> to vector<1024x1xf32>
    %add3A_147 = arith.addf %dot_general3A_142, %add3A_146 : vector<1024x1xf32>
    %swap3A = arith.constant 0 : index
    %swap3A_148 = arith.constant 0 : index
    %swap3A_149 = vector.load %arg10[%swap3A, %swap3A_148] : memref<1024x1xf32, #tpu.memory_space<vmem>>, vector<1024x1xf32>
    tpu.vector_store %arg10[%swap3A, %swap3A_148], %add3A_147 {strides = array<i32>} : memref<1024x1xf32, #tpu.memory_space<vmem>>, vector<1024x1xf32>,
    return
  }
  func.func @transform_0(%arg0: i32) -> (i32, i32, i32) {
    %c0_i32 = arith.constant 0 : i32
    %c0_i32_0 = arith.constant 0 : i32
    %c0_i32_1 = arith.constant 0 : i32
    return %c0_i32, %arg0, %c0_i32_0 : i32, i32, i32
  }
  func.func @transform_1(%arg0: i32) -> (i32, i32) {
    %c0_i32 = arith.constant 0 : i32
    %c0_i32_0 = arith.constant 0 : i32
    return %arg0, %c0_i32 : i32, i32
  }
  func.func @transform_2(%arg0: i32) -> (i32, i32, i32) {
    %c0_i32 = arith.constant 0 : i32
    %c0_i32_0 = arith.constant 0 : i32
    %c0_i32_1 = arith.constant 0 : i32
    %c0_i32_2 = arith.constant 0 : i32
    return %c0_i32, %c0_i32_0, %c0_i32_1 : i32, i32, i32
  }
  func.func @transform_3(%arg0: i32) -> (i32, i32) {
    %c0_i32 = arith.constant 0 : i32
    %c0_i32_0 = arith.constant 0 : i32
    %c0_i32_1 = arith.constant 0 : i32
    return %c0_i32, %c0_i32_0 : i32, i32
  }
  func.func @transform_4(%arg0: i32) -> (i32, i32) {
    %c0_i32 = arith.constant 0 : i32
    %c0_i32_0 = arith.constant 0 : i32
    %c0_i32_1 = arith.constant 0 : i32
    return %c0_i32, %c0_i32_0 : i32, i32
  }
  func.func @transform_5(%arg0: i32) -> (i32, i32) {
    %c0_i32 = arith.constant 0 : i32
    %c0_i32_0 = arith.constant 0 : i32
    %c0_i32_1 = arith.constant 0 : i32
    return %c0_i32, %c0_i32_0 : i32, i32
  }
  func.func @transform_6(%arg0: i32) -> (i32, i32) {
    %c0_i32 = arith.constant 0 : i32
    %c0_i32_0 = arith.constant 0 : i32
    %c0_i32_1 = arith.constant 0 : i32
    return %c0_i32, %c0_i32_0 : i32, i32
  }
  func.func @transform_7(%arg0: i32) -> (i32, i32) {
    %c0_i32 = arith.constant 0 : i32
    %c0_i32_0 = arith.constant 0 : i32
    %c0_i32_1 = arith.constant 0 : i32
    return %c0_i32, %c0_i32_0 : i32, i32
  }
  func.func @transform_8(%arg0: i32) -> (i32, i32) {
    %c0_i32 = arith.constant 0 : i32
    %c0_i32_0 = arith.constant 0 : i32
    %c0_i32_1 = arith.constant 0 : i32
    return %c0_i32, %c0_i32_0 : i32, i32
  }
  func.func @transform_9(%arg0: i32) -> (i32, i32) {
    %c0_i32 = arith.constant 0 : i32
    %c0_i32_0 = arith.constant 0 : i32
    return %arg0, %c0_i32 : i32, i32
  }
}

</mosaic_0001>

<sc_bundles>
// kernel: kernel.5.cloned.1.call-start
scs
__scs_entry_jumppad:
0x0: {  	(pc) =	sbr.rel $0x88, $3  }
0x1: {  	(tag) =	ssettag $0x0;
	lr =	simm.s32 $0x1  }
0x2: {  	[smem:$0x3F8E] =	sst lr;
	_ =	strace $0xD0000000  }
0x3: {  	_ = 	snop  }
0x4: {  	_ = 	snop  }
0x5: {  	_ = 	snop  }
0x6: {  	_ = 	snop  }
0x7: {  	_ = 	snop  }
__scs_overlays_trampoline_lowered:
0x8: {  	[smem:$0x3F9D] =	sst s0  }
0x9: {  	[smem:$0x3F9E] =	sst s1  }
0xa: {  	[smem:$0x3F9F] =	sst s2  }
0xb: {  	[smem:$0x3FA0] =	sst s3  }
0xc: {  	[smem:$0x3FA1] =	sst s4  }
0xd: {  	[smem:$0x3FA2] =	sst s5  }
0xe: {  	[smem:$0x3FA3] =	sst s6  }
0xf: {  	[smem:$0x3FA4] =	sst s7  }
0x10: {  	[smem:$0x3FA5] =	sst s8  }
0x11: {  	[smem:$0x3FA6] =	sst s9;
	s0 =	simm.s32 @!p0 $0x0  }
0x12: {  	s1 =	sld [smem:$0x3F8C];
	s0 =	simm.s32 @p0 $0x1  }
0x13: {  	[smem:$0x3FA7] =	sst s0;
	s0 =	simm.s32 @!p1 $0x0  }
0x14: {  	s2 =	sld [smem:$0x3F8B];
	s0 =	simm.s32 @p1 $0x1  }
0x15: {  	[smem:$0x3FA8] =	sst s0;
	s0 =	simm.s32 @!p2 $0x0  }
0x16: {  	s3 =	sld [smem:$0x3FDB];
	s0 =	simm.s32 @p2 $0x1  }
0x17: {  	s4 =	simm.s32 $0x1BF5;
	[smem:$0x3FAA] =	sst s0  }
0x18: {  	s0 =	sld [smem:$0x3F8D];
	_ =	swait.ge [sflag:s4], $0x0  }
0x19: {  	s7 =	sld [smem:$0x3F8E]  }
0x1a: {  	s8 =	sadd.s32 $0xFFFFE003, lr  }
0x1b: {  	s9 =	sadd.s32 $0xFFFFFEF7, lr;
	s5 =	simm.s32 $0xFFFFFFFF;
	p2 =	slt.u32 s8, $0xFFFFF086  }
0x1c: {  	p1 =	slt.u32 s9, $0xF7A;
	s5 =	simm.s32 @!p2 $0x0  }
0x1d: {  	s5 =	simm.s32 @p1 $0x1;
	p0 =	seq.s32 s7, s2  }
0x1e: {  	s7 =	smul.u32 @!p0 $0xF7A, s2;
	p2 =	seq.s32 @!p0 s5, $0x0  }
0x1f: {  	s9 =	smul.u32 $0xF7A, s1;
	s8 =	simm.s32 @!p0 $0x1BF5;
	p2 =	por !p2, p0  }
0x20: {  	[sflag:s8] =	ssyncset.s32 @!p0 $0xFFFFF086;
	s6 =	sadd.s32 @!p0 s3, s7;
	s7 =	simm.s32 @!p0 $0x108  }
0x21: {  	s3 =	sadd.s32 s3, s9;
	s6 =	sadd.s32 @!p0 $0x88, s6;
	s7 =	simm.s32 @p2 $0x1082  }
0x22: {  	[simem:s7], [sflag:s8] =	dma.local @!p0 [hbm:s6], $0xF7A  }
0x23: {  	s9 =	sor.u32 $0xD0000000, s2;
	s6 =	simm.s32 $0x108;
	_ =	swait.ge @!p0 [sflag:s8], $0x0  }
0x24: {  	s3 =	sadd.s32 $0x88, s3;
	s6 =	simm.s32 @!p1 $0x1082;
	[sflag:s4] =	ssyncset.s32 $0xFFFFF086  }
0x25: {  	[simem:s6], [sflag:s4] =	dma.local [hbm:s3], $0xF7A  }
0x26: {  	[smem:$0x3F8E] =	sst s1;
	(tag) =	ssettag s2;
	_ =	strace s9  }
0x27: {  	s1 =	sld [smem:$0x3F9E]  }
0x28: {  	s2 =	sld [smem:$0x3F9F]  }
0x29: {  	s4 =	sld [smem:$0x3FA1]  }
0x2a: {  	p0 =	seq.s32 s5, $0x0;
	s5 =	sld [smem:$0x3FA2]  }
0x2b: {  	s6 =	sld [smem:$0x3FA3]  }
0x2c: {  	s7 =	sld [smem:$0x3FA4]  }
0x2d: {  	s3 =	simm.s32 $0x108;
	s8 =	sld [smem:$0x3FA5]  }
0x2e: {  	s3 =	simm.s32 @!p0 $0x1082;
	s9 =	sld [smem:$0x3FA6]  }
0x2f: {  	lr =	sadd.s32 s0, s3;
	s0 =	sld [smem:$0x3F9D]  }
0x30: {  	s3 =	sld [smem:$0x3FA0]  }
0x31: {  	[smem:$0x3FA9] =	sst s10  }
0x32: {  	s10 =	sld [smem:$0x3FA7];
	_ =	sdelay $0x3  }
0x33: {  	p0 =	seq.s32 s10, $0x1;
	s10 =	sld [smem:$0x3FA9];
	_ =	sdelay $0x3  }
0x34: {  	[smem:$0x3FA9] =	sst s10  }
0x35: {  	s10 =	sld [smem:$0x3FA8];
	_ =	sdelay $0x3  }
0x36: {  	p1 =	seq.s32 s10, $0x1;
	s10 =	sld [smem:$0x3FA9];
	_ =	sdelay $0x3  }
0x37: {  	[smem:$0x3FA9] =	sst s10  }
0x38: {  	s10 =	sld [smem:$0x3FAA]  }
0x39: {  	_ = 	snop;
	(pc) =	sbr.ind lr, $3  }
0x3a: {  	_ = 	snop  }
0x3b: {  	_ = 	snop  }
0x3c: {  	p2 =	seq.s32 s10, $0x1;
	s10 =	sld [smem:$0x3FA9]  }
0x3d: {  	_ =	shalt  }
0x3e: {  	_ =	shalt  }
0x3f: {  	_ =	shalt  }
0x40: {  	_ =	shalt  }
0x41: {  	_ =	shalt  }
0x42: {  	_ =	shalt  }
0x43: {  	_ =	shalt  }
0x44: {  	_ =	shalt  }
0x45: {  	_ =	shalt  }
0x46: {  	_ =	shalt  }
0x47: {  	_ =	shalt  }
0x48: {  	_ =	shalt  }
0x49: {  	_ =	shalt  }
0x4a: {  	_ =	shalt  }
0x4b: {  	_ =	shalt  }
0x4c: {  	_ =	shalt  }
0x4d: {  	_ =	shalt  }
0x4e: {  	_ =	shalt  }
0x4f: {  	_ =	shalt  }
0x50: {  	_ =	shalt  }
0x51: {  	_ =	shalt  }
0x52: {  	_ =	shalt  }
0x53: {  	_ =	shalt  }
0x54: {  	_ =	shalt  }
0x55: {  	_ =	shalt  }
0x56: {  	_ =	shalt  }
0x57: {  	_ =	shalt  }
0x58: {  	_ =	shalt  }
0x59: {  	_ =	shalt  }
0x5a: {  	_ =	shalt  }
0x5b: {  	_ =	shalt  }
0x5c: {  	_ =	shalt  }
0x5d: {  	_ =	shalt  }
0x5e: {  	_ =	shalt  }
0x5f: {  	_ =	shalt  }
0x60: {  	_ =	shalt  }
0x61: {  	_ =	shalt  }
0x62: {  	_ =	shalt  }
0x63: {  	_ =	shalt  }
0x64: {  	_ =	shalt  }
0x65: {  	_ =	shalt  }
0x66: {  	_ =	shalt  }
0x67: {  	_ =	shalt  }
0x68: {  	_ =	shalt  }
0x69: {  	_ =	shalt  }
0x6a: {  	_ =	shalt  }
0x6b: {  	_ =	shalt  }
0x6c: {  	_ =	shalt  }
0x6d: {  	_ =	shalt  }
0x6e: {  	_ =	shalt  }
0x6f: {  	_ =	shalt  }
0x70: {  	_ =	shalt  }
0x71: {  	_ =	shalt  }
0x72: {  	_ =	shalt  }
0x73: {  	_ =	shalt  }
0x74: {  	_ =	shalt  }
0x75: {  	_ =	shalt  }
0x76: {  	_ =	shalt  }
0x77: {  	_ =	shalt  }
0x78: {  	_ =	shalt  }
0x79: {  	_ =	shalt  }
0x7a: {  	_ =	shalt  }
0x7b: {  	_ =	shalt  }
0x7c: {  	_ =	shalt  }
0x7d: {  	_ =	shalt  }
0x7e: {  	_ =	shalt  }
0x7f: {  	_ =	shalt  }
0x80: {  	_ =	shalt  }
0x81: {  	_ =	shalt  }
0x82: {  	_ =	shalt  }
0x83: {  	_ =	shalt  }
0x84: {  	_ =	shalt  }
0x85: {  	_ =	shalt  }
0x86: {  	_ =	shalt  }
0x87: {  	_ =	shalt  }
.Lfunc_end0:
.L_simem_size_0:
called_computation_lowered:
.L_overlay_start_0:
0x88: {  	s2 =	sld [smem:$0x3FD9]  }
0x89: {  	s3 =	sld [smem:$0x3FFE];
	_ =	sdelay $0x1  }
0x8a: {  	s1 =	srdreg.scid  }
0x8b: {  	s0 =	sand.u32 $0x1, s1  }
0x8c: {  	s16 =	sshll.u32 s0, $0xA;
	s2 =	sadd.s32 s3, s2  }
0x8d: {  	s2 =	sadd.s32 s2, s16  }
0x8e: {  	[smem:$0x3FB5] =	sst s2  }
0x8f: {  	_ = 	snop  }
0x90: {  	(tm) =	ssettm $0x1  }
0x91: {  	s17 =	sld [smem:$0x3FFB];
	_ =	sdelay $0x3  }
0x92: {  	_ =	strace s17  }
0x93: {  	s2 =	sld [smem:$0x3FFC];
	_ =	sdelay $0x3  }
0x94: {  	_ =	strace s2  }
0x95: {  	s2 =	sld [smem:$0x3FFD];
	_ =	sdelay $0x3  }
0x96: {  	_ =	strace s2  }
0x97: {  	_ =	strace $0x8FFFFFFF  }
0x98: {  	s18 =	sld [smem:$0x3FDB];
	_ =	sdelay $0x1  }
0x99: {  	s19 =	simm.s32 $_scs_section_size  }
0x9a: {  	s4 =	simm.s32 $_size__tile_overlayer_lowered;
	s5 =	simm.s32 $_tile_overlayer_lowered  }
0x9b: {  	s22 =	simm.s32 $0x1BFF;
	s21 =	sshll.u32 s5, $0x1;
	s2 =	sadd.s32 s19, s18  }
0x9c: {  	s6 =	simm.s32 $0x0;
	s20 =	sshll.u32 s4, $0x1;
	s4 =	sadd.s32 s21, s2  }
0x9d: {  	[timem:s6], [sflag:s22] =	dma.local [hbm:s4], s20  }
0x9e: {  	_ =	swait.ge [sflag:s22], s20  }
0x9f: {  	s3 =	ssub.s32 $0x0, s20;
	[sflag:s22] =	ssyncset.done $0x0  }
0xa0: {  	[sflag:s22] =	ssyncadd.s32 s3;
	_ =	sdelay $0x1  }
0xa1: {  	s23 =	simm.s32 $0x1B8B  }
0xa2: {  	_ =	swait.ge [sflag:s23], $0x1  }
0xa3: {  	[sflag:s23] =	ssyncset.done $0x0  }
0xa4: {  	s25 =	simm.s32 $0x1B8E;
	s24 =	sld [smem:$0x3FFE];
	[sflag:s23] =	ssyncadd.s32 $0xFFFFFFFF  }
0xa5: {  	s26 =	simm.s32 $execute0_lowered;
	[smem:$0x3FD2] =	sst s25  }
0xa6: {  	s4 =	sshll.u32 s26, $0x1;
	_ =	strace $0x80000046;
	[dreg:$0x1] =	wrdreg $0xFFFFFFFF  }
0xa7: {  	s28 =	simm.s32 $_size_execute0_lowered;
	s2 =	sadd.s32 s2, s4;
	[dreg:$0x0] =	wrdreg $0x0  }
0xa8: {  	s4 =	sshll.u32 s28, $0x1;
	[dreg:$0x2] =	wrdreg s2  }
0xa9: {  	[dreg:$0x3] =	wrdreg s4  }
0xaa: {  	[dreg:$0x4] =	wrdreg $0xC0  }
0xab: {  	_ =	task [dreg:s6], $0x5FFFF  }
0xac: {  	[dreg:$0x1] =	wrdreg $0xFFFFFFFF  }
0xad: {  	[dreg:$0x0] =	wrdreg $0x60  }
0xae: {  	[dreg:$0x2] =	wrdreg s24  }
0xaf: {  	[dreg:$0x3] =	wrdreg $0x9  }
0xb0: {  	_ =	task.clear_ibuf [dreg:s6], $0x4FFFF;
	_ =	strace $0x90000046  }
0xb1: {  	s29 =	simm.s32 $0x9;
	_ =	strace $0x80000048  }
0xb2: {  	_ =	swait.ge [sflag:s29], $0x1  }
0xb3: {  	[sflag:s29] =	ssyncadd.s32 $0xFFFFFFFF  }
0xb4: {  	_ =	strace $0x90000048  }
0xb5: {  	_ =	sfence  }
0xb6: {  	s30 =	sld [smem:$0x0];
	_ =	sdelay $0x2  }
0xb7: {  	s31 =	sshll.u32 s1, $0xD;
	s1 =	sshrl.u32 s1, $0x2  }
0xb8: {  	s3 =	sand.u32 $0x4000, s31;
	s1 =	sadd.s32 s1, s30  }
0xb9: {  	s0 =	sor.u32 s3, s0;
	s1 =	sshll.u32 s1, $0x11  }
0xba: {  	s0 =	sor.u32 s1, s0  }
0xbb: {  	s0 =	sadd.s32 $0x8F2B, s0  }
0xbc: {  	[sflag:s0] =	ssyncadd.remote.s32 $0x1  }
0xbd: {  	_ =	sfence.sel $0xFFFF  }
0xbe: {  	[dreg:$0x0] =	wrdreg $0xFFFFFFFF;
	(pc) =	sbr.abs _section_cstart, $3  }
0xbf: {  	[dreg:$0x1] =	wrdreg $0xFFFFFFFF  }
0xc0: {  	_ =	task.clear_ibuf [dreg:s6], $0x2FFFF;
	_ =	strace $0x9FFFFFFF  }
0xc1: {  	(tm) =	ssettm $0x7FFFFFFF  }
tec
execute0_lowered:
.L_overlay_start_1:
0x0: {  	(tag) =	ssettag $0x1  }
0x1: {  	s0 =	srdreg.scid  }
0x2: {  	s13 =	stileid.u32;
	s1 =	sand.u32 $0x1, s0  }
0x3: {  	s7 =	sshll.u32 s13, $0xA;
	s2 =	sshll.u32 s1, $0x9  }
0x4: {  	s0 =	sor.u32 s2, s7  }
0x5: {  	s3 =	rddreg [dreg:$0x0];
	s4 =	sshrl.u32 s0, $0x3  }
0x6: {  	s2 =	simm.s32 $0x0;
	s4 =	sadd.s32 s4, s3  }
0x7: {  	[smem:$0x7FF] =	sst s2;
	s5 =	sadd.s32 $0x18AA00, s4  }
0x8: {  	_ =	strace $0x80000047;
	s8 =	sadd.s32 $0x18B200, s4;
	[dreg:$0x2] =	wrdreg s5  }
0x9: {  	s9 =	sadd.s32 $0x18BA00, s4;
	[dreg:$0x3] =	wrdreg s8  }
0xa: {  	s10 =	sadd.s32 $0x18C200, s4;
	[dreg:$0x4] =	wrdreg s9  }
0xb: {  	s11 =	sadd.s32 $0x18CA00, s4;
	[dreg:$0x5] =	wrdreg s10  }
0xc: {  	s12 =	sadd.s32 $0x18D200, s4;
	[dreg:$0x6] =	wrdreg s11  }
0xd: {  	s14 =	sadd.s32 $0x18DA00, s4;
	[dreg:$0x7] =	wrdreg s12  }
0xe: {  	s15 =	sadd.s32 $0x18E200, s4;
	[dreg:$0x8] =	wrdreg s14  }
0xf: {  	s16 =	sadd.s32 $0x18EA00, s4;
	[dreg:$0x9] =	wrdreg s15  }
0x10: {  	s17 =	sadd.s32 $0x18F200, s4;
	[dreg:$0xa] =	wrdreg s16  }
0x11: {  	s18 =	sadd.s32 $0x18FA00, s4;
	[dreg:$0xb] =	wrdreg s17  }
0x12: {  	s0 =	sshll.u32 s0, $0x4;
	s19 =	sadd.s32 $0x190200, s4;
	[dreg:$0xc] =	wrdreg s18  }
0x13: {  	s0 =	sadd.s32 s0, s3;
	s4 =	sadd.s32 $0x190A00, s4;
	[dreg:$0xd] =	wrdreg s19  }
0x14: {  	s20 =	sadd.s32 $0x191200, s0;
	[dreg:$0xe] =	wrdreg s4  }
0x15: {  	s21 =	sadd.s32 $0x1D1200, s0;
	[dreg:$0xf] =	wrdreg s20  }
0x16: {  	s22 =	sadd.s32 $0x211200, s0;
	[dreg:$0x10] =	wrdreg s21  }
0x17: {  	s23 =	sadd.s32 $0x251200, s0;
	[dreg:$0x11] =	wrdreg s22  }
0x18: {  	s24 =	sadd.s32 $0x291200, s0;
	[dreg:$0x12] =	wrdreg s23  }
0x19: {  	s25 =	sadd.s32 $0x2D1200, s0;
	[dreg:$0x13] =	wrdreg s24  }
0x1a: {  	s26 =	sadd.s32 $0x311200, s0;
	[dreg:$0x14] =	wrdreg s25  }
0x1b: {  	s6 =	sadd.s32 $0x391200, s0;
	[dreg:$0x15] =	wrdreg s26  }
0x1c: {  	s7 =	sadd.s32 $0x3D1200, s0;
	[dreg:$0x17] =	wrdreg s6  }
0x1d: {  	s5 =	sadd.s32 $0x351200, s0;
	[dreg:$0x18] =	wrdreg s7  }
0x1e: {  	s8 =	sadd.s32 $0x411200, s0;
	[dreg:$0x16] =	wrdreg s5  }
0x1f: {  	s9 =	sadd.s32 $0x451200, s0;
	[dreg:$0x19] =	wrdreg s8  }
0x20: {  	s0 =	sadd.s32 $0x491200, s0;
	[dreg:$0x1a] =	wrdreg s9  }
0x21: {  	s10 =	simm.s32 $0x100;
	[dreg:$0x1b] =	wrdreg s0  }
0x22: {  	s11 =	simm.s32 $0x180;
	[dreg:$0x1c] =	wrdreg s10  }
0x23: {  	s12 =	simm.s32 $0x280;
	[dreg:$0x1d] =	wrdreg s11  }
0x24: {  	s14 =	simm.s32 $0x300;
	[dreg:$0x1e] =	wrdreg s12  }
0x25: {  	s15 =	simm.s32 $0x380;
	[dreg:$0x1f] =	wrdreg s14  }
0x26: {  	s31 =	simm.s32 $0x200;
	s16 =	simm.s32 $0x480;
	[smem:$0x7E4] =	sst s15  }
0x27: {  	s30 =	simm.s32 $0x400;
	s17 =	simm.s32 $0x500;
	[smem:$0x7E5] =	sst s16  }
0x28: {  	s29 =	simm.s32 $0x600;
	s18 =	simm.s32 $0x580;
	[smem:$0x7E6] =	sst s17  }
0x29: {  	s28 =	simm.s32 $0x800;
	s19 =	simm.s32 $0x680;
	[smem:$0x7E7] =	sst s18  }
0x2a: {  	p0 =	por $0x0, $0x0;
	s20 =	simm.s32 $0x700;
	[smem:$0x7E8] =	sst s19  }
0x2b: {  	s1 =	ssub.s32 $0x2, s1;
	s22 =	simm.s32 $0x780;
	[smem:$0x7E9] =	sst s20  }
0x2c: {  	s4 =	sadd.s32 $0x2A00, s3;
	s23 =	simm.s32 $0x880;
	[smem:$0x7EA] =	sst s22  }
0x2d: {  	s21 =	sshrl.u32 s1, $0x1;
	s24 =	simm.s32 $0x900;
	[smem:$0x7EB] =	sst s23  }
0x2e: {  	s3 =	simm.s32 $0x2;
	s25 =	simm.s32 $0x980;
	[smem:$0x7EC] =	sst s24  }
0x2f: {  	s26 =	simm.s32 $0xA80;
	s6 =	simm.s32 $0xB80;
	[smem:$0x7ED] =	sst s25  }
0x30: {  	s7 =	simm.s32 $0xC80;
	s1 =	ssub.s32 s1, s21;
	[smem:$0x7EE] =	sst s26  }
0x31: {  	s5 =	simm.s32 $0xB00;
	[smem:$0x7F0] =	sst s6;
	s26 =	simm.s32 $0xA00  }
0x32: {  	[smem:$0x7F1] =	sst s7;
	s8 =	simm.s32 $0xD00;
	s25 =	simm.s32 $0xC00  }
0x33: {  	s9 =	simm.s32 $0xD80;
	s24 =	simm.s32 $0xE00;
	s0 =	rddreg [dreg:$0x2]  }
0x34: {  	s10 =	simm.s32 $0xE80;
	s23 =	simm.s32 $0x1000;
	[smem:$0x7EF] =	sst s5  }
0x35: {  	s11 =	simm.s32 $0xF00;
	s20 =	simm.s32 $0x1200;
	[smem:$0x7F2] =	sst s8  }
0x36: {  	s12 =	simm.s32 $0xF80;
	s16 =	simm.s32 $0x1400;
	[smem:$0x7F3] =	sst s9  }
0x37: {  	s14 =	simm.s32 $0x1080;
	s15 =	simm.s32 $0x1100;
	[smem:$0x7F4] =	sst s10  }
0x38: {  	s6 =	simm.s32 $0x1800;
	s17 =	simm.s32 $0x1180;
	[smem:$0x7F5] =	sst s11  }
0x39: {  	s7 =	simm.s32 $0x80;
	s18 =	simm.s32 $0x1280;
	[smem:$0x7F6] =	sst s12  }
0x3a: {  	s19 =	simm.s32 $0x1300;
	s21 =	simm.s32 $0x1380;
	[smem:$0x7F7] =	sst s14  }
0x3b: {  	s22 =	simm.s32 $0x1480;
	s1 =	smax.u32 s1, $0x1;
	[smem:$0x7F8] =	sst s15  }
0x3c: {  	s12 =	simm.s32 $0x1600;
	[smem:$0x7F9] =	sst s17;
	s5 =	simm.s32 $0x1A00  }
0x3d: {  	[smem:$0x7FA] =	sst s18;
	s9 =	simm.s32 $0x5A00;
	p1 =	sne.s32 s1, $0x1  }
.Ltmp0:
0x3e: {  	[smem:$0x7FB] =	sst s19;
	s10 =	simm.s32 $0x9A00;
	(pc) =	sbr.rel @!p1 .LBB2_1-.Ltmp0, $4  }
0x3f: {  	[smem:$0x7FC] =	sst s21;
	s11 =	simm.s32 $0xDA00;
	s8 =	simm.s32 $0x1  }
0x40: {  	[smem:$0x7FD] =	sst s22;
	s22 =	simm.s32 $0x1580;
	s18 =	simm.s32 $0x1680  }
0x41: {  	s19 =	simm.s32 $0x1700;
	s21 =	simm.s32 $0x1780;
	s14 =	simm.s32 $0x1880  }
0x42: {  	s15 =	simm.s32 $0x1900;
	s17 =	simm.s32 $0x1980;
	s1 =	sadd.s32 $0xFFFFFFFF, s1  }
0x43: {  	[tilespmem:s2], [sflag:$0x2] =	stream.linear.gather [hbm4b:s0+s2], $0x200, $0x38;
	[tilespmem:$0x11A00] =	vst v63  }
0x44: {  	_ =	swait.ge [sflag:s3], $0x200  }
0x45: {  	[sflag:s3] =	ssyncset.done $0x0  }
0x46: {  	s13 =	rddreg [dreg:$0x3];
	[sflag:s3] =	ssyncadd.s32 $0xFFFFFE00  }
0x47: {  	[tilespmem:s31], [sflag:$0x2] =	stream.linear.gather [hbm4b:s13+s2], $0x200, $0x38;
	[tilespmem:$0x11A00] =	vst v63  }
0x48: {  	_ =	swait.ge [sflag:s3], $0x200  }
0x49: {  	[sflag:s3] =	ssyncset.done $0x0  }
0x4a: {  	s13 =	rddreg [dreg:$0x4];
	[sflag:s3] =	ssyncadd.s32 $0xFFFFFE00  }
0x4b: {  	[tilespmem:s30], [sflag:$0x2] =	stream.linear.gather [hbm4b:s13+s2], $0x200, $0x38;
	[tilespmem:$0x11A00] =	vst v63  }
0x4c: {  	_ =	swait.ge [sflag:s3], $0x200  }
0x4d: {  	[sflag:s3] =	ssyncset.done $0x0  }
0x4e: {  	s13 =	rddreg [dreg:$0x5];
	[sflag:s3] =	ssyncadd.s32 $0xFFFFFE00  }
0x4f: {  	[tilespmem:s29], [sflag:$0x2] =	stream.linear.gather [hbm4b:s13+s2], $0x200, $0x38;
	[tilespmem:$0x11A00] =	vst v63  }
0x50: {  	_ =	swait.ge [sflag:s3], $0x200  }
0x51: {  	[sflag:s3] =	ssyncset.done $0x0  }
0x52: {  	s13 =	rddreg [dreg:$0x6];
	[sflag:s3] =	ssyncadd.s32 $0xFFFFFE00  }
0x53: {  	[tilespmem:s28], [sflag:$0x2] =	stream.linear.gather [hbm4b:s13+s2], $0x200, $0x38;
	[tilespmem:$0x11A00] =	vst v63  }
0x54: {  	_ =	swait.ge [sflag:s3], $0x200  }
0x55: {  	[sflag:s3] =	ssyncset.done $0x0  }
0x56: {  	s13 =	rddreg [dreg:$0x7];
	[sflag:s3] =	ssyncadd.s32 $0xFFFFFE00  }
0x57: {  	[tilespmem:s26], [sflag:$0x2] =	stream.linear.gather [hbm4b:s13+s2], $0x200, $0x38;
	[tilespmem:$0x11A00] =	vst v63  }
0x58: {  	_ =	swait.ge [sflag:s3], $0x200  }
0x59: {  	[sflag:s3] =	ssyncset.done $0x0  }
0x5a: {  	s13 =	rddreg [dreg:$0x8];
	[sflag:s3] =	ssyncadd.s32 $0xFFFFFE00  }
0x5b: {  	[tilespmem:s25], [sflag:$0x2] =	stream.linear.gather [hbm4b:s13+s2], $0x200, $0x38;
	[tilespmem:$0x11A00] =	vst v63  }
0x5c: {  	_ =	swait.ge [sflag:s3], $0x200  }
0x5d: {  	[sflag:s3] =	ssyncset.done $0x0  }
0x5e: {  	s13 =	rddreg [dreg:$0x9];
	[sflag:s3] =	ssyncadd.s32 $0xFFFFFE00  }
0x5f: {  	[tilespmem:s24], [sflag:$0x2] =	stream.linear.gather [hbm4b:s13+s2], $0x200, $0x38;
	[tilespmem:$0x11A00] =	vst v63  }
0x60: {  	_ =	swait.ge [sflag:s3], $0x200  }
0x61: {  	[sflag:s3] =	ssyncset.done $0x0  }
0x62: {  	s13 =	rddreg [dreg:$0xa];
	[sflag:s3] =	ssyncadd.s32 $0xFFFFFE00  }
0x63: {  	[tilespmem:s23], [sflag:$0x2] =	stream.linear.gather [hbm4b:s13+s2], $0x200, $0x38;
	[tilespmem:$0x11A00] =	vst v63  }
0x64: {  	_ =	swait.ge [sflag:s3], $0x200  }
0x65: {  	[sflag:s3] =	ssyncset.done $0x0  }
0x66: {  	s13 =	rddreg [dreg:$0xb];
	[sflag:s3] =	ssyncadd.s32 $0xFFFFFE00  }
0x67: {  	[tilespmem:s20], [sflag:$0x2] =	stream.linear.gather [hbm4b:s13+s2], $0x200, $0x38;
	[tilespmem:$0x11A00] =	vst v63  }
0x68: {  	_ =	swait.ge [sflag:s3], $0x200  }
0x69: {  	[sflag:s3] =	ssyncset.done $0x0  }
0x6a: {  	s13 =	rddreg [dreg:$0xc];
	[sflag:s3] =	ssyncadd.s32 $0xFFFFFE00  }
0x6b: {  	[tilespmem:s16], [sflag:$0x2] =	stream.linear.gather [hbm4b:s13+s2], $0x200, $0x38;
	[tilespmem:$0x11A00] =	vst v63  }
0x6c: {  	_ =	swait.ge [sflag:s3], $0x200  }
0x6d: {  	[sflag:s3] =	ssyncset.done $0x0  }
0x6e: {  	s13 =	rddreg [dreg:$0xd];
	[sflag:s3] =	ssyncadd.s32 $0xFFFFFE00  }
0x6f: {  	[tilespmem:s12], [sflag:$0x2] =	stream.linear.gather [hbm4b:s13+s2], $0x200, $0x38;
	[tilespmem:$0x11A00] =	vst v63  }
0x70: {  	_ =	swait.ge [sflag:s3], $0x200  }
0x71: {  	[sflag:s3] =	ssyncset.done $0x0  }
0x72: {  	s13 =	rddreg [dreg:$0xe];
	[sflag:s3] =	ssyncadd.s32 $0xFFFFFE00  }
0x73: {  	[tilespmem:s6], [sflag:$0x2] =	stream.linear.gather [hbm4b:s13+s2], $0x200, $0x38;
	[tilespmem:$0x11A00] =	vst v63  }
0x74: {  	_ =	swait.ge [sflag:s3], $0x200  }
0x75: {  	[sflag:s3] =	ssyncset.done $0x0  }
0x76: {  	[sflag:s3] =	ssyncadd.s32 $0xFFFFFE00  }
0x77: {  	[tilespmem:s5], [sflag:$0x1] =	stream.indirect.gather [hbm4b:s4+s7], $0x80, s2, s7, $0xb8;
	[tilespmem:$0x11A00] =	vst v63  }
0x78: {  	_ = 	snop  }
0x79: {  	[tilespmem:s9], [sflag:$0x1] =	stream.indirect.gather [hbm4b:s4+s7], $0x80, s7, s7, $0xb8;
	[tilespmem:$0x11A00] =	vst v63  }
0x7a: {  	s0 =	rddreg [dreg:$0x1c]  }
0x7b: {  	[tilespmem:s10], [sflag:$0x1] =	stream.indirect.gather [hbm4b:s4+s7], $0x80, s0, s7, $0xb8;
	[tilespmem:$0x11A00] =	vst v63  }
0x7c: {  	s13 =	smov.u32 s1;
	s1 =	rddreg [dreg:$0x1d]  }
0x7d: {  	[tilespmem:s11], [sflag:$0x1] =	stream.indirect.gather [hbm4b:s4+s7], $0x80, s1, s7, $0xb8;
	[tilespmem:$0x11A00] =	vst v63  }
0x7e: {  	_ =	swait.ge [sflag:s8], $0x4000  }
0x7f: {  	[sflag:s8] =	ssyncset.done $0x0  }
0x80: {  	[sflag:s8] =	ssyncadd.s32 $0xFFFFC000  }
0x81: {  	_ =	swait.ge [sflag:s8], $0x4000  }
0x82: {  	[sflag:s8] =	ssyncset.done $0x0  }
0x83: {  	[sflag:s8] =	ssyncadd.s32 $0xFFFFC000  }
0x84: {  	_ =	swait.ge [sflag:s8], $0x4000  }
0x85: {  	[sflag:s8] =	ssyncset.done $0x0  }
0x86: {  	[sflag:s8] =	ssyncadd.s32 $0xFFFFC000  }
0x87: {  	_ =	swait.ge [sflag:s8], $0x4000  }
0x88: {  	[sflag:s8] =	ssyncset.done $0x0  }
0x89: {  	s1 =	rddreg [dreg:$0xf];
	[sflag:s8] =	ssyncadd.s32 $0xFFFFC000  }
0x8a: {  	[hbm4b:s1+s2] =	stream.linear.scatter [tilespmem:s5], [sflag:$0x2], $0x10000, $0x38;
	[tilespmem:$0x11A00] =	vst v63  }
0x8b: {  	_ =	swait.ge [sflag:s3], $0x10000  }
0x8c: {  	[sflag:s3] =	ssyncset.done $0x0  }
0x8d: {  	s0 =	rddreg [dreg:$0x1e];
	[sflag:s3] =	ssyncadd.s32 $0xFFFF0000  }
0x8e: {  	[tilespmem:s5], [sflag:$0x1] =	stream.indirect.gather [hbm4b:s4+s7], $0x80, s31, s7, $0xb8;
	[tilespmem:$0x11A00] =	vst v63  }
0x8f: {  	s1 =	rddreg [dreg:$0x1f]  }
0x90: {  	[tilespmem:s9], [sflag:$0x1] =	stream.indirect.gather [hbm4b:s4+s7], $0x80, s0, s7, $0xb8;
	[tilespmem:$0x11A00] =	vst v63  }
0x91: {  	s0 =	sld [smem:$0x7E4]  }
0x92: {  	[tilespmem:s10], [sflag:$0x1] =	stream.indirect.gather [hbm4b:s4+s7], $0x80, s1, s7, $0xb8;
	[tilespmem:$0x11A00] =	vst v63  }
0x93: {  	_ = 	snop  }
0x94: {  	[tilespmem:s11], [sflag:$0x1] =	stream.indirect.gather [hbm4b:s4+s7], $0x80, s0, s7, $0xb8;
	[tilespmem:$0x11A00] =	vst v63  }
0x95: {  	_ =	swait.ge [sflag:s8], $0x4000  }
0x96: {  	[sflag:s8] =	ssyncset.done $0x0  }
0x97: {  	[sflag:s8] =	ssyncadd.s32 $0xFFFFC000  }
0x98: {  	_ =	swait.ge [sflag:s8], $0x4000  }
0x99: {  	[sflag:s8] =	ssyncset.done $0x0  }
0x9a: {  	[sflag:s8] =	ssyncadd.s32 $0xFFFFC000  }
0x9b: {  	_ =	swait.ge [sflag:s8], $0x4000  }
0x9c: {  	[sflag:s8] =	ssyncset.done $0x0  }
0x9d: {  	[sflag:s8] =	ssyncadd.s32 $0xFFFFC000  }
0x9e: {  	_ =	swait.ge [sflag:s8], $0x4000  }
0x9f: {  	[sflag:s8] =	ssyncset.done $0x0  }
0xa0: {  	s1 =	rddreg [dreg:$0x10];
	[sflag:s8] =	ssyncadd.s32 $0xFFFFC000  }
0xa1: {  	[hbm4b:s1+s2] =	stream.linear.scatter [tilespmem:s5], [sflag:$0x2], $0x10000, $0x38;
	[tilespmem:$0x11A00] =	vst v63  }
0xa2: {  	_ =	swait.ge [sflag:s3], $0x10000  }
0xa3: {  	[sflag:s3] =	ssyncset.done $0x0  }
0xa4: {  	s0 =	sld [smem:$0x7E5];
	[sflag:s3] =	ssyncadd.s32 $0xFFFF0000  }
0xa5: {  	[tilespmem:s5], [sflag:$0x1] =	stream.indirect.gather [hbm4b:s4+s7], $0x80, s30, s7, $0xb8;
	[tilespmem:$0x11A00] =	vst v63  }
0xa6: {  	s1 =	sld [smem:$0x7E6]  }
0xa7: {  	[tilespmem:s9], [sflag:$0x1] =	stream.indirect.gather [hbm4b:s4+s7], $0x80, s0, s7, $0xb8;
	[tilespmem:$0x11A00] =	vst v63  }
0xa8: {  	s0 =	sld [smem:$0x7E7]  }
0xa9: {  	[tilespmem:s10], [sflag:$0x1] =	stream.indirect.gather [hbm4b:s4+s7], $0x80, s1, s7, $0xb8;
	[tilespmem:$0x11A00] =	vst v63  }
0xaa: {  	_ = 	snop  }
0xab: {  	[tilespmem:s11], [sflag:$0x1] =	stream.indirect.gather [hbm4b:s4+s7], $0x80, s0, s7, $0xb8;
	[tilespmem:$0x11A00] =	vst v63  }
0xac: {  	_ =	swait.ge [sflag:s8], $0x4000  }
0xad: {  	[sflag:s8] =	ssyncset.done $0x0  }
0xae: {  	[sflag:s8] =	ssyncadd.s32 $0xFFFFC000  }
0xaf: {  	_ =	swait.ge [sflag:s8], $0x4000  }
0xb0: {  	[sflag:s8] =	ssyncset.done $0x0  }
0xb1: {  	[sflag:s8] =	ssyncadd.s32 $0xFFFFC000  }
0xb2: {  	_ =	swait.ge [sflag:s8], $0x4000  }
0xb3: {  	[sflag:s8] =	ssyncset.done $0x0  }
0xb4: {  	[sflag:s8] =	ssyncadd.s32 $0xFFFFC000  }
0xb5: {  	_ =	swait.ge [sflag:s8], $0x4000  }
0xb6: {  	[sflag:s8] =	ssyncset.done $0x0  }
0xb7: {  	s1 =	rddreg [dreg:$0x11];
	[sflag:s8] =	ssyncadd.s32 $0xFFFFC000  }
0xb8: {  	[hbm4b:s1+s2] =	stream.linear.scatter [tilespmem:s5], [sflag:$0x2], $0x10000, $0x38;
	[tilespmem:$0x11A00] =	vst v63  }
0xb9: {  	_ =	swait.ge [sflag:s3], $0x10000  }
0xba: {  	[sflag:s3] =	ssyncset.done $0x0  }
0xbb: {  	s0 =	sld [smem:$0x7E8];
	[sflag:s3] =	ssyncadd.s32 $0xFFFF0000  }
0xbc: {  	[tilespmem:s5], [sflag:$0x1] =	stream.indirect.gather [hbm4b:s4+s7], $0x80, s29, s7, $0xb8;
	[tilespmem:$0x11A00] =	vst v63  }
0xbd: {  	s1 =	sld [smem:$0x7E9]  }
0xbe: {  	[tilespmem:s9], [sflag:$0x1] =	stream.indirect.gather [hbm4b:s4+s7], $0x80, s0, s7, $0xb8;
	[tilespmem:$0x11A00] =	vst v63  }
0xbf: {  	s0 =	sld [smem:$0x7EA]  }
0xc0: {  	[tilespmem:s10], [sflag:$0x1] =	stream.indirect.gather [hbm4b:s4+s7], $0x80, s1, s7, $0xb8;
	[tilespmem:$0x11A00] =	vst v63  }
0xc1: {  	_ = 	snop  }
0xc2: {  	[tilespmem:s11], [sflag:$0x1] =	stream.indirect.gather [hbm4b:s4+s7], $0x80, s0, s7, $0xb8;
	[tilespmem:$0x11A00] =	vst v63  }
0xc3: {  	_ =	swait.ge [sflag:s8], $0x4000  }
0xc4: {  	[sflag:s8] =	ssyncset.done $0x0  }
0xc5: {  	[sflag:s8] =	ssyncadd.s32 $0xFFFFC000  }
0xc6: {  	_ =	swait.ge [sflag:s8], $0x4000  }
0xc7: {  	[sflag:s8] =	ssyncset.done $0x0  }
0xc8: {  	[sflag:s8] =	ssyncadd.s32 $0xFFFFC000  }
0xc9: {  	_ =	swait.ge [sflag:s8], $0x4000  }
0xca: {  	[sflag:s8] =	ssyncset.done $0x0  }
0xcb: {  	[sflag:s8] =	ssyncadd.s32 $0xFFFFC000  }
0xcc: {  	_ =	swait.ge [sflag:s8], $0x4000  }
0xcd: {  	[sflag:s8] =	ssyncset.done $0x0  }
0xce: {  	s1 =	rddreg [dreg:$0x12];
	[sflag:s8] =	ssyncadd.s32 $0xFFFFC000  }
0xcf: {  	[hbm4b:s1+s2] =	stream.linear.scatter [tilespmem:s5], [sflag:$0x2], $0x10000, $0x38;
	[tilespmem:$0x11A00] =	vst v63  }
0xd0: {  	_ =	swait.ge [sflag:s3], $0x10000  }
0xd1: {  	[sflag:s3] =	ssyncset.done $0x0  }
0xd2: {  	s0 =	sld [smem:$0x7EB];
	[sflag:s3] =	ssyncadd.s32 $0xFFFF0000  }
0xd3: {  	[tilespmem:s5], [sflag:$0x1] =	stream.indirect.gather [hbm4b:s4+s7], $0x80, s28, s7, $0xb8;
	[tilespmem:$0x11A00] =	vst v63  }
0xd4: {  	s1 =	sld [smem:$0x7EC]  }
0xd5: {  	[tilespmem:s9], [sflag:$0x1] =	stream.indirect.gather [hbm4b:s4+s7], $0x80, s0, s7, $0xb8;
	[tilespmem:$0x11A00] =	vst v63  }
0xd6: {  	s0 =	sld [smem:$0x7ED]  }
0xd7: {  	[tilespmem:s10], [sflag:$0x1] =	stream.indirect.gather [hbm4b:s4+s7], $0x80, s1, s7, $0xb8;
	[tilespmem:$0x11A00] =	vst v63  }
0xd8: {  	_ = 	snop  }
0xd9: {  	[tilespmem:s11], [sflag:$0x1] =	stream.indirect.gather [hbm4b:s4+s7], $0x80, s0, s7, $0xb8;
	[tilespmem:$0x11A00] =	vst v63  }
0xda: {  	_ =	swait.ge [sflag:s8], $0x4000  }
0xdb: {  	[sflag:s8] =	ssyncset.done $0x0  }
0xdc: {  	[sflag:s8] =	ssyncadd.s32 $0xFFFFC000  }
0xdd: {  	_ =	swait.ge [sflag:s8], $0x4000  }
0xde: {  	[sflag:s8] =	ssyncset.done $0x0  }
0xdf: {  	[sflag:s8] =	ssyncadd.s32 $0xFFFFC000  }
0xe0: {  	_ =	swait.ge [sflag:s8], $0x4000  }
0xe1: {  	[sflag:s8] =	ssyncset.done $0x0  }
0xe2: {  	[sflag:s8] =	ssyncadd.s32 $0xFFFFC000  }
0xe3: {  	_ =	swait.ge [sflag:s8], $0x4000  }
0xe4: {  	[sflag:s8] =	ssyncset.done $0x0  }
0xe5: {  	s1 =	rddreg [dreg:$0x13];
	[sflag:s8] =	ssyncadd.s32 $0xFFFFC000  }
0xe6: {  	[hbm4b:s1+s2] =	stream.linear.scatter [tilespmem:s5], [sflag:$0x2], $0x10000, $0x38;
	[tilespmem:$0x11A00] =	vst v63  }
0xe7: {  	_ =	swait.ge [sflag:s3], $0x10000  }
0xe8: {  	[sflag:s3] =	ssyncset.done $0x0  }
0xe9: {  	s0 =	sld [smem:$0x7EE];
	[sflag:s3] =	ssyncadd.s32 $0xFFFF0000  }
0xea: {  	[tilespmem:s5], [sflag:$0x1] =	stream.indirect.gather [hbm4b:s4+s7], $0x80, s26, s7, $0xb8;
	[tilespmem:$0x11A00] =	vst v63  }
0xeb: {  	s1 =	sld [smem:$0x7EF]  }
0xec: {  	[tilespmem:s9], [sflag:$0x1] =	stream.indirect.gather [hbm4b:s4+s7], $0x80, s0, s7, $0xb8;
	[tilespmem:$0x11A00] =	vst v63  }
0xed: {  	s0 =	sld [smem:$0x7F0]  }
0xee: {  	[tilespmem:s10], [sflag:$0x1] =	stream.indirect.gather [hbm4b:s4+s7], $0x80, s1, s7, $0xb8;
	[tilespmem:$0x11A00] =	vst v63  }
0xef: {  	_ = 	snop  }
0xf0: {  	[tilespmem:s11], [sflag:$0x1] =	stream.indirect.gather [hbm4b:s4+s7], $0x80, s0, s7, $0xb8;
	[tilespmem:$0x11A00] =	vst v63  }
0xf1: {  	_ =	swait.ge [sflag:s8], $0x4000  }
0xf2: {  	[sflag:s8] =	ssyncset.done $0x0  }
0xf3: {  	[sflag:s8] =	ssyncadd.s32 $0xFFFFC000  }
0xf4: {  	_ =	swait.ge [sflag:s8], $0x4000  }
0xf5: {  	[sflag:s8] =	ssyncset.done $0x0  }
0xf6: {  	[sflag:s8] =	ssyncadd.s32 $0xFFFFC000  }
0xf7: {  	_ =	swait.ge [sflag:s8], $0x4000  }
0xf8: {  	[sflag:s8] =	ssyncset.done $0x0  }
0xf9: {  	[sflag:s8] =	ssyncadd.s32 $0xFFFFC000  }
0xfa: {  	_ =	swait.ge [sflag:s8], $0x4000  }
0xfb: {  	[sflag:s8] =	ssyncset.done $0x0  }
0xfc: {  	s1 =	rddreg [dreg:$0x14];
	[sflag:s8] =	ssyncadd.s32 $0xFFFFC000  }
0xfd: {  	[hbm4b:s1+s2] =	stream.linear.scatter [tilespmem:s5], [sflag:$0x2], $0x10000, $0x38;
	[tilespmem:$0x11A00] =	vst v63  }
0xfe: {  	_ =	swait.ge [sflag:s3], $0x10000  }
0xff: {  	[sflag:s3] =	ssyncset.done $0x0  }
0x100: {  	s0 =	sld [smem:$0x7F1];
	[sflag:s3] =	ssyncadd.s32 $0xFFFF0000  }
0x101: {  	[tilespmem:s5], [sflag:$0x1] =	stream.indirect.gather [hbm4b:s4+s7], $0x80, s25, s7, $0xb8;
	[tilespmem:$0x11A00] =	vst v63  }
0x102: {  	s1 =	sld [smem:$0x7F2]  }
0x103: {  	[tilespmem:s9], [sflag:$0x1] =	stream.indirect.gather [hbm4b:s4+s7], $0x80, s0, s7, $0xb8;
	[tilespmem:$0x11A00] =	vst v63  }
0x104: {  	s0 =	sld [smem:$0x7F3]  }
0x105: {  	[tilespmem:s10], [sflag:$0x1] =	stream.indirect.gather [hbm4b:s4+s7], $0x80, s1, s7, $0xb8;
	[tilespmem:$0x11A00] =	vst v63  }
0x106: {  	_ = 	snop  }
0x107: {  	[tilespmem:s11], [sflag:$0x1] =	stream.indirect.gather [hbm4b:s4+s7], $0x80, s0, s7, $0xb8;
	[tilespmem:$0x11A00] =	vst v63  }
0x108: {  	_ =	swait.ge [sflag:s8], $0x4000  }
0x109: {  	[sflag:s8] =	ssyncset.done $0x0  }
0x10a: {  	[sflag:s8] =	ssyncadd.s32 $0xFFFFC000  }
0x10b: {  	_ =	swait.ge [sflag:s8], $0x4000  }
0x10c: {  	[sflag:s8] =	ssyncset.done $0x0  }
0x10d: {  	[sflag:s8] =	ssyncadd.s32 $0xFFFFC000  }
0x10e: {  	_ =	swait.ge [sflag:s8], $0x4000  }
0x10f: {  	[sflag:s8] =	ssyncset.done $0x0  }
0x110: {  	[sflag:s8] =	ssyncadd.s32 $0xFFFFC000  }
0x111: {  	_ =	swait.ge [sflag:s8], $0x4000  }
0x112: {  	[sflag:s8] =	ssyncset.done $0x0  }
0x113: {  	s1 =	rddreg [dreg:$0x15];
	[sflag:s8] =	ssyncadd.s32 $0xFFFFC000  }
0x114: {  	[hbm4b:s1+s2] =	stream.linear.scatter [tilespmem:s5], [sflag:$0x2], $0x10000, $0x38;
	[tilespmem:$0x11A00] =	vst v63  }
0x115: {  	_ =	swait.ge [sflag:s3], $0x10000  }
0x116: {  	[sflag:s3] =	ssyncset.done $0x0  }
0x117: {  	s0 =	sld [smem:$0x7F4];
	[sflag:s3] =	ssyncadd.s32 $0xFFFF0000  }
0x118: {  	[tilespmem:s5], [sflag:$0x1] =	stream.indirect.gather [hbm4b:s4+s7], $0x80, s24, s7, $0xb8;
	[tilespmem:$0x11A00] =	vst v63  }
0x119: {  	s1 =	sld [smem:$0x7F5]  }
0x11a: {  	[tilespmem:s9], [sflag:$0x1] =	stream.indirect.gather [hbm4b:s4+s7], $0x80, s0, s7, $0xb8;
	[tilespmem:$0x11A00] =	vst v63  }
0x11b: {  	s0 =	sld [smem:$0x7F6]  }
0x11c: {  	[tilespmem:s10], [sflag:$0x1] =	stream.indirect.gather [hbm4b:s4+s7], $0x80, s1, s7, $0xb8;
	[tilespmem:$0x11A00] =	vst v63  }
0x11d: {  	_ = 	snop  }
0x11e: {  	[tilespmem:s11], [sflag:$0x1] =	stream.indirect.gather [hbm4b:s4+s7], $0x80, s0, s7, $0xb8;
	[tilespmem:$0x11A00] =	vst v63  }
0x11f: {  	_ =	swait.ge [sflag:s8], $0x4000  }
0x120: {  	[sflag:s8] =	ssyncset.done $0x0  }
0x121: {  	[sflag:s8] =	ssyncadd.s32 $0xFFFFC000  }
0x122: {  	_ =	swait.ge [sflag:s8], $0x4000  }
0x123: {  	[sflag:s8] =	ssyncset.done $0x0  }
0x124: {  	[sflag:s8] =	ssyncadd.s32 $0xFFFFC000  }
0x125: {  	_ =	swait.ge [sflag:s8], $0x4000  }
0x126: {  	[sflag:s8] =	ssyncset.done $0x0  }
0x127: {  	[sflag:s8] =	ssyncadd.s32 $0xFFFFC000  }
0x128: {  	_ =	swait.ge [sflag:s8], $0x4000  }
0x129: {  	[sflag:s8] =	ssyncset.done $0x0  }
0x12a: {  	s1 =	rddreg [dreg:$0x16];
	[sflag:s8] =	ssyncadd.s32 $0xFFFFC000  }
0x12b: {  	[hbm4b:s1+s2] =	stream.linear.scatter [tilespmem:s5], [sflag:$0x2], $0x10000, $0x38;
	[tilespmem:$0x11A00] =	vst v63  }
0x12c: {  	_ =	swait.ge [sflag:s3], $0x10000  }
0x12d: {  	[sflag:s3] =	ssyncset.done $0x0  }
0x12e: {  	s0 =	sld [smem:$0x7F7];
	[sflag:s3] =	ssyncadd.s32 $0xFFFF0000  }
0x12f: {  	[tilespmem:s5], [sflag:$0x1] =	stream.indirect.gather [hbm4b:s4+s7], $0x80, s23, s7, $0xb8;
	[tilespmem:$0x11A00] =	vst v63  }
0x130: {  	s1 =	sld [smem:$0x7F8]  }
0x131: {  	[tilespmem:s9], [sflag:$0x1] =	stream.indirect.gather [hbm4b:s4+s7], $0x80, s0, s7, $0xb8;
	[tilespmem:$0x11A00] =	vst v63  }
0x132: {  	s0 =	sld [smem:$0x7F9]  }
0x133: {  	[tilespmem:s10], [sflag:$0x1] =	stream.indirect.gather [hbm4b:s4+s7], $0x80, s1, s7, $0xb8;
	[tilespmem:$0x11A00] =	vst v63  }
0x134: {  	_ = 	snop  }
0x135: {  	[tilespmem:s11], [sflag:$0x1] =	stream.indirect.gather [hbm4b:s4+s7], $0x80, s0, s7, $0xb8;
	[tilespmem:$0x11A00] =	vst v63  }
0x136: {  	_ =	swait.ge [sflag:s8], $0x4000  }
0x137: {  	[sflag:s8] =	ssyncset.done $0x0  }
0x138: {  	[sflag:s8] =	ssyncadd.s32 $0xFFFFC000  }
0x139: {  	_ =	swait.ge [sflag:s8], $0x4000  }
0x13a: {  	[sflag:s8] =	ssyncset.done $0x0  }
0x13b: {  	[sflag:s8] =	ssyncadd.s32 $0xFFFFC000  }
0x13c: {  	_ =	swait.ge [sflag:s8], $0x4000  }
0x13d: {  	[sflag:s8] =	ssyncset.done $0x0  }
0x13e: {  	[sflag:s8] =	ssyncadd.s32 $0xFFFFC000  }
0x13f: {  	_ =	swait.ge [sflag:s8], $0x4000  }
0x140: {  	[sflag:s8] =	ssyncset.done $0x0  }
0x141: {  	s1 =	rddreg [dreg:$0x17];
	[sflag:s8] =	ssyncadd.s32 $0xFFFFC000  }
0x142: {  	[hbm4b:s1+s2] =	stream.linear.scatter [tilespmem:s5], [sflag:$0x2], $0x10000, $0x38;
	[tilespmem:$0x11A00] =	vst v63  }
0x143: {  	_ =	swait.ge [sflag:s3], $0x10000  }
0x144: {  	[sflag:s3] =	ssyncset.done $0x0  }
0x145: {  	s0 =	sld [smem:$0x7FA];
	[sflag:s3] =	ssyncadd.s32 $0xFFFF0000  }
0x146: {  	[tilespmem:s5], [sflag:$0x1] =	stream.indirect.gather [hbm4b:s4+s7], $0x80, s20, s7, $0xb8;
	[tilespmem:$0x11A00] =	vst v63  }
0x147: {  	s1 =	sld [smem:$0x7FB]  }
0x148: {  	[tilespmem:s9], [sflag:$0x1] =	stream.indirect.gather [hbm4b:s4+s7], $0x80, s0, s7, $0xb8;
	[tilespmem:$0x11A00] =	vst v63  }
0x149: {  	s0 =	sld [smem:$0x7FC]  }
0x14a: {  	[tilespmem:s10], [sflag:$0x1] =	stream.indirect.gather [hbm4b:s4+s7], $0x80, s1, s7, $0xb8;
	[tilespmem:$0x11A00] =	vst v63  }
0x14b: {  	_ = 	snop  }
0x14c: {  	[tilespmem:s11], [sflag:$0x1] =	stream.indirect.gather [hbm4b:s4+s7], $0x80, s0, s7, $0xb8;
	[tilespmem:$0x11A00] =	vst v63  }
0x14d: {  	_ =	swait.ge [sflag:s8], $0x4000  }
0x14e: {  	[sflag:s8] =	ssyncset.done $0x0  }
0x14f: {  	[sflag:s8] =	ssyncadd.s32 $0xFFFFC000  }
0x150: {  	_ =	swait.ge [sflag:s8], $0x4000  }
0x151: {  	[sflag:s8] =	ssyncset.done $0x0  }
0x152: {  	[sflag:s8] =	ssyncadd.s32 $0xFFFFC000  }
0x153: {  	_ =	swait.ge [sflag:s8], $0x4000  }
0x154: {  	[sflag:s8] =	ssyncset.done $0x0  }
0x155: {  	[sflag:s8] =	ssyncadd.s32 $0xFFFFC000  }
0x156: {  	_ =	swait.ge [sflag:s8], $0x4000  }
0x157: {  	[sflag:s8] =	ssyncset.done $0x0  }
0x158: {  	s1 =	rddreg [dreg:$0x18];
	[sflag:s8] =	ssyncadd.s32 $0xFFFFC000  }
0x159: {  	[hbm4b:s1+s2] =	stream.linear.scatter [tilespmem:s5], [sflag:$0x2], $0x10000, $0x38;
	[tilespmem:$0x11A00] =	vst v63  }
0x15a: {  	_ =	swait.ge [sflag:s3], $0x10000  }
0x15b: {  	[sflag:s3] =	ssyncset.done $0x0  }
0x15c: {  	s1 =	sld [smem:$0x7FD];
	[sflag:s3] =	ssyncadd.s32 $0xFFFF0000  }
0x15d: {  	[tilespmem:s5], [sflag:$0x1] =	stream.indirect.gather [hbm4b:s4+s7], $0x80, s16, s7, $0xb8;
	[tilespmem:$0x11A00] =	vst v63  }
0x15e: {  	_ = 	snop  }
0x15f: {  	[tilespmem:s9], [sflag:$0x1] =	stream.indirect.gather [hbm4b:s4+s7], $0x80, s1, s7, $0xb8;
	[tilespmem:$0x11A00] =	vst v63  }
0x160: {  	s1 =	simm.s32 $0x1500  }
0x161: {  	[tilespmem:s10], [sflag:$0x1] =	stream.indirect.gather [hbm4b:s4+s7], $0x80, s1, s7, $0xb8;
	[tilespmem:$0x11A00] =	vst v63  }
0x162: {  	_ = 	snop  }
0x163: {  	[tilespmem:s11], [sflag:$0x1] =	stream.indirect.gather [hbm4b:s4+s7], $0x80, s22, s7, $0xb8;
	[tilespmem:$0x11A00] =	vst v63  }
0x164: {  	_ =	swait.ge [sflag:s8], $0x4000  }
0x165: {  	[sflag:s8] =	ssyncset.done $0x0  }
0x166: {  	[sflag:s8] =	ssyncadd.s32 $0xFFFFC000  }
0x167: {  	_ =	swait.ge [sflag:s8], $0x4000  }
0x168: {  	[sflag:s8] =	ssyncset.done $0x0  }
0x169: {  	[sflag:s8] =	ssyncadd.s32 $0xFFFFC000  }
0x16a: {  	_ =	swait.ge [sflag:s8], $0x4000  }
0x16b: {  	[sflag:s8] =	ssyncset.done $0x0  }
0x16c: {  	[sflag:s8] =	ssyncadd.s32 $0xFFFFC000  }
0x16d: {  	_ =	swait.ge [sflag:s8], $0x4000  }
0x16e: {  	[sflag:s8] =	ssyncset.done $0x0  }
0x16f: {  	s1 =	rddreg [dreg:$0x19];
	[sflag:s8] =	ssyncadd.s32 $0xFFFFC000  }
0x170: {  	[hbm4b:s1+s2] =	stream.linear.scatter [tilespmem:s5], [sflag:$0x2], $0x10000, $0x38;
	[tilespmem:$0x11A00] =	vst v63  }
0x171: {  	_ =	swait.ge [sflag:s3], $0x10000  }
0x172: {  	[sflag:s3] =	ssyncset.done $0x0  }
0x173: {  	[sflag:s3] =	ssyncadd.s32 $0xFFFF0000  }
0x174: {  	[tilespmem:s5], [sflag:$0x1] =	stream.indirect.gather [hbm4b:s4+s7], $0x80, s12, s7, $0xb8;
	[tilespmem:$0x11A00] =	vst v63  }
0x175: {  	_ = 	snop  }
0x176: {  	[tilespmem:s9], [sflag:$0x1] =	stream.indirect.gather [hbm4b:s4+s7], $0x80, s18, s7, $0xb8;
	[tilespmem:$0x11A00] =	vst v63  }
0x177: {  	_ = 	snop  }
0x178: {  	[tilespmem:s10], [sflag:$0x1] =	stream.indirect.gather [hbm4b:s4+s7], $0x80, s19, s7, $0xb8;
	[tilespmem:$0x11A00] =	vst v63  }
0x179: {  	_ = 	snop  }
0x17a: {  	[tilespmem:s11], [sflag:$0x1] =	stream.indirect.gather [hbm4b:s4+s7], $0x80, s21, s7, $0xb8;
	[tilespmem:$0x11A00] =	vst v63  }
0x17b: {  	_ =	swait.ge [sflag:s8], $0x4000  }
0x17c: {  	[sflag:s8] =	ssyncset.done $0x0  }
0x17d: {  	[sflag:s8] =	ssyncadd.s32 $0xFFFFC000  }
0x17e: {  	_ =	swait.ge [sflag:s8], $0x4000  }
0x17f: {  	[sflag:s8] =	ssyncset.done $0x0  }
0x180: {  	[sflag:s8] =	ssyncadd.s32 $0xFFFFC000  }
0x181: {  	_ =	swait.ge [sflag:s8], $0x4000  }
0x182: {  	[sflag:s8] =	ssyncset.done $0x0  }
0x183: {  	[sflag:s8] =	ssyncadd.s32 $0xFFFFC000  }
0x184: {  	_ =	swait.ge [sflag:s8], $0x4000  }
0x185: {  	[sflag:s8] =	ssyncset.done $0x0  }
0x186: {  	s1 =	rddreg [dreg:$0x1a];
	[sflag:s8] =	ssyncadd.s32 $0xFFFFC000  }
0x187: {  	[hbm4b:s1+s2] =	stream.linear.scatter [tilespmem:s5], [sflag:$0x2], $0x10000, $0x38;
	[tilespmem:$0x11A00] =	vst v63  }
0x188: {  	_ =	swait.ge [sflag:s3], $0x10000  }
0x189: {  	[sflag:s3] =	ssyncset.done $0x0  }
0x18a: {  	[sflag:s3] =	ssyncadd.s32 $0xFFFF0000  }
0x18b: {  	[tilespmem:s5], [sflag:$0x1] =	stream.indirect.gather [hbm4b:s4+s7], $0x80, s6, s7, $0xb8;
	[tilespmem:$0x11A00] =	vst v63  }
0x18c: {  	_ = 	snop  }
0x18d: {  	[tilespmem:s9], [sflag:$0x1] =	stream.indirect.gather [hbm4b:s4+s7], $0x80, s14, s7, $0xb8;
	[tilespmem:$0x11A00] =	vst v63  }
0x18e: {  	_ = 	snop  }
0x18f: {  	[tilespmem:s10], [sflag:$0x1] =	stream.indirect.gather [hbm4b:s4+s7], $0x80, s15, s7, $0xb8;
	[tilespmem:$0x11A00] =	vst v63  }
0x190: {  	_ = 	snop  }
0x191: {  	[tilespmem:s11], [sflag:$0x1] =	stream.indirect.gather [hbm4b:s4+s7], $0x80, s17, s7, $0xb8;
	[tilespmem:$0x11A00] =	vst v63  }
0x192: {  	_ =	swait.ge [sflag:s8], $0x4000  }
0x193: {  	[sflag:s8] =	ssyncset.done $0x0  }
0x194: {  	[sflag:s8] =	ssyncadd.s32 $0xFFFFC000  }
0x195: {  	_ =	swait.ge [sflag:s8], $0x4000  }
0x196: {  	[sflag:s8] =	ssyncset.done $0x0  }
0x197: {  	[sflag:s8] =	ssyncadd.s32 $0xFFFFC000  }
0x198: {  	_ =	swait.ge [sflag:s8], $0x4000  }
0x199: {  	[sflag:s8] =	ssyncset.done $0x0  }
0x19a: {  	[sflag:s8] =	ssyncadd.s32 $0xFFFFC000  }
0x19b: {  	p1 =	sne.s32 s13, $0x1;
	_ =	swait.ge [sflag:s8], $0x4000  }
.Ltmp1:
0x19c: {  	[sflag:s8] =	ssyncset.done $0x0;
	(pc) =	sbr.rel @!p1 .LBB2_3-.Ltmp1, $4  }
0x19d: {  	s1 =	rddreg [dreg:$0x1b];
	[sflag:s8] =	ssyncadd.s32 $0xFFFFC000  }
0x19e: {  	[hbm4b:s1+s2] =	stream.linear.scatter [tilespmem:s5], [sflag:$0x2], $0x10000, $0x38;
	[tilespmem:$0x11A00] =	vst v63  }
0x19f: {  	p0 =	por $0x1, $0x1;
	_ =	swait.ge [sflag:s3], $0x10000  }
0x1a0: {  	s1 =	sadd.s32 $0xFFFFFFFF, s13;
	s0 =	rddreg [dreg:$0x2];
	[sflag:s3] =	ssyncset.done $0x0  }
.LBB2_4:
0x1a1: {  	[sflag:s3] =	ssyncadd.s32 $0xFFFF0000  }
0x1a2: {  	[tilespmem:s2], [sflag:$0x2] =	stream.linear.gather [hbm4b:s0+s2], $0x200, $0x38;
	[tilespmem:$0x11A00] =	vst v63  }
0x1a3: {  	_ =	swait.ge [sflag:s3], $0x200  }
0x1a4: {  	[sflag:s3] =	ssyncset.done $0x0  }
0x1a5: {  	s13 =	rddreg [dreg:$0x3];
	[sflag:s3] =	ssyncadd.s32 $0xFFFFFE00  }
0x1a6: {  	[tilespmem:s31], [sflag:$0x2] =	stream.linear.gather [hbm4b:s13+s2], $0x200, $0x38;
	[tilespmem:$0x11A00] =	vst v63  }
0x1a7: {  	_ =	swait.ge [sflag:s3], $0x200  }
0x1a8: {  	[sflag:s3] =	ssyncset.done $0x0  }
0x1a9: {  	s13 =	rddreg [dreg:$0x4];
	[sflag:s3] =	ssyncadd.s32 $0xFFFFFE00  }
0x1aa: {  	[tilespmem:s30], [sflag:$0x2] =	stream.linear.gather [hbm4b:s13+s2], $0x200, $0x38;
	[tilespmem:$0x11A00] =	vst v63  }
0x1ab: {  	_ =	swait.ge [sflag:s3], $0x200  }
0x1ac: {  	[sflag:s3] =	ssyncset.done $0x0  }
0x1ad: {  	s13 =	rddreg [dreg:$0x5];
	[sflag:s3] =	ssyncadd.s32 $0xFFFFFE00  }
0x1ae: {  	[tilespmem:s29], [sflag:$0x2] =	stream.linear.gather [hbm4b:s13+s2], $0x200, $0x38;
	[tilespmem:$0x11A00] =	vst v63  }
0x1af: {  	_ =	swait.ge [sflag:s3], $0x200  }
0x1b0: {  	[sflag:s3] =	ssyncset.done $0x0  }
0x1b1: {  	s13 =	rddreg [dreg:$0x6];
	[sflag:s3] =	ssyncadd.s32 $0xFFFFFE00  }
0x1b2: {  	[tilespmem:s28], [sflag:$0x2] =	stream.linear.gather [hbm4b:s13+s2], $0x200, $0x38;
	[tilespmem:$0x11A00] =	vst v63  }
0x1b3: {  	_ =	swait.ge [sflag:s3], $0x200  }
0x1b4: {  	[sflag:s3] =	ssyncset.done $0x0  }
0x1b5: {  	s13 =	rddreg [dreg:$0x7];
	[sflag:s3] =	ssyncadd.s32 $0xFFFFFE00  }
0x1b6: {  	[tilespmem:s26], [sflag:$0x2] =	stream.linear.gather [hbm4b:s13+s2], $0x200, $0x38;
	[tilespmem:$0x11A00] =	vst v63  }
0x1b7: {  	_ =	swait.ge [sflag:s3], $0x200  }
0x1b8: {  	[sflag:s3] =	ssyncset.done $0x0  }
0x1b9: {  	s13 =	rddreg [dreg:$0x8];
	[sflag:s3] =	ssyncadd.s32 $0xFFFFFE00  }
0x1ba: {  	[tilespmem:s25], [sflag:$0x2] =	stream.linear.gather [hbm4b:s13+s2], $0x200, $0x38;
	[tilespmem:$0x11A00] =	vst v63  }
0x1bb: {  	_ =	swait.ge [sflag:s3], $0x200  }
0x1bc: {  	[sflag:s3] =	ssyncset.done $0x0  }
0x1bd: {  	s13 =	rddreg [dreg:$0x9];
	[sflag:s3] =	ssyncadd.s32 $0xFFFFFE00  }
0x1be: {  	[tilespmem:s24], [sflag:$0x2] =	stream.linear.gather [hbm4b:s13+s2], $0x200, $0x38;
	[tilespmem:$0x11A00] =	vst v63  }
0x1bf: {  	_ =	swait.ge [sflag:s3], $0x200  }
0x1c0: {  	[sflag:s3] =	ssyncset.done $0x0  }
0x1c1: {  	s13 =	rddreg [dreg:$0xa];
	[sflag:s3] =	ssyncadd.s32 $0xFFFFFE00  }
0x1c2: {  	[tilespmem:s23], [sflag:$0x2] =	stream.linear.gather [hbm4b:s13+s2], $0x200, $0x38;
	[tilespmem:$0x11A00] =	vst v63  }
0x1c3: {  	_ =	swait.ge [sflag:s3], $0x200  }
0x1c4: {  	[sflag:s3] =	ssyncset.done $0x0  }
0x1c5: {  	s13 =	rddreg [dreg:$0xb];
	[sflag:s3] =	ssyncadd.s32 $0xFFFFFE00  }
0x1c6: {  	[tilespmem:s20], [sflag:$0x2] =	stream.linear.gather [hbm4b:s13+s2], $0x200, $0x38;
	[tilespmem:$0x11A00] =	vst v63  }
0x1c7: {  	_ =	swait.ge [sflag:s3], $0x200  }
0x1c8: {  	[sflag:s3] =	ssyncset.done $0x0  }
0x1c9: {  	s13 =	rddreg [dreg:$0xc];
	[sflag:s3] =	ssyncadd.s32 $0xFFFFFE00  }
0x1ca: {  	[tilespmem:s16], [sflag:$0x2] =	stream.linear.gather [hbm4b:s13+s2], $0x200, $0x38;
	[tilespmem:$0x11A00] =	vst v63  }
0x1cb: {  	_ =	swait.ge [sflag:s3], $0x200  }
0x1cc: {  	[sflag:s3] =	ssyncset.done $0x0  }
0x1cd: {  	s13 =	rddreg [dreg:$0xd];
	[sflag:s3] =	ssyncadd.s32 $0xFFFFFE00  }
0x1ce: {  	[tilespmem:s12], [sflag:$0x2] =	stream.linear.gather [hbm4b:s13+s2], $0x200, $0x38;
	[tilespmem:$0x11A00] =	vst v63  }
0x1cf: {  	_ =	swait.ge [sflag:s3], $0x200  }
0x1d0: {  	[sflag:s3] =	ssyncset.done $0x0  }
0x1d1: {  	s13 =	rddreg [dreg:$0xe];
	[sflag:s3] =	ssyncadd.s32 $0xFFFFFE00  }
0x1d2: {  	[tilespmem:s6], [sflag:$0x2] =	stream.linear.gather [hbm4b:s13+s2], $0x200, $0x38;
	[tilespmem:$0x11A00] =	vst v63  }
0x1d3: {  	_ =	swait.ge [sflag:s3], $0x200  }
0x1d4: {  	[sflag:s3] =	ssyncset.done $0x0  }
0x1d5: {  	[sflag:s3] =	ssyncadd.s32 $0xFFFFFE00  }
0x1d6: {  	[tilespmem:s5], [sflag:$0x1] =	stream.indirect.gather [hbm4b:s4+s7], $0x80, s2, s7, $0xb8;
	[tilespmem:$0x11A00] =	vst v63  }
0x1d7: {  	_ = 	snop  }
0x1d8: {  	[tilespmem:s9], [sflag:$0x1] =	stream.indirect.gather [hbm4b:s4+s7], $0x80, s7, s7, $0xb8;
	[tilespmem:$0x11A00] =	vst v63  }
0x1d9: {  	s0 =	rddreg [dreg:$0x1c]  }
0x1da: {  	[tilespmem:s10], [sflag:$0x1] =	stream.indirect.gather [hbm4b:s4+s7], $0x80, s0, s7, $0xb8;
	[tilespmem:$0x11A00] =	vst v63  }
0x1db: {  	s13 =	rddreg [dreg:$0x1d]  }
0x1dc: {  	[tilespmem:s11], [sflag:$0x1] =	stream.indirect.gather [hbm4b:s4+s7], $0x80, s13, s7, $0xb8;
	[tilespmem:$0x11A00] =	vst v63  }
0x1dd: {  	_ =	swait.ge [sflag:s8], $0x4000  }
0x1de: {  	[sflag:s8] =	ssyncset.done $0x0  }
0x1df: {  	[sflag:s8] =	ssyncadd.s32 $0xFFFFC000  }
0x1e0: {  	_ =	swait.ge [sflag:s8], $0x4000  }
0x1e1: {  	[sflag:s8] =	ssyncset.done $0x0  }
0x1e2: {  	[sflag:s8] =	ssyncadd.s32 $0xFFFFC000  }
0x1e3: {  	_ =	swait.ge [sflag:s8], $0x4000  }
0x1e4: {  	[sflag:s8] =	ssyncset.done $0x0  }
0x1e5: {  	[sflag:s8] =	ssyncadd.s32 $0xFFFFC000  }
0x1e6: {  	_ =	swait.ge [sflag:s8], $0x4000  }
0x1e7: {  	[sflag:s8] =	ssyncset.done $0x0  }
0x1e8: {  	s13 =	rddreg [dreg:$0xf];
	[sflag:s8] =	ssyncadd.s32 $0xFFFFC000  }
0x1e9: {  	[hbm4b:s13+s2] =	stream.linear.scatter [tilespmem:s5], [sflag:$0x2], $0x10000, $0x38;
	[tilespmem:$0x11A00] =	vst v63  }
0x1ea: {  	_ =	swait.ge [sflag:s3], $0x10000  }
0x1eb: {  	[sflag:s3] =	ssyncset.done $0x0  }
0x1ec: {  	s0 =	rddreg [dreg:$0x1e];
	[sflag:s3] =	ssyncadd.s32 $0xFFFF0000  }
0x1ed: {  	[tilespmem:s5], [sflag:$0x1] =	stream.indirect.gather [hbm4b:s4+s7], $0x80, s31, s7, $0xb8;
	[tilespmem:$0x11A00] =	vst v63  }
0x1ee: {  	s13 =	rddreg [dreg:$0x1f]  }
0x1ef: {  	[tilespmem:s9], [sflag:$0x1] =	stream.indirect.gather [hbm4b:s4+s7], $0x80, s0, s7, $0xb8;
	[tilespmem:$0x11A00] =	vst v63  }
0x1f0: {  	s0 =	sld [smem:$0x7E4]  }
0x1f1: {  	[tilespmem:s10], [sflag:$0x1] =	stream.indirect.gather [hbm4b:s4+s7], $0x80, s13, s7, $0xb8;
	[tilespmem:$0x11A00] =	vst v63  }
0x1f2: {  	_ = 	snop  }
0x1f3: {  	[tilespmem:s11], [sflag:$0x1] =	stream.indirect.gather [hbm4b:s4+s7], $0x80, s0, s7, $0xb8;
	[tilespmem:$0x11A00] =	vst v63  }
0x1f4: {  	_ =	swait.ge [sflag:s8], $0x4000  }
0x1f5: {  	[sflag:s8] =	ssyncset.done $0x0  }
0x1f6: {  	[sflag:s8] =	ssyncadd.s32 $0xFFFFC000  }
0x1f7: {  	_ =	swait.ge [sflag:s8], $0x4000  }
0x1f8: {  	[sflag:s8] =	ssyncset.done $0x0  }
0x1f9: {  	[sflag:s8] =	ssyncadd.s32 $0xFFFFC000  }
0x1fa: {  	_ =	swait.ge [sflag:s8], $0x4000  }
0x1fb: {  	[sflag:s8] =	ssyncset.done $0x0  }
0x1fc: {  	[sflag:s8] =	ssyncadd.s32 $0xFFFFC000  }
0x1fd: {  	_ =	swait.ge [sflag:s8], $0x4000  }
0x1fe: {  	[sflag:s8] =	ssyncset.done $0x0  }
0x1ff: {  	s13 =	rddreg [dreg:$0x10];
	[sflag:s8] =	ssyncadd.s32 $0xFFFFC000  }
0x200: {  	[hbm4b:s13+s2] =	stream.linear.scatter [tilespmem:s5], [sflag:$0x2], $0x10000, $0x38;
	[tilespmem:$0x11A00] =	vst v63  }
0x201: {  	_ =	swait.ge [sflag:s3], $0x10000  }
0x202: {  	[sflag:s3] =	ssyncset.done $0x0  }
0x203: {  	s0 =	sld [smem:$0x7E5];
	[sflag:s3] =	ssyncadd.s32 $0xFFFF0000  }
0x204: {  	[tilespmem:s5], [sflag:$0x1] =	stream.indirect.gather [hbm4b:s4+s7], $0x80, s30, s7, $0xb8;
	[tilespmem:$0x11A00] =	vst v63  }
0x205: {  	s13 =	sld [smem:$0x7E6]  }
0x206: {  	[tilespmem:s9], [sflag:$0x1] =	stream.indirect.gather [hbm4b:s4+s7], $0x80, s0, s7, $0xb8;
	[tilespmem:$0x11A00] =	vst v63  }
0x207: {  	s0 =	sld [smem:$0x7E7]  }
0x208: {  	[tilespmem:s10], [sflag:$0x1] =	stream.indirect.gather [hbm4b:s4+s7], $0x80, s13, s7, $0xb8;
	[tilespmem:$0x11A00] =	vst v63  }
0x209: {  	_ = 	snop  }
0x20a: {  	[tilespmem:s11], [sflag:$0x1] =	stream.indirect.gather [hbm4b:s4+s7], $0x80, s0, s7, $0xb8;
	[tilespmem:$0x11A00] =	vst v63  }
0x20b: {  	_ =	swait.ge [sflag:s8], $0x4000  }
0x20c: {  	[sflag:s8] =	ssyncset.done $0x0  }
0x20d: {  	[sflag:s8] =	ssyncadd.s32 $0xFFFFC000  }
0x20e: {  	_ =	swait.ge [sflag:s8], $0x4000  }
0x20f: {  	[sflag:s8] =	ssyncset.done $0x0  }
0x210: {  	[sflag:s8] =	ssyncadd.s32 $0xFFFFC000  }
0x211: {  	_ =	swait.ge [sflag:s8], $0x4000  }
0x212: {  	[sflag:s8] =	ssyncset.done $0x0  }
0x213: {  	[sflag:s8] =	ssyncadd.s32 $0xFFFFC000  }
0x214: {  	_ =	swait.ge [sflag:s8], $0x4000  }
0x215: {  	[sflag:s8] =	ssyncset.done $0x0  }
0x216: {  	s13 =	rddreg [dreg:$0x11];
	[sflag:s8] =	ssyncadd.s32 $0xFFFFC000  }
0x217: {  	[hbm4b:s13+s2] =	stream.linear.scatter [tilespmem:s5], [sflag:$0x2], $0x10000, $0x38;
	[tilespmem:$0x11A00] =	vst v63  }
0x218: {  	_ =	swait.ge [sflag:s3], $0x10000  }
0x219: {  	[sflag:s3] =	ssyncset.done $0x0  }
0x21a: {  	s0 =	sld [smem:$0x7E8];
	[sflag:s3] =	ssyncadd.s32 $0xFFFF0000  }
0x21b: {  	[tilespmem:s5], [sflag:$0x1] =	stream.indirect.gather [hbm4b:s4+s7], $0x80, s29, s7, $0xb8;
	[tilespmem:$0x11A00] =	vst v63  }
0x21c: {  	s13 =	sld [smem:$0x7E9]  }
0x21d: {  	[tilespmem:s9], [sflag:$0x1] =	stream.indirect.gather [hbm4b:s4+s7], $0x80, s0, s7, $0xb8;
	[tilespmem:$0x11A00] =	vst v63  }
0x21e: {  	s0 =	sld [smem:$0x7EA]  }
0x21f: {  	[tilespmem:s10], [sflag:$0x1] =	stream.indirect.gather [hbm4b:s4+s7], $0x80, s13, s7, $0xb8;
	[tilespmem:$0x11A00] =	vst v63  }
0x220: {  	_ = 	snop  }
0x221: {  	[tilespmem:s11], [sflag:$0x1] =	stream.indirect.gather [hbm4b:s4+s7], $0x80, s0, s7, $0xb8;
	[tilespmem:$0x11A00] =	vst v63  }
0x222: {  	_ =	swait.ge [sflag:s8], $0x4000  }
0x223: {  	[sflag:s8] =	ssyncset.done $0x0  }
0x224: {  	[sflag:s8] =	ssyncadd.s32 $0xFFFFC000  }
0x225: {  	_ =	swait.ge [sflag:s8], $0x4000  }
0x226: {  	[sflag:s8] =	ssyncset.done $0x0  }
0x227: {  	[sflag:s8] =	ssyncadd.s32 $0xFFFFC000  }
0x228: {  	_ =	swait.ge [sflag:s8], $0x4000  }
0x229: {  	[sflag:s8] =	ssyncset.done $0x0  }
0x22a: {  	[sflag:s8] =	ssyncadd.s32 $0xFFFFC000  }
0x22b: {  	_ =	swait.ge [sflag:s8], $0x4000  }
0x22c: {  	[sflag:s8] =	ssyncset.done $0x0  }
0x22d: {  	s13 =	rddreg [dreg:$0x12];
	[sflag:s8] =	ssyncadd.s32 $0xFFFFC000  }
0x22e: {  	[hbm4b:s13+s2] =	stream.linear.scatter [tilespmem:s5], [sflag:$0x2], $0x10000, $0x38;
	[tilespmem:$0x11A00] =	vst v63  }
0x22f: {  	_ =	swait.ge [sflag:s3], $0x10000  }
0x230: {  	[sflag:s3] =	ssyncset.done $0x0  }
0x231: {  	s0 =	sld [smem:$0x7EB];
	[sflag:s3] =	ssyncadd.s32 $0xFFFF0000  }
0x232: {  	[tilespmem:s5], [sflag:$0x1] =	stream.indirect.gather [hbm4b:s4+s7], $0x80, s28, s7, $0xb8;
	[tilespmem:$0x11A00] =	vst v63  }
0x233: {  	s13 =	sld [smem:$0x7EC]  }
0x234: {  	[tilespmem:s9], [sflag:$0x1] =	stream.indirect.gather [hbm4b:s4+s7], $0x80, s0, s7, $0xb8;
	[tilespmem:$0x11A00] =	vst v63  }
0x235: {  	s0 =	sld [smem:$0x7ED]  }
0x236: {  	[tilespmem:s10], [sflag:$0x1] =	stream.indirect.gather [hbm4b:s4+s7], $0x80, s13, s7, $0xb8;
	[tilespmem:$0x11A00] =	vst v63  }
0x237: {  	_ = 	snop  }
0x238: {  	[tilespmem:s11], [sflag:$0x1] =	stream.indirect.gather [hbm4b:s4+s7], $0x80, s0, s7, $0xb8;
	[tilespmem:$0x11A00] =	vst v63  }
0x239: {  	_ =	swait.ge [sflag:s8], $0x4000  }
0x23a: {  	[sflag:s8] =	ssyncset.done $0x0  }
0x23b: {  	[sflag:s8] =	ssyncadd.s32 $0xFFFFC000  }
0x23c: {  	_ =	swait.ge [sflag:s8], $0x4000  }
0x23d: {  	[sflag:s8] =	ssyncset.done $0x0  }
0x23e: {  	[sflag:s8] =	ssyncadd.s32 $0xFFFFC000  }
0x23f: {  	_ =	swait.ge [sflag:s8], $0x4000  }
0x240: {  	[sflag:s8] =	ssyncset.done $0x0  }
0x241: {  	[sflag:s8] =	ssyncadd.s32 $0xFFFFC000  }
0x242: {  	_ =	swait.ge [sflag:s8], $0x4000  }
0x243: {  	[sflag:s8] =	ssyncset.done $0x0  }
0x244: {  	s13 =	rddreg [dreg:$0x13];
	[sflag:s8] =	ssyncadd.s32 $0xFFFFC000  }
0x245: {  	[hbm4b:s13+s2] =	stream.linear.scatter [tilespmem:s5], [sflag:$0x2], $0x10000, $0x38;
	[tilespmem:$0x11A00] =	vst v63  }
0x246: {  	_ =	swait.ge [sflag:s3], $0x10000  }
0x247: {  	[sflag:s3] =	ssyncset.done $0x0  }
0x248: {  	s0 =	sld [smem:$0x7EE];
	[sflag:s3] =	ssyncadd.s32 $0xFFFF0000  }
0x249: {  	[tilespmem:s5], [sflag:$0x1] =	stream.indirect.gather [hbm4b:s4+s7], $0x80, s26, s7, $0xb8;
	[tilespmem:$0x11A00] =	vst v63  }
0x24a: {  	s13 =	sld [smem:$0x7EF]  }
0x24b: {  	[tilespmem:s9], [sflag:$0x1] =	stream.indirect.gather [hbm4b:s4+s7], $0x80, s0, s7, $0xb8;
	[tilespmem:$0x11A00] =	vst v63  }
0x24c: {  	s0 =	sld [smem:$0x7F0]  }
0x24d: {  	[tilespmem:s10], [sflag:$0x1] =	stream.indirect.gather [hbm4b:s4+s7], $0x80, s13, s7, $0xb8;
	[tilespmem:$0x11A00] =	vst v63  }
0x24e: {  	_ = 	snop  }
0x24f: {  	[tilespmem:s11], [sflag:$0x1] =	stream.indirect.gather [hbm4b:s4+s7], $0x80, s0, s7, $0xb8;
	[tilespmem:$0x11A00] =	vst v63  }
0x250: {  	_ =	swait.ge [sflag:s8], $0x4000  }
0x251: {  	[sflag:s8] =	ssyncset.done $0x0  }
0x252: {  	[sflag:s8] =	ssyncadd.s32 $0xFFFFC000  }
0x253: {  	_ =	swait.ge [sflag:s8], $0x4000  }
0x254: {  	[sflag:s8] =	ssyncset.done $0x0  }
0x255: {  	[sflag:s8] =	ssyncadd.s32 $0xFFFFC000  }
0x256: {  	_ =	swait.ge [sflag:s8], $0x4000  }
0x257: {  	[sflag:s8] =	ssyncset.done $0x0  }
0x258: {  	[sflag:s8] =	ssyncadd.s32 $0xFFFFC000  }
0x259: {  	_ =	swait.ge [sflag:s8], $0x4000  }
0x25a: {  	[sflag:s8] =	ssyncset.done $0x0  }
0x25b: {  	s13 =	rddreg [dreg:$0x14];
	[sflag:s8] =	ssyncadd.s32 $0xFFFFC000  }
0x25c: {  	[hbm4b:s13+s2] =	stream.linear.scatter [tilespmem:s5], [sflag:$0x2], $0x10000, $0x38;
	[tilespmem:$0x11A00] =	vst v63  }
0x25d: {  	_ =	swait.ge [sflag:s3], $0x10000  }
0x25e: {  	[sflag:s3] =	ssyncset.done $0x0  }
0x25f: {  	s0 =	sld [smem:$0x7F1];
	[sflag:s3] =	ssyncadd.s32 $0xFFFF0000  }
0x260: {  	[tilespmem:s5], [sflag:$0x1] =	stream.indirect.gather [hbm4b:s4+s7], $0x80, s25, s7, $0xb8;
	[tilespmem:$0x11A00] =	vst v63  }
0x261: {  	s13 =	sld [smem:$0x7F2]  }
0x262: {  	[tilespmem:s9], [sflag:$0x1] =	stream.indirect.gather [hbm4b:s4+s7], $0x80, s0, s7, $0xb8;
	[tilespmem:$0x11A00] =	vst v63  }
0x263: {  	s0 =	sld [smem:$0x7F3]  }
0x264: {  	[tilespmem:s10], [sflag:$0x1] =	stream.indirect.gather [hbm4b:s4+s7], $0x80, s13, s7, $0xb8;
	[tilespmem:$0x11A00] =	vst v63  }
0x265: {  	_ = 	snop  }
0x266: {  	[tilespmem:s11], [sflag:$0x1] =	stream.indirect.gather [hbm4b:s4+s7], $0x80, s0, s7, $0xb8;
	[tilespmem:$0x11A00] =	vst v63  }
0x267: {  	_ =	swait.ge [sflag:s8], $0x4000  }
0x268: {  	[sflag:s8] =	ssyncset.done $0x0  }
0x269: {  	[sflag:s8] =	ssyncadd.s32 $0xFFFFC000  }
0x26a: {  	_ =	swait.ge [sflag:s8], $0x4000  }
0x26b: {  	[sflag:s8] =	ssyncset.done $0x0  }
0x26c: {  	[sflag:s8] =	ssyncadd.s32 $0xFFFFC000  }
0x26d: {  	_ =	swait.ge [sflag:s8], $0x4000  }
0x26e: {  	[sflag:s8] =	ssyncset.done $0x0  }
0x26f: {  	[sflag:s8] =	ssyncadd.s32 $0xFFFFC000  }
0x270: {  	_ =	swait.ge [sflag:s8], $0x4000  }
0x271: {  	[sflag:s8] =	ssyncset.done $0x0  }
0x272: {  	s13 =	rddreg [dreg:$0x15];
	[sflag:s8] =	ssyncadd.s32 $0xFFFFC000  }
0x273: {  	[hbm4b:s13+s2] =	stream.linear.scatter [tilespmem:s5], [sflag:$0x2], $0x10000, $0x38;
	[tilespmem:$0x11A00] =	vst v63  }
0x274: {  	_ =	swait.ge [sflag:s3], $0x10000  }
0x275: {  	[sflag:s3] =	ssyncset.done $0x0  }
0x276: {  	s0 =	sld [smem:$0x7F4];
	[sflag:s3] =	ssyncadd.s32 $0xFFFF0000  }
0x277: {  	[tilespmem:s5], [sflag:$0x1] =	stream.indirect.gather [hbm4b:s4+s7], $0x80, s24, s7, $0xb8;
	[tilespmem:$0x11A00] =	vst v63  }
0x278: {  	s13 =	sld [smem:$0x7F5]  }
0x279: {  	[tilespmem:s9], [sflag:$0x1] =	stream.indirect.gather [hbm4b:s4+s7], $0x80, s0, s7, $0xb8;
	[tilespmem:$0x11A00] =	vst v63  }
0x27a: {  	s0 =	sld [smem:$0x7F6]  }
0x27b: {  	[tilespmem:s10], [sflag:$0x1] =	stream.indirect.gather [hbm4b:s4+s7], $0x80, s13, s7, $0xb8;
	[tilespmem:$0x11A00] =	vst v63  }
0x27c: {  	_ = 	snop  }
0x27d: {  	[tilespmem:s11], [sflag:$0x1] =	stream.indirect.gather [hbm4b:s4+s7], $0x80, s0, s7, $0xb8;
	[tilespmem:$0x11A00] =	vst v63  }
0x27e: {  	_ =	swait.ge [sflag:s8], $0x4000  }
0x27f: {  	[sflag:s8] =	ssyncset.done $0x0  }
0x280: {  	[sflag:s8] =	ssyncadd.s32 $0xFFFFC000  }
0x281: {  	_ =	swait.ge [sflag:s8], $0x4000  }
0x282: {  	[sflag:s8] =	ssyncset.done $0x0  }
0x283: {  	[sflag:s8] =	ssyncadd.s32 $0xFFFFC000  }
0x284: {  	_ =	swait.ge [sflag:s8], $0x4000  }
0x285: {  	[sflag:s8] =	ssyncset.done $0x0  }
0x286: {  	[sflag:s8] =	ssyncadd.s32 $0xFFFFC000  }
0x287: {  	_ =	swait.ge [sflag:s8], $0x4000  }
0x288: {  	[sflag:s8] =	ssyncset.done $0x0  }
0x289: {  	s13 =	rddreg [dreg:$0x16];
	[sflag:s8] =	ssyncadd.s32 $0xFFFFC000  }
0x28a: {  	[hbm4b:s13+s2] =	stream.linear.scatter [tilespmem:s5], [sflag:$0x2], $0x10000, $0x38;
	[tilespmem:$0x11A00] =	vst v63  }
0x28b: {  	_ =	swait.ge [sflag:s3], $0x10000  }
0x28c: {  	[sflag:s3] =	ssyncset.done $0x0  }
0x28d: {  	s0 =	sld [smem:$0x7F7];
	[sflag:s3] =	ssyncadd.s32 $0xFFFF0000  }
0x28e: {  	[tilespmem:s5], [sflag:$0x1] =	stream.indirect.gather [hbm4b:s4+s7], $0x80, s23, s7, $0xb8;
	[tilespmem:$0x11A00] =	vst v63  }
0x28f: {  	s13 =	sld [smem:$0x7F8]  }
0x290: {  	[tilespmem:s9], [sflag:$0x1] =	stream.indirect.gather [hbm4b:s4+s7], $0x80, s0, s7, $0xb8;
	[tilespmem:$0x11A00] =	vst v63  }
0x291: {  	s0 =	sld [smem:$0x7F9]  }
0x292: {  	[tilespmem:s10], [sflag:$0x1] =	stream.indirect.gather [hbm4b:s4+s7], $0x80, s13, s7, $0xb8;
	[tilespmem:$0x11A00] =	vst v63  }
0x293: {  	_ = 	snop  }
0x294: {  	[tilespmem:s11], [sflag:$0x1] =	stream.indirect.gather [hbm4b:s4+s7], $0x80, s0, s7, $0xb8;
	[tilespmem:$0x11A00] =	vst v63  }
0x295: {  	_ =	swait.ge [sflag:s8], $0x4000  }
0x296: {  	[sflag:s8] =	ssyncset.done $0x0  }
0x297: {  	[sflag:s8] =	ssyncadd.s32 $0xFFFFC000  }
0x298: {  	_ =	swait.ge [sflag:s8], $0x4000  }
0x299: {  	[sflag:s8] =	ssyncset.done $0x0  }
0x29a: {  	[sflag:s8] =	ssyncadd.s32 $0xFFFFC000  }
0x29b: {  	_ =	swait.ge [sflag:s8], $0x4000  }
0x29c: {  	[sflag:s8] =	ssyncset.done $0x0  }
0x29d: {  	[sflag:s8] =	ssyncadd.s32 $0xFFFFC000  }
0x29e: {  	_ =	swait.ge [sflag:s8], $0x4000  }
0x29f: {  	[sflag:s8] =	ssyncset.done $0x0  }
0x2a0: {  	s13 =	rddreg [dreg:$0x17];
	[sflag:s8] =	ssyncadd.s32 $0xFFFFC000  }
0x2a1: {  	[hbm4b:s13+s2] =	stream.linear.scatter [tilespmem:s5], [sflag:$0x2], $0x10000, $0x38;
	[tilespmem:$0x11A00] =	vst v63  }
0x2a2: {  	_ =	swait.ge [sflag:s3], $0x10000  }
0x2a3: {  	[sflag:s3] =	ssyncset.done $0x0  }
0x2a4: {  	s0 =	sld [smem:$0x7FA];
	[sflag:s3] =	ssyncadd.s32 $0xFFFF0000  }
0x2a5: {  	[tilespmem:s5], [sflag:$0x1] =	stream.indirect.gather [hbm4b:s4+s7], $0x80, s20, s7, $0xb8;
	[tilespmem:$0x11A00] =	vst v63  }
0x2a6: {  	s13 =	sld [smem:$0x7FB]  }
0x2a7: {  	[tilespmem:s9], [sflag:$0x1] =	stream.indirect.gather [hbm4b:s4+s7], $0x80, s0, s7, $0xb8;
	[tilespmem:$0x11A00] =	vst v63  }
0x2a8: {  	s0 =	sld [smem:$0x7FC]  }
0x2a9: {  	[tilespmem:s10], [sflag:$0x1] =	stream.indirect.gather [hbm4b:s4+s7], $0x80, s13, s7, $0xb8;
	[tilespmem:$0x11A00] =	vst v63  }
0x2aa: {  	_ = 	snop  }
0x2ab: {  	[tilespmem:s11], [sflag:$0x1] =	stream.indirect.gather [hbm4b:s4+s7], $0x80, s0, s7, $0xb8;
	[tilespmem:$0x11A00] =	vst v63  }
0x2ac: {  	_ =	swait.ge [sflag:s8], $0x4000  }
0x2ad: {  	[sflag:s8] =	ssyncset.done $0x0  }
0x2ae: {  	[sflag:s8] =	ssyncadd.s32 $0xFFFFC000  }
0x2af: {  	_ =	swait.ge [sflag:s8], $0x4000  }
0x2b0: {  	[sflag:s8] =	ssyncset.done $0x0  }
0x2b1: {  	[sflag:s8] =	ssyncadd.s32 $0xFFFFC000  }
0x2b2: {  	_ =	swait.ge [sflag:s8], $0x4000  }
0x2b3: {  	[sflag:s8] =	ssyncset.done $0x0  }
0x2b4: {  	[sflag:s8] =	ssyncadd.s32 $0xFFFFC000  }
0x2b5: {  	_ =	swait.ge [sflag:s8], $0x4000  }
0x2b6: {  	[sflag:s8] =	ssyncset.done $0x0  }
0x2b7: {  	s13 =	rddreg [dreg:$0x18];
	[sflag:s8] =	ssyncadd.s32 $0xFFFFC000  }
0x2b8: {  	[hbm4b:s13+s2] =	stream.linear.scatter [tilespmem:s5], [sflag:$0x2], $0x10000, $0x38;
	[tilespmem:$0x11A00] =	vst v63  }
0x2b9: {  	_ =	swait.ge [sflag:s3], $0x10000  }
0x2ba: {  	[sflag:s3] =	ssyncset.done $0x0  }
0x2bb: {  	s13 =	sld [smem:$0x7FD];
	[sflag:s3] =	ssyncadd.s32 $0xFFFF0000  }
0x2bc: {  	[tilespmem:s5], [sflag:$0x1] =	stream.indirect.gather [hbm4b:s4+s7], $0x80, s16, s7, $0xb8;
	[tilespmem:$0x11A00] =	vst v63  }
0x2bd: {  	_ = 	snop  }
0x2be: {  	[tilespmem:s9], [sflag:$0x1] =	stream.indirect.gather [hbm4b:s4+s7], $0x80, s13, s7, $0xb8;
	[tilespmem:$0x11A00] =	vst v63  }
0x2bf: {  	s13 =	simm.s32 $0x1500  }
0x2c0: {  	[tilespmem:s10], [sflag:$0x1] =	stream.indirect.gather [hbm4b:s4+s7], $0x80, s13, s7, $0xb8;
	[tilespmem:$0x11A00] =	vst v63  }
0x2c1: {  	_ = 	snop  }
0x2c2: {  	[tilespmem:s11], [sflag:$0x1] =	stream.indirect.gather [hbm4b:s4+s7], $0x80, s22, s7, $0xb8;
	[tilespmem:$0x11A00] =	vst v63  }
0x2c3: {  	_ =	swait.ge [sflag:s8], $0x4000  }
0x2c4: {  	[sflag:s8] =	ssyncset.done $0x0  }
0x2c5: {  	[sflag:s8] =	ssyncadd.s32 $0xFFFFC000  }
0x2c6: {  	_ =	swait.ge [sflag:s8], $0x4000  }
0x2c7: {  	[sflag:s8] =	ssyncset.done $0x0  }
0x2c8: {  	[sflag:s8] =	ssyncadd.s32 $0xFFFFC000  }
0x2c9: {  	_ =	swait.ge [sflag:s8], $0x4000  }
0x2ca: {  	[sflag:s8] =	ssyncset.done $0x0  }
0x2cb: {  	[sflag:s8] =	ssyncadd.s32 $0xFFFFC000  }
0x2cc: {  	_ =	swait.ge [sflag:s8], $0x4000  }
0x2cd: {  	[sflag:s8] =	ssyncset.done $0x0  }
0x2ce: {  	s13 =	rddreg [dreg:$0x19];
	[sflag:s8] =	ssyncadd.s32 $0xFFFFC000  }
0x2cf: {  	[hbm4b:s13+s2] =	stream.linear.scatter [tilespmem:s5], [sflag:$0x2], $0x10000, $0x38;
	[tilespmem:$0x11A00] =	vst v63  }
0x2d0: {  	_ =	swait.ge [sflag:s3], $0x10000  }
0x2d1: {  	[sflag:s3] =	ssyncset.done $0x0  }
0x2d2: {  	[sflag:s3] =	ssyncadd.s32 $0xFFFF0000  }
0x2d3: {  	[tilespmem:s5], [sflag:$0x1] =	stream.indirect.gather [hbm4b:s4+s7], $0x80, s12, s7, $0xb8;
	[tilespmem:$0x11A00] =	vst v63  }
0x2d4: {  	_ = 	snop  }
0x2d5: {  	[tilespmem:s9], [sflag:$0x1] =	stream.indirect.gather [hbm4b:s4+s7], $0x80, s18, s7, $0xb8;
	[tilespmem:$0x11A00] =	vst v63  }
0x2d6: {  	_ = 	snop  }
0x2d7: {  	[tilespmem:s10], [sflag:$0x1] =	stream.indirect.gather [hbm4b:s4+s7], $0x80, s19, s7, $0xb8;
	[tilespmem:$0x11A00] =	vst v63  }
0x2d8: {  	_ = 	snop  }
0x2d9: {  	[tilespmem:s11], [sflag:$0x1] =	stream.indirect.gather [hbm4b:s4+s7], $0x80, s21, s7, $0xb8;
	[tilespmem:$0x11A00] =	vst v63  }
0x2da: {  	_ =	swait.ge [sflag:s8], $0x4000  }
0x2db: {  	[sflag:s8] =	ssyncset.done $0x0  }
0x2dc: {  	[sflag:s8] =	ssyncadd.s32 $0xFFFFC000  }
0x2dd: {  	_ =	swait.ge [sflag:s8], $0x4000  }
0x2de: {  	[sflag:s8] =	ssyncset.done $0x0  }
0x2df: {  	[sflag:s8] =	ssyncadd.s32 $0xFFFFC000  }
0x2e0: {  	_ =	swait.ge [sflag:s8], $0x4000  }
0x2e1: {  	[sflag:s8] =	ssyncset.done $0x0  }
0x2e2: {  	[sflag:s8] =	ssyncadd.s32 $0xFFFFC000  }
0x2e3: {  	_ =	swait.ge [sflag:s8], $0x4000  }
0x2e4: {  	[sflag:s8] =	ssyncset.done $0x0  }
0x2e5: {  	s13 =	rddreg [dreg:$0x1a];
	[sflag:s8] =	ssyncadd.s32 $0xFFFFC000  }
0x2e6: {  	[hbm4b:s13+s2] =	stream.linear.scatter [tilespmem:s5], [sflag:$0x2], $0x10000, $0x38;
	[tilespmem:$0x11A00] =	vst v63  }
0x2e7: {  	_ =	swait.ge [sflag:s3], $0x10000  }
0x2e8: {  	[sflag:s3] =	ssyncset.done $0x0  }
0x2e9: {  	[sflag:s3] =	ssyncadd.s32 $0xFFFF0000  }
0x2ea: {  	[tilespmem:s5], [sflag:$0x1] =	stream.indirect.gather [hbm4b:s4+s7], $0x80, s6, s7, $0xb8;
	[tilespmem:$0x11A00] =	vst v63  }
0x2eb: {  	_ = 	snop  }
0x2ec: {  	[tilespmem:s9], [sflag:$0x1] =	stream.indirect.gather [hbm4b:s4+s7], $0x80, s14, s7, $0xb8;
	[tilespmem:$0x11A00] =	vst v63  }
0x2ed: {  	_ = 	snop  }
0x2ee: {  	[tilespmem:s10], [sflag:$0x1] =	stream.indirect.gather [hbm4b:s4+s7], $0x80, s15, s7, $0xb8;
	[tilespmem:$0x11A00] =	vst v63  }
0x2ef: {  	_ = 	snop  }
0x2f0: {  	[tilespmem:s11], [sflag:$0x1] =	stream.indirect.gather [hbm4b:s4+s7], $0x80, s17, s7, $0xb8;
	[tilespmem:$0x11A00] =	vst v63  }
0x2f1: {  	_ =	swait.ge [sflag:s8], $0x4000  }
0x2f2: {  	[sflag:s8] =	ssyncset.done $0x0  }
0x2f3: {  	[sflag:s8] =	ssyncadd.s32 $0xFFFFC000  }
0x2f4: {  	_ =	swait.ge [sflag:s8], $0x4000  }
0x2f5: {  	[sflag:s8] =	ssyncset.done $0x0  }
0x2f6: {  	[sflag:s8] =	ssyncadd.s32 $0xFFFFC000  }
0x2f7: {  	_ =	swait.ge [sflag:s8], $0x4000  }
0x2f8: {  	[sflag:s8] =	ssyncset.done $0x0  }
0x2f9: {  	[sflag:s8] =	ssyncadd.s32 $0xFFFFC000  }
0x2fa: {  	p1 =	sne.s32 s1, $0x1;
	_ =	swait.ge [sflag:s8], $0x4000  }
.Ltmp2:
0x2fb: {  	[sflag:s8] =	ssyncset.done $0x0;
	(pc) =	sbr.rel @p1 .LBB2_4-.Ltmp2, $4  }
0x2fc: {  	s13 =	rddreg [dreg:$0x1b];
	[sflag:s8] =	ssyncadd.s32 $0xFFFFC000  }
0x2fd: {  	[hbm4b:s13+s2] =	stream.linear.scatter [tilespmem:s5], [sflag:$0x2], $0x10000, $0x38;
	[tilespmem:$0x11A00] =	vst v63  }
0x2fe: {  	_ =	swait.ge [sflag:s3], $0x10000  }
0x2ff: {  	s1 =	sadd.s32 $0xFFFFFFFF, s1;
	s0 =	rddreg [dreg:$0x2];
	[sflag:s3] =	ssyncset.done $0x0  }
0x300: {  	s17 =	simm.s32 $0x1580;
	s22 =	simm.s32 $0x1500  }
0x301: {  	s21 =	simm.s32 $0x1780;
	s19 =	simm.s32 $0x1700;
	s18 =	simm.s32 $0x1680  }
0x302: {  	s15 =	simm.s32 $0x1900;
	s14 =	simm.s32 $0x1880;
	s13 =	stileid.u32  }
.LBB2_6:
0x303: {  	[sflag:s3] =	ssyncadd.s32 @p0 $0xFFFF0000  }
0x304: {  	[tilespmem:s2], [sflag:$0x2] =	stream.linear.gather [hbm4b:s0+s2], $0x200, $0x38;
	[tilespmem:$0x11A00] =	vst v63  }
0x305: {  	_ =	swait.ge [sflag:s3], $0x200  }
0x306: {  	[sflag:s3] =	ssyncset.done $0x0  }
0x307: {  	s1 =	rddreg [dreg:$0x3];
	[sflag:s3] =	ssyncadd.s32 $0xFFFFFE00  }
0x308: {  	[tilespmem:s31], [sflag:$0x2] =	stream.linear.gather [hbm4b:s1+s2], $0x200, $0x38;
	[tilespmem:$0x11A00] =	vst v63  }
0x309: {  	_ =	swait.ge [sflag:s3], $0x200  }
0x30a: {  	[sflag:s3] =	ssyncset.done $0x0  }
0x30b: {  	s1 =	rddreg [dreg:$0x4];
	[sflag:s3] =	ssyncadd.s32 $0xFFFFFE00  }
0x30c: {  	[tilespmem:s30], [sflag:$0x2] =	stream.linear.gather [hbm4b:s1+s2], $0x200, $0x38;
	[tilespmem:$0x11A00] =	vst v63  }
0x30d: {  	_ =	swait.ge [sflag:s3], $0x200  }
0x30e: {  	[sflag:s3] =	ssyncset.done $0x0  }
0x30f: {  	s1 =	rddreg [dreg:$0x5];
	[sflag:s3] =	ssyncadd.s32 $0xFFFFFE00  }
0x310: {  	[tilespmem:s29], [sflag:$0x2] =	stream.linear.gather [hbm4b:s1+s2], $0x200, $0x38;
	[tilespmem:$0x11A00] =	vst v63  }
0x311: {  	_ =	swait.ge [sflag:s3], $0x200  }
0x312: {  	[sflag:s3] =	ssyncset.done $0x0  }
0x313: {  	s1 =	rddreg [dreg:$0x6];
	[sflag:s3] =	ssyncadd.s32 $0xFFFFFE00  }
0x314: {  	[tilespmem:s28], [sflag:$0x2] =	stream.linear.gather [hbm4b:s1+s2], $0x200, $0x38;
	[tilespmem:$0x11A00] =	vst v63  }
0x315: {  	_ =	swait.ge [sflag:s3], $0x200  }
0x316: {  	[sflag:s3] =	ssyncset.done $0x0  }
0x317: {  	s1 =	rddreg [dreg:$0x7];
	[sflag:s3] =	ssyncadd.s32 $0xFFFFFE00  }
0x318: {  	[tilespmem:s26], [sflag:$0x2] =	stream.linear.gather [hbm4b:s1+s2], $0x200, $0x38;
	[tilespmem:$0x11A00] =	vst v63  }
0x319: {  	_ =	swait.ge [sflag:s3], $0x200  }
0x31a: {  	[sflag:s3] =	ssyncset.done $0x0  }
0x31b: {  	s1 =	rddreg [dreg:$0x8];
	[sflag:s3] =	ssyncadd.s32 $0xFFFFFE00  }
0x31c: {  	[tilespmem:s25], [sflag:$0x2] =	stream.linear.gather [hbm4b:s1+s2], $0x200, $0x38;
	[tilespmem:$0x11A00] =	vst v63  }
0x31d: {  	_ =	swait.ge [sflag:s3], $0x200  }
0x31e: {  	[sflag:s3] =	ssyncset.done $0x0  }
0x31f: {  	s1 =	rddreg [dreg:$0x9];
	[sflag:s3] =	ssyncadd.s32 $0xFFFFFE00  }
0x320: {  	[tilespmem:s24], [sflag:$0x2] =	stream.linear.gather [hbm4b:s1+s2], $0x200, $0x38;
	[tilespmem:$0x11A00] =	vst v63  }
0x321: {  	_ =	swait.ge [sflag:s3], $0x200  }
0x322: {  	[sflag:s3] =	ssyncset.done $0x0  }
0x323: {  	s1 =	rddreg [dreg:$0xa];
	[sflag:s3] =	ssyncadd.s32 $0xFFFFFE00  }
0x324: {  	[tilespmem:s23], [sflag:$0x2] =	stream.linear.gather [hbm4b:s1+s2], $0x200, $0x38;
	[tilespmem:$0x11A00] =	vst v63  }
0x325: {  	_ =	swait.ge [sflag:s3], $0x200  }
0x326: {  	[sflag:s3] =	ssyncset.done $0x0  }
0x327: {  	s1 =	rddreg [dreg:$0xb];
	[sflag:s3] =	ssyncadd.s32 $0xFFFFFE00  }
0x328: {  	[tilespmem:s20], [sflag:$0x2] =	stream.linear.gather [hbm4b:s1+s2], $0x200, $0x38;
	[tilespmem:$0x11A00] =	vst v63  }
0x329: {  	_ =	swait.ge [sflag:s3], $0x200  }
0x32a: {  	[sflag:s3] =	ssyncset.done $0x0  }
0x32b: {  	s1 =	rddreg [dreg:$0xc];
	[sflag:s3] =	ssyncadd.s32 $0xFFFFFE00  }
0x32c: {  	[tilespmem:s16], [sflag:$0x2] =	stream.linear.gather [hbm4b:s1+s2], $0x200, $0x38;
	[tilespmem:$0x11A00] =	vst v63  }
0x32d: {  	_ =	swait.ge [sflag:s3], $0x200  }
0x32e: {  	[sflag:s3] =	ssyncset.done $0x0  }
0x32f: {  	s1 =	rddreg [dreg:$0xd];
	[sflag:s3] =	ssyncadd.s32 $0xFFFFFE00  }
0x330: {  	[tilespmem:s12], [sflag:$0x2] =	stream.linear.gather [hbm4b:s1+s2], $0x200, $0x38;
	[tilespmem:$0x11A00] =	vst v63  }
0x331: {  	_ =	swait.ge [sflag:s3], $0x200  }
0x332: {  	[sflag:s3] =	ssyncset.done $0x0  }
0x333: {  	s1 =	rddreg [dreg:$0xe];
	[sflag:s3] =	ssyncadd.s32 $0xFFFFFE00  }
0x334: {  	[tilespmem:s6], [sflag:$0x2] =	stream.linear.gather [hbm4b:s1+s2], $0x200, $0x38;
	[tilespmem:$0x11A00] =	vst v63  }
0x335: {  	_ =	swait.ge [sflag:s3], $0x200  }
0x336: {  	[sflag:s3] =	ssyncset.done $0x0  }
0x337: {  	[sflag:s3] =	ssyncadd.s32 $0xFFFFFE00  }
0x338: {  	[tilespmem:s5], [sflag:$0x1] =	stream.indirect.gather [hbm4b:s4+s7], $0x80, s2, s7, $0xb8;
	[tilespmem:$0x11A00] =	vst v63  }
0x339: {  	_ = 	snop  }
0x33a: {  	[tilespmem:s9], [sflag:$0x1] =	stream.indirect.gather [hbm4b:s4+s7], $0x80, s7, s7, $0xb8;
	[tilespmem:$0x11A00] =	vst v63  }
0x33b: {  	s0 =	rddreg [dreg:$0x1c]  }
0x33c: {  	[tilespmem:s10], [sflag:$0x1] =	stream.indirect.gather [hbm4b:s4+s7], $0x80, s0, s7, $0xb8;
	[tilespmem:$0x11A00] =	vst v63  }
0x33d: {  	s1 =	rddreg [dreg:$0x1d]  }
0x33e: {  	[tilespmem:s11], [sflag:$0x1] =	stream.indirect.gather [hbm4b:s4+s7], $0x80, s1, s7, $0xb8;
	[tilespmem:$0x11A00] =	vst v63  }
0x33f: {  	_ =	swait.ge [sflag:s8], $0x4000  }
0x340: {  	[sflag:s8] =	ssyncset.done $0x0  }
0x341: {  	[sflag:s8] =	ssyncadd.s32 $0xFFFFC000  }
0x342: {  	_ =	swait.ge [sflag:s8], $0x4000  }
0x343: {  	[sflag:s8] =	ssyncset.done $0x0  }
0x344: {  	[sflag:s8] =	ssyncadd.s32 $0xFFFFC000  }
0x345: {  	_ =	swait.ge [sflag:s8], $0x4000  }
0x346: {  	[sflag:s8] =	ssyncset.done $0x0  }
0x347: {  	[sflag:s8] =	ssyncadd.s32 $0xFFFFC000  }
0x348: {  	_ =	swait.ge [sflag:s8], $0x4000  }
0x349: {  	[sflag:s8] =	ssyncset.done $0x0  }
0x34a: {  	s1 =	rddreg [dreg:$0xf];
	[sflag:s8] =	ssyncadd.s32 $0xFFFFC000  }
0x34b: {  	[hbm4b:s1+s2] =	stream.linear.scatter [tilespmem:s5], [sflag:$0x2], $0x10000, $0x38;
	[tilespmem:$0x11A00] =	vst v63  }
0x34c: {  	_ =	swait.ge [sflag:s3], $0x10000  }
0x34d: {  	[sflag:s3] =	ssyncset.done $0x0  }
0x34e: {  	s0 =	rddreg [dreg:$0x1e];
	[sflag:s3] =	ssyncadd.s32 $0xFFFF0000  }
0x34f: {  	[tilespmem:s5], [sflag:$0x1] =	stream.indirect.gather [hbm4b:s4+s7], $0x80, s31, s7, $0xb8;
	[tilespmem:$0x11A00] =	vst v63  }
0x350: {  	s1 =	rddreg [dreg:$0x1f]  }
0x351: {  	[tilespmem:s9], [sflag:$0x1] =	stream.indirect.gather [hbm4b:s4+s7], $0x80, s0, s7, $0xb8;
	[tilespmem:$0x11A00] =	vst v63  }
0x352: {  	s31 =	sld [smem:$0x7E4]  }
0x353: {  	[tilespmem:s10], [sflag:$0x1] =	stream.indirect.gather [hbm4b:s4+s7], $0x80, s1, s7, $0xb8;
	[tilespmem:$0x11A00] =	vst v63  }
0x354: {  	_ = 	snop  }
0x355: {  	[tilespmem:s11], [sflag:$0x1] =	stream.indirect.gather [hbm4b:s4+s7], $0x80, s31, s7, $0xb8;
	[tilespmem:$0x11A00] =	vst v63  }
0x356: {  	_ =	swait.ge [sflag:s8], $0x4000  }
0x357: {  	[sflag:s8] =	ssyncset.done $0x0  }
0x358: {  	[sflag:s8] =	ssyncadd.s32 $0xFFFFC000  }
0x359: {  	_ =	swait.ge [sflag:s8], $0x4000  }
0x35a: {  	[sflag:s8] =	ssyncset.done $0x0  }
0x35b: {  	[sflag:s8] =	ssyncadd.s32 $0xFFFFC000  }
0x35c: {  	_ =	swait.ge [sflag:s8], $0x4000  }
0x35d: {  	[sflag:s8] =	ssyncset.done $0x0  }
0x35e: {  	[sflag:s8] =	ssyncadd.s32 $0xFFFFC000  }
0x35f: {  	_ =	swait.ge [sflag:s8], $0x4000  }
0x360: {  	[sflag:s8] =	ssyncset.done $0x0  }
0x361: {  	s31 =	rddreg [dreg:$0x10];
	[sflag:s8] =	ssyncadd.s32 $0xFFFFC000  }
0x362: {  	[hbm4b:s31+s2] =	stream.linear.scatter [tilespmem:s5], [sflag:$0x2], $0x10000, $0x38;
	[tilespmem:$0x11A00] =	vst v63  }
0x363: {  	_ =	swait.ge [sflag:s3], $0x10000  }
0x364: {  	[sflag:s3] =	ssyncset.done $0x0  }
0x365: {  	s1 =	sld [smem:$0x7E5];
	[sflag:s3] =	ssyncadd.s32 $0xFFFF0000  }
0x366: {  	[tilespmem:s5], [sflag:$0x1] =	stream.indirect.gather [hbm4b:s4+s7], $0x80, s30, s7, $0xb8;
	[tilespmem:$0x11A00] =	vst v63  }
0x367: {  	s31 =	sld [smem:$0x7E6]  }
0x368: {  	[tilespmem:s9], [sflag:$0x1] =	stream.indirect.gather [hbm4b:s4+s7], $0x80, s1, s7, $0xb8;
	[tilespmem:$0x11A00] =	vst v63  }
0x369: {  	s30 =	sld [smem:$0x7E7]  }
0x36a: {  	[tilespmem:s10], [sflag:$0x1] =	stream.indirect.gather [hbm4b:s4+s7], $0x80, s31, s7, $0xb8;
	[tilespmem:$0x11A00] =	vst v63  }
0x36b: {  	_ = 	snop  }
0x36c: {  	[tilespmem:s11], [sflag:$0x1] =	stream.indirect.gather [hbm4b:s4+s7], $0x80, s30, s7, $0xb8;
	[tilespmem:$0x11A00] =	vst v63  }
0x36d: {  	_ =	swait.ge [sflag:s8], $0x4000  }
0x36e: {  	[sflag:s8] =	ssyncset.done $0x0  }
0x36f: {  	[sflag:s8] =	ssyncadd.s32 $0xFFFFC000  }
0x370: {  	_ =	swait.ge [sflag:s8], $0x4000  }
0x371: {  	[sflag:s8] =	ssyncset.done $0x0  }
0x372: {  	[sflag:s8] =	ssyncadd.s32 $0xFFFFC000  }
0x373: {  	_ =	swait.ge [sflag:s8], $0x4000  }
0x374: {  	[sflag:s8] =	ssyncset.done $0x0  }
0x375: {  	[sflag:s8] =	ssyncadd.s32 $0xFFFFC000  }
0x376: {  	_ =	swait.ge [sflag:s8], $0x4000  }
0x377: {  	[sflag:s8] =	ssyncset.done $0x0  }
0x378: {  	s31 =	rddreg [dreg:$0x11];
	[sflag:s8] =	ssyncadd.s32 $0xFFFFC000  }
0x379: {  	[hbm4b:s31+s2] =	stream.linear.scatter [tilespmem:s5], [sflag:$0x2], $0x10000, $0x38;
	[tilespmem:$0x11A00] =	vst v63  }
0x37a: {  	_ =	swait.ge [sflag:s3], $0x10000  }
0x37b: {  	[sflag:s3] =	ssyncset.done $0x0  }
0x37c: {  	s1 =	sld [smem:$0x7E8];
	[sflag:s3] =	ssyncadd.s32 $0xFFFF0000  }
0x37d: {  	[tilespmem:s5], [sflag:$0x1] =	stream.indirect.gather [hbm4b:s4+s7], $0x80, s29, s7, $0xb8;
	[tilespmem:$0x11A00] =	vst v63  }
0x37e: {  	s30 =	sld [smem:$0x7E9]  }
0x37f: {  	[tilespmem:s9], [sflag:$0x1] =	stream.indirect.gather [hbm4b:s4+s7], $0x80, s1, s7, $0xb8;
	[tilespmem:$0x11A00] =	vst v63  }
0x380: {  	s31 =	sld [smem:$0x7EA]  }
0x381: {  	[tilespmem:s10], [sflag:$0x1] =	stream.indirect.gather [hbm4b:s4+s7], $0x80, s30, s7, $0xb8;
	[tilespmem:$0x11A00] =	vst v63  }
0x382: {  	_ = 	snop  }
0x383: {  	[tilespmem:s11], [sflag:$0x1] =	stream.indirect.gather [hbm4b:s4+s7], $0x80, s31, s7, $0xb8;
	[tilespmem:$0x11A00] =	vst v63  }
0x384: {  	_ =	swait.ge [sflag:s8], $0x4000  }
0x385: {  	[sflag:s8] =	ssyncset.done $0x0  }
0x386: {  	[sflag:s8] =	ssyncadd.s32 $0xFFFFC000  }
0x387: {  	_ =	swait.ge [sflag:s8], $0x4000  }
0x388: {  	[sflag:s8] =	ssyncset.done $0x0  }
0x389: {  	[sflag:s8] =	ssyncadd.s32 $0xFFFFC000  }
0x38a: {  	_ =	swait.ge [sflag:s8], $0x4000  }
0x38b: {  	[sflag:s8] =	ssyncset.done $0x0  }
0x38c: {  	[sflag:s8] =	ssyncadd.s32 $0xFFFFC000  }
0x38d: {  	_ =	swait.ge [sflag:s8], $0x4000  }
0x38e: {  	[sflag:s8] =	ssyncset.done $0x0  }
0x38f: {  	s1 =	rddreg [dreg:$0x12];
	[sflag:s8] =	ssyncadd.s32 $0xFFFFC000  }
0x390: {  	[hbm4b:s1+s2] =	stream.linear.scatter [tilespmem:s5], [sflag:$0x2], $0x10000, $0x38;
	[tilespmem:$0x11A00] =	vst v63  }
0x391: {  	_ =	swait.ge [sflag:s3], $0x10000  }
0x392: {  	[sflag:s3] =	ssyncset.done $0x0  }
0x393: {  	s29 =	sld [smem:$0x7EB];
	[sflag:s3] =	ssyncadd.s32 $0xFFFF0000  }
0x394: {  	[tilespmem:s5], [sflag:$0x1] =	stream.indirect.gather [hbm4b:s4+s7], $0x80, s28, s7, $0xb8;
	[tilespmem:$0x11A00] =	vst v63  }
0x395: {  	s30 =	sld [smem:$0x7EC]  }
0x396: {  	[tilespmem:s9], [sflag:$0x1] =	stream.indirect.gather [hbm4b:s4+s7], $0x80, s29, s7, $0xb8;
	[tilespmem:$0x11A00] =	vst v63  }
0x397: {  	s31 =	sld [smem:$0x7ED]  }
0x398: {  	[tilespmem:s10], [sflag:$0x1] =	stream.indirect.gather [hbm4b:s4+s7], $0x80, s30, s7, $0xb8;
	[tilespmem:$0x11A00] =	vst v63  }
0x399: {  	_ = 	snop  }
0x39a: {  	[tilespmem:s11], [sflag:$0x1] =	stream.indirect.gather [hbm4b:s4+s7], $0x80, s31, s7, $0xb8;
	[tilespmem:$0x11A00] =	vst v63  }
0x39b: {  	_ =	swait.ge [sflag:s8], $0x4000  }
0x39c: {  	[sflag:s8] =	ssyncset.done $0x0  }
0x39d: {  	[sflag:s8] =	ssyncadd.s32 $0xFFFFC000  }
0x39e: {  	_ =	swait.ge [sflag:s8], $0x4000  }
0x39f: {  	[sflag:s8] =	ssyncset.done $0x0  }
0x3a0: {  	[sflag:s8] =	ssyncadd.s32 $0xFFFFC000  }
0x3a1: {  	_ =	swait.ge [sflag:s8], $0x4000  }
0x3a2: {  	[sflag:s8] =	ssyncset.done $0x0  }
0x3a3: {  	[sflag:s8] =	ssyncadd.s32 $0xFFFFC000  }
0x3a4: {  	_ =	swait.ge [sflag:s8], $0x4000  }
0x3a5: {  	[sflag:s8] =	ssyncset.done $0x0  }
0x3a6: {  	s28 =	rddreg [dreg:$0x13];
	[sflag:s8] =	ssyncadd.s32 $0xFFFFC000  }
0x3a7: {  	[hbm4b:s28+s2] =	stream.linear.scatter [tilespmem:s5], [sflag:$0x2], $0x10000, $0x38;
	[tilespmem:$0x11A00] =	vst v63  }
0x3a8: {  	_ =	swait.ge [sflag:s3], $0x10000  }
0x3a9: {  	[sflag:s3] =	ssyncset.done $0x0  }
0x3aa: {  	s29 =	sld [smem:$0x7EE];
	[sflag:s3] =	ssyncadd.s32 $0xFFFF0000  }
0x3ab: {  	[tilespmem:s5], [sflag:$0x1] =	stream.indirect.gather [hbm4b:s4+s7], $0x80, s26, s7, $0xb8;
	[tilespmem:$0x11A00] =	vst v63  }
0x3ac: {  	s30 =	sld [smem:$0x7EF]  }
0x3ad: {  	[tilespmem:s9], [sflag:$0x1] =	stream.indirect.gather [hbm4b:s4+s7], $0x80, s29, s7, $0xb8;
	[tilespmem:$0x11A00] =	vst v63  }
0x3ae: {  	s31 =	sld [smem:$0x7F0]  }
0x3af: {  	[tilespmem:s10], [sflag:$0x1] =	stream.indirect.gather [hbm4b:s4+s7], $0x80, s30, s7, $0xb8;
	[tilespmem:$0x11A00] =	vst v63  }
0x3b0: {  	_ = 	snop  }
0x3b1: {  	[tilespmem:s11], [sflag:$0x1] =	stream.indirect.gather [hbm4b:s4+s7], $0x80, s31, s7, $0xb8;
	[tilespmem:$0x11A00] =	vst v63  }
0x3b2: {  	_ =	swait.ge [sflag:s8], $0x4000  }
0x3b3: {  	[sflag:s8] =	ssyncset.done $0x0  }
0x3b4: {  	[sflag:s8] =	ssyncadd.s32 $0xFFFFC000  }
0x3b5: {  	_ =	swait.ge [sflag:s8], $0x4000  }
0x3b6: {  	[sflag:s8] =	ssyncset.done $0x0  }
0x3b7: {  	[sflag:s8] =	ssyncadd.s32 $0xFFFFC000  }
0x3b8: {  	_ =	swait.ge [sflag:s8], $0x4000  }
0x3b9: {  	[sflag:s8] =	ssyncset.done $0x0  }
0x3ba: {  	[sflag:s8] =	ssyncadd.s32 $0xFFFFC000  }
0x3bb: {  	_ =	swait.ge [sflag:s8], $0x4000  }
0x3bc: {  	[sflag:s8] =	ssyncset.done $0x0  }
0x3bd: {  	s26 =	rddreg [dreg:$0x14];
	[sflag:s8] =	ssyncadd.s32 $0xFFFFC000  }
0x3be: {  	[hbm4b:s26+s2] =	stream.linear.scatter [tilespmem:s5], [sflag:$0x2], $0x10000, $0x38;
	[tilespmem:$0x11A00] =	vst v63  }
0x3bf: {  	_ =	swait.ge [sflag:s3], $0x10000  }
0x3c0: {  	[sflag:s3] =	ssyncset.done $0x0  }
0x3c1: {  	s28 =	sld [smem:$0x7F1];
	[sflag:s3] =	ssyncadd.s32 $0xFFFF0000  }
0x3c2: {  	[tilespmem:s5], [sflag:$0x1] =	stream.indirect.gather [hbm4b:s4+s7], $0x80, s25, s7, $0xb8;
	[tilespmem:$0x11A00] =	vst v63  }
0x3c3: {  	s29 =	sld [smem:$0x7F2]  }
0x3c4: {  	[tilespmem:s9], [sflag:$0x1] =	stream.indirect.gather [hbm4b:s4+s7], $0x80, s28, s7, $0xb8;
	[tilespmem:$0x11A00] =	vst v63  }
0x3c5: {  	s30 =	sld [smem:$0x7F3]  }
0x3c6: {  	[tilespmem:s10], [sflag:$0x1] =	stream.indirect.gather [hbm4b:s4+s7], $0x80, s29, s7, $0xb8;
	[tilespmem:$0x11A00] =	vst v63  }
0x3c7: {  	_ = 	snop  }
0x3c8: {  	[tilespmem:s11], [sflag:$0x1] =	stream.indirect.gather [hbm4b:s4+s7], $0x80, s30, s7, $0xb8;
	[tilespmem:$0x11A00] =	vst v63  }
0x3c9: {  	_ =	swait.ge [sflag:s8], $0x4000  }
0x3ca: {  	[sflag:s8] =	ssyncset.done $0x0  }
0x3cb: {  	[sflag:s8] =	ssyncadd.s32 $0xFFFFC000  }
0x3cc: {  	_ =	swait.ge [sflag:s8], $0x4000  }
0x3cd: {  	[sflag:s8] =	ssyncset.done $0x0  }
0x3ce: {  	[sflag:s8] =	ssyncadd.s32 $0xFFFFC000  }
0x3cf: {  	_ =	swait.ge [sflag:s8], $0x4000  }
0x3d0: {  	[sflag:s8] =	ssyncset.done $0x0  }
0x3d1: {  	[sflag:s8] =	ssyncadd.s32 $0xFFFFC000  }
0x3d2: {  	_ =	swait.ge [sflag:s8], $0x4000  }
0x3d3: {  	[sflag:s8] =	ssyncset.done $0x0  }
0x3d4: {  	s31 =	rddreg [dreg:$0x15];
	[sflag:s8] =	ssyncadd.s32 $0xFFFFC000  }
0x3d5: {  	[hbm4b:s31+s2] =	stream.linear.scatter [tilespmem:s5], [sflag:$0x2], $0x10000, $0x38;
	[tilespmem:$0x11A00] =	vst v63  }
0x3d6: {  	_ =	swait.ge [sflag:s3], $0x10000  }
0x3d7: {  	[sflag:s3] =	ssyncset.done $0x0  }
0x3d8: {  	s1 =	sld [smem:$0x7F4];
	[sflag:s3] =	ssyncadd.s32 $0xFFFF0000  }
0x3d9: {  	[tilespmem:s5], [sflag:$0x1] =	stream.indirect.gather [hbm4b:s4+s7], $0x80, s24, s7, $0xb8;
	[tilespmem:$0x11A00] =	vst v63  }
0x3da: {  	s24 =	sld [smem:$0x7F5]  }
0x3db: {  	[tilespmem:s9], [sflag:$0x1] =	stream.indirect.gather [hbm4b:s4+s7], $0x80, s1, s7, $0xb8;
	[tilespmem:$0x11A00] =	vst v63  }
0x3dc: {  	s25 =	sld [smem:$0x7F6]  }
0x3dd: {  	[tilespmem:s10], [sflag:$0x1] =	stream.indirect.gather [hbm4b:s4+s7], $0x80, s24, s7, $0xb8;
	[tilespmem:$0x11A00] =	vst v63  }
0x3de: {  	_ = 	snop  }
0x3df: {  	[tilespmem:s11], [sflag:$0x1] =	stream.indirect.gather [hbm4b:s4+s7], $0x80, s25, s7, $0xb8;
	[tilespmem:$0x11A00] =	vst v63  }
0x3e0: {  	_ =	swait.ge [sflag:s8], $0x4000  }
0x3e1: {  	[sflag:s8] =	ssyncset.done $0x0  }
0x3e2: {  	[sflag:s8] =	ssyncadd.s32 $0xFFFFC000  }
0x3e3: {  	_ =	swait.ge [sflag:s8], $0x4000  }
0x3e4: {  	[sflag:s8] =	ssyncset.done $0x0  }
0x3e5: {  	[sflag:s8] =	ssyncadd.s32 $0xFFFFC000  }
0x3e6: {  	_ =	swait.ge [sflag:s8], $0x4000  }
0x3e7: {  	[sflag:s8] =	ssyncset.done $0x0  }
0x3e8: {  	[sflag:s8] =	ssyncadd.s32 $0xFFFFC000  }
0x3e9: {  	_ =	swait.ge [sflag:s8], $0x4000  }
0x3ea: {  	[sflag:s8] =	ssyncset.done $0x0  }
0x3eb: {  	s26 =	rddreg [dreg:$0x16];
	[sflag:s8] =	ssyncadd.s32 $0xFFFFC000  }
0x3ec: {  	[hbm4b:s26+s2] =	stream.linear.scatter [tilespmem:s5], [sflag:$0x2], $0x10000, $0x38;
	[tilespmem:$0x11A00] =	vst v63  }
0x3ed: {  	_ =	swait.ge [sflag:s3], $0x10000  }
0x3ee: {  	[sflag:s3] =	ssyncset.done $0x0  }
0x3ef: {  	s28 =	sld [smem:$0x7F7];
	[sflag:s3] =	ssyncadd.s32 $0xFFFF0000  }
0x3f0: {  	[tilespmem:s5], [sflag:$0x1] =	stream.indirect.gather [hbm4b:s4+s7], $0x80, s23, s7, $0xb8;
	[tilespmem:$0x11A00] =	vst v63  }
0x3f1: {  	s29 =	sld [smem:$0x7F8]  }
0x3f2: {  	[tilespmem:s9], [sflag:$0x1] =	stream.indirect.gather [hbm4b:s4+s7], $0x80, s28, s7, $0xb8;
	[tilespmem:$0x11A00] =	vst v63  }
0x3f3: {  	s30 =	sld [smem:$0x7F9]  }
0x3f4: {  	[tilespmem:s10], [sflag:$0x1] =	stream.indirect.gather [hbm4b:s4+s7], $0x80, s29, s7, $0xb8;
	[tilespmem:$0x11A00] =	vst v63  }
0x3f5: {  	_ = 	snop  }
0x3f6: {  	[tilespmem:s11], [sflag:$0x1] =	stream.indirect.gather [hbm4b:s4+s7], $0x80, s30, s7, $0xb8;
	[tilespmem:$0x11A00] =	vst v63  }
0x3f7: {  	_ =	swait.ge [sflag:s8], $0x4000  }
0x3f8: {  	[sflag:s8] =	ssyncset.done $0x0  }
0x3f9: {  	[sflag:s8] =	ssyncadd.s32 $0xFFFFC000  }
0x3fa: {  	_ =	swait.ge [sflag:s8], $0x4000  }
0x3fb: {  	[sflag:s8] =	ssyncset.done $0x0  }
0x3fc: {  	[sflag:s8] =	ssyncadd.s32 $0xFFFFC000  }
0x3fd: {  	_ =	swait.ge [sflag:s8], $0x4000  }
0x3fe: {  	[sflag:s8] =	ssyncset.done $0x0  }
0x3ff: {  	[sflag:s8] =	ssyncadd.s32 $0xFFFFC000  }
0x400: {  	_ =	swait.ge [sflag:s8], $0x4000  }
0x401: {  	[sflag:s8] =	ssyncset.done $0x0  }
0x402: {  	s31 =	rddreg [dreg:$0x17];
	[sflag:s8] =	ssyncadd.s32 $0xFFFFC000  }
0x403: {  	[hbm4b:s31+s2] =	stream.linear.scatter [tilespmem:s5], [sflag:$0x2], $0x10000, $0x38;
	[tilespmem:$0x11A00] =	vst v63  }
0x404: {  	_ =	swait.ge [sflag:s3], $0x10000  }
0x405: {  	[sflag:s3] =	ssyncset.done $0x0  }
0x406: {  	s1 =	sld [smem:$0x7FA];
	[sflag:s3] =	ssyncadd.s32 $0xFFFF0000  }
0x407: {  	[tilespmem:s5], [sflag:$0x1] =	stream.indirect.gather [hbm4b:s4+s7], $0x80, s20, s7, $0xb8;
	[tilespmem:$0x11A00] =	vst v63  }
0x408: {  	s23 =	sld [smem:$0x7FB]  }
0x409: {  	[tilespmem:s9], [sflag:$0x1] =	stream.indirect.gather [hbm4b:s4+s7], $0x80, s1, s7, $0xb8;
	[tilespmem:$0x11A00] =	vst v63  }
0x40a: {  	s24 =	sld [smem:$0x7FC]  }
0x40b: {  	[tilespmem:s10], [sflag:$0x1] =	stream.indirect.gather [hbm4b:s4+s7], $0x80, s23, s7, $0xb8;
	[tilespmem:$0x11A00] =	vst v63  }
0x40c: {  	_ = 	snop  }
0x40d: {  	[tilespmem:s11], [sflag:$0x1] =	stream.indirect.gather [hbm4b:s4+s7], $0x80, s24, s7, $0xb8;
	[tilespmem:$0x11A00] =	vst v63  }
0x40e: {  	_ =	swait.ge [sflag:s8], $0x4000  }
0x40f: {  	[sflag:s8] =	ssyncset.done $0x0  }
0x410: {  	[sflag:s8] =	ssyncadd.s32 $0xFFFFC000  }
0x411: {  	_ =	swait.ge [sflag:s8], $0x4000  }
0x412: {  	[sflag:s8] =	ssyncset.done $0x0  }
0x413: {  	[sflag:s8] =	ssyncadd.s32 $0xFFFFC000  }
0x414: {  	_ =	swait.ge [sflag:s8], $0x4000  }
0x415: {  	[sflag:s8] =	ssyncset.done $0x0  }
0x416: {  	[sflag:s8] =	ssyncadd.s32 $0xFFFFC000  }
0x417: {  	_ =	swait.ge [sflag:s8], $0x4000  }
0x418: {  	[sflag:s8] =	ssyncset.done $0x0  }
0x419: {  	s25 =	rddreg [dreg:$0x18];
	[sflag:s8] =	ssyncadd.s32 $0xFFFFC000  }
0x41a: {  	[hbm4b:s25+s2] =	stream.linear.scatter [tilespmem:s5], [sflag:$0x2], $0x10000, $0x38;
	[tilespmem:$0x11A00] =	vst v63  }
0x41b: {  	_ =	swait.ge [sflag:s3], $0x10000  }
0x41c: {  	[sflag:s3] =	ssyncset.done $0x0  }
0x41d: {  	s26 =	sld [smem:$0x7FD];
	[sflag:s3] =	ssyncadd.s32 $0xFFFF0000  }
0x41e: {  	[tilespmem:s5], [sflag:$0x1] =	stream.indirect.gather [hbm4b:s4+s7], $0x80, s16, s7, $0xb8;
	[tilespmem:$0x11A00] =	vst v63  }
0x41f: {  	_ = 	snop  }
0x420: {  	[tilespmem:s9], [sflag:$0x1] =	stream.indirect.gather [hbm4b:s4+s7], $0x80, s26, s7, $0xb8;
	[tilespmem:$0x11A00] =	vst v63  }
0x421: {  	_ = 	snop  }
0x422: {  	[tilespmem:s10], [sflag:$0x1] =	stream.indirect.gather [hbm4b:s4+s7], $0x80, s22, s7, $0xb8;
	[tilespmem:$0x11A00] =	vst v63  }
0x423: {  	_ = 	snop  }
0x424: {  	[tilespmem:s11], [sflag:$0x1] =	stream.indirect.gather [hbm4b:s4+s7], $0x80, s17, s7, $0xb8;
	[tilespmem:$0x11A00] =	vst v63  }
0x425: {  	_ =	swait.ge [sflag:s8], $0x4000  }
0x426: {  	[sflag:s8] =	ssyncset.done $0x0  }
0x427: {  	[sflag:s8] =	ssyncadd.s32 $0xFFFFC000  }
0x428: {  	_ =	swait.ge [sflag:s8], $0x4000  }
0x429: {  	[sflag:s8] =	ssyncset.done $0x0  }
0x42a: {  	[sflag:s8] =	ssyncadd.s32 $0xFFFFC000  }
0x42b: {  	_ =	swait.ge [sflag:s8], $0x4000  }
0x42c: {  	[sflag:s8] =	ssyncset.done $0x0  }
0x42d: {  	[sflag:s8] =	ssyncadd.s32 $0xFFFFC000  }
0x42e: {  	_ =	swait.ge [sflag:s8], $0x4000  }
0x42f: {  	[sflag:s8] =	ssyncset.done $0x0  }
0x430: {  	s28 =	rddreg [dreg:$0x19];
	[sflag:s8] =	ssyncadd.s32 $0xFFFFC000  }
0x431: {  	[hbm4b:s28+s2] =	stream.linear.scatter [tilespmem:s5], [sflag:$0x2], $0x10000, $0x38;
	[tilespmem:$0x11A00] =	vst v63  }
0x432: {  	_ =	swait.ge [sflag:s3], $0x10000  }
0x433: {  	[sflag:s3] =	ssyncset.done $0x0  }
0x434: {  	[sflag:s3] =	ssyncadd.s32 $0xFFFF0000  }
0x435: {  	[tilespmem:s5], [sflag:$0x1] =	stream.indirect.gather [hbm4b:s4+s7], $0x80, s12, s7, $0xb8;
	[tilespmem:$0x11A00] =	vst v63  }
0x436: {  	_ = 	snop  }
0x437: {  	[tilespmem:s9], [sflag:$0x1] =	stream.indirect.gather [hbm4b:s4+s7], $0x80, s18, s7, $0xb8;
	[tilespmem:$0x11A00] =	vst v63  }
0x438: {  	_ = 	snop  }
0x439: {  	[tilespmem:s10], [sflag:$0x1] =	stream.indirect.gather [hbm4b:s4+s7], $0x80, s19, s7, $0xb8;
	[tilespmem:$0x11A00] =	vst v63  }
0x43a: {  	_ = 	snop  }
0x43b: {  	[tilespmem:s11], [sflag:$0x1] =	stream.indirect.gather [hbm4b:s4+s7], $0x80, s21, s7, $0xb8;
	[tilespmem:$0x11A00] =	vst v63  }
0x43c: {  	_ =	swait.ge [sflag:s8], $0x4000  }
0x43d: {  	[sflag:s8] =	ssyncset.done $0x0  }
0x43e: {  	[sflag:s8] =	ssyncadd.s32 $0xFFFFC000  }
0x43f: {  	_ =	swait.ge [sflag:s8], $0x4000  }
0x440: {  	[sflag:s8] =	ssyncset.done $0x0  }
0x441: {  	[sflag:s8] =	ssyncadd.s32 $0xFFFFC000  }
0x442: {  	_ =	swait.ge [sflag:s8], $0x4000  }
0x443: {  	[sflag:s8] =	ssyncset.done $0x0  }
0x444: {  	[sflag:s8] =	ssyncadd.s32 $0xFFFFC000  }
0x445: {  	_ =	swait.ge [sflag:s8], $0x4000  }
0x446: {  	[sflag:s8] =	ssyncset.done $0x0  }
0x447: {  	s29 =	rddreg [dreg:$0x1a];
	[sflag:s8] =	ssyncadd.s32 $0xFFFFC000  }
0x448: {  	[hbm4b:s29+s2] =	stream.linear.scatter [tilespmem:s5], [sflag:$0x2], $0x10000, $0x38;
	[tilespmem:$0x11A00] =	vst v63  }
0x449: {  	_ =	swait.ge [sflag:s3], $0x10000  }
0x44a: {  	[sflag:s3] =	ssyncset.done $0x0  }
0x44b: {  	[sflag:s3] =	ssyncadd.s32 $0xFFFF0000  }
0x44c: {  	[tilespmem:s5], [sflag:$0x1] =	stream.indirect.gather [hbm4b:s4+s7], $0x80, s6, s7, $0xb8;
	[tilespmem:$0x11A00] =	vst v63  }
0x44d: {  	_ = 	snop  }
0x44e: {  	[tilespmem:s9], [sflag:$0x1] =	stream.indirect.gather [hbm4b:s4+s7], $0x80, s14, s7, $0xb8;
	[tilespmem:$0x11A00] =	vst v63  }
0x44f: {  	_ = 	snop  }
0x450: {  	[tilespmem:s10], [sflag:$0x1] =	stream.indirect.gather [hbm4b:s4+s7], $0x80, s15, s7, $0xb8;
	[tilespmem:$0x11A00] =	vst v63  }
0x451: {  	s30 =	simm.s32 $0x1980  }
0x452: {  	[tilespmem:s11], [sflag:$0x1] =	stream.indirect.gather [hbm4b:s4+s7], $0x80, s30, s7, $0xb8;
	[tilespmem:$0x11A00] =	vst v63  }
0x453: {  	_ =	swait.ge [sflag:s8], $0x4000  }
0x454: {  	[sflag:s8] =	ssyncset.done $0x0  }
0x455: {  	[sflag:s8] =	ssyncadd.s32 $0xFFFFC000  }
0x456: {  	_ =	swait.ge [sflag:s8], $0x4000  }
0x457: {  	[sflag:s8] =	ssyncset.done $0x0  }
0x458: {  	[sflag:s8] =	ssyncadd.s32 $0xFFFFC000  }
0x459: {  	_ =	swait.ge [sflag:s8], $0x4000  }
0x45a: {  	[sflag:s8] =	ssyncset.done $0x0  }
0x45b: {  	[sflag:s8] =	ssyncadd.s32 $0xFFFFC000  }
0x45c: {  	_ =	swait.ge [sflag:s8], $0x4000  }
0x45d: {  	[sflag:s8] =	ssyncset.done $0x0  }
0x45e: {  	s31 =	rddreg [dreg:$0x1b];
	[sflag:s8] =	ssyncadd.s32 $0xFFFFC000  }
0x45f: {  	[hbm4b:s31+s2] =	stream.linear.scatter [tilespmem:s5], [sflag:$0x2], $0x10000, $0x38;
	[tilespmem:$0x11A00] =	vst v63  }
0x460: {  	_ =	swait.ge [sflag:s3], $0x10000  }
0x461: {  	[sflag:s3] =	ssyncset.done $0x0  }
0x462: {  	[sflag:s3] =	ssyncadd.s32 $0xFFFF0000  }
0x463: {  	_ =	sfence.sel $0x180000  }
0x464: {  	[bflag:$0x0] =	sbarrier.arrive $0xFFFF  }
0x465: {  	_ =	strace $0x90000047  }
0x466: {  	[bflag:$0x2] =	sbarrier.arrive $0xFFFF  }
0x467: {  	p0 =	sne.s32 s13, $0x0;
	s0 =	rddreg [dreg:$0x1]  }
0x468: {  	s0 =	sadd.s32 @!p0 $0x100000, s0  }
0x469: {  	[sflag:s0] =	ssyncadd.tile.s32 @!p0 $0x1;
	_ =	shalt  }
.LBB2_1:
.Ltmp3:
0x46a: {  	(pc) =	sbr.rel .LBB2_6-.Ltmp3, $4  }
0x46b: {  	_ = 	snop  }
0x46c: {  	s17 =	simm.s32 $0x1580  }
0x46d: {  	s22 =	simm.s32 $0x1500;
	s21 =	simm.s32 $0x1780;
	s19 =	simm.s32 $0x1700  }
0x46e: {  	s18 =	simm.s32 $0x1680;
	s15 =	simm.s32 $0x1900;
	s14 =	simm.s32 $0x1880  }
.LBB2_3:
.Ltmp4:
0x46f: {  	(pc) =	sbr.rel .LBB2_6-.Ltmp4, $4  }
0x470: {  	_ = 	snop  }
0x471: {  	s17 =	simm.s32 $0x1580;
	s22 =	simm.s32 $0x1500  }
0x472: {  	s21 =	simm.s32 $0x1780;
	s19 =	simm.s32 $0x1700;
	s18 =	simm.s32 $0x1680  }
0x473: {  	s15 =	simm.s32 $0x1900;
	s14 =	simm.s32 $0x1880;
	s13 =	stileid.u32  }
.Lfunc_end2:
_tile_overlayer_lowered:
.L_overlay_start_2:
0x474: {  	(tag) =	ssettag $0x2  }
0x475: {  	s0 =	rddreg [dreg:$0x0];
	s2 =	stileid.u32  }
0x476: {  	s1 =	rddreg [dreg:$0x1];
	p0 =	sne.s32 s2, $0x0  }
0x477: {  	s3 =	rddreg [dreg:$0x2];
	[bflag:$0x3] =	sbarrier.arrive $0xFFFF;
	s2 =	simm.s32 @!p0 $0x1C02  }
0x478: {  	[timem:s3], [sflag:s2] =	dma.local @!p0 [hbm:s0], s1  }
0x479: {  	s0 =	simm.s32 @!p0 $0x2  }
0x47a: {  	_ =	swait.ge @!p0 [sflag:s0], s1  }
0x47b: {  	s1 =	ssub.s32 @!p0 $0x0, s1;
	[sflag:s0] =	ssyncset.done @!p0 $0x0  }
0x47c: {  	[sflag:s0] =	ssyncadd.s32 @!p0 s1  }
0x47d: {  	[bflag:$0x3] =	sbarrier.arrive $0xFFFF  }
0x47e: {  	_ =	shalt  }

</sc_bundles>
